<compile_context>
chip_gen: v7x
topology: tpu7x:2x2x1
jax: 0.10.2.dev20260603
libtpu: 0.0.44.dev20260713+nightly
codegen_flags: <defaults>
</compile_context>

<pallas_src>
import functools

import jax
import jax.numpy as jnp
from jax import lax
from jax.experimental import pallas as pl
from jax.experimental.pallas import tpu as pltpu
from jax.experimental.pallas import tpu_sc as plsc

LANES = 16


def _build_seq_call(B, L, SD, NC, NS):
    NW = NC * NS
    BPW = B // NW
    BC = 8
    NCH = BPW // BC
    mesh = plsc.VectorSubcoreMesh(core_axis_name="c", subcore_axis_name="s")

    @functools.partial(
        pl.kernel,
        out_type=jax.ShapeDtypeStruct((B // 2, 2 * SD), jnp.float32),
        mesh=mesh,
        compiler_params=pltpu.CompilerParams(use_tc_tiling_on_sc=False),
        scratch_types=[
            pltpu.VMEM((BPW * L,), jnp.int32),
            pltpu.VMEM((BC * L, SD), jnp.float32),
            pltpu.VMEM((BC * L, SD), jnp.float32),
            pltpu.VMEM((BPW // 2, 2 * SD), jnp.float32),
            pltpu.SemaphoreType.DMA,
            pltpu.SemaphoreType.DMA,
        ],
    )
    def run(seq_idx_h, stab_h, mn_h, si_v, sr0, sr1, mn_v, sem0, sem1):
        w = lax.axis_index("s") * NC + lax.axis_index("c")
        base = w * BPW
        pltpu.sync_copy(seq_idx_h.at[pl.ds(base * L, BPW * L)], si_v)
        srs = (sr0, sr1)
        sems = (sem0, sem1)

        def start_g(i, p):
            pltpu.async_copy(
                stab_h.at[si_v.at[pl.ds(i * BC * L, BC * L)]],
                srs[p], sems[p])

        def wait_g(i, p):
            pltpu.make_async_copy(
                stab_h.at[si_v.at[pl.ds(i * BC * L, BC * L)]],
                srs[p], sems[p]).wait()

        def accumulate(i, p):
            sr_v = srs[p]

            def row(r, carry2):
                def acc_step(l, accs):
                    q = r * L + 2 * l
                    partial = tuple(
                        accs[j] + sr_v[q, pl.ds(j * LANES, LANES)]
                        for j in range(SD // LANES)
                    )
                    return tuple(
                        partial[j] + sr_v[q + 1, pl.ds(j * LANES, LANES)]
                        for j in range(SD // LANES)
                    )
                zeros = tuple(jnp.zeros((LANES,), jnp.float32)
                              for _ in range(SD // LANES))
                accs = lax.fori_loop(0, L // 2, acc_step, zeros)
                li = i * BC + r
                half = (li % 2) * SD
                for j in range(SD // LANES):
                    mn_v[li // 2, pl.ds(half + j * LANES, LANES)] = (
                        accs[j] * (1.0 / L))
                return carry2

            lax.fori_loop(0, BC, row, 0)

        start_g(0, 0)

        def body(j2, carry):
            i = 2 * j2
            start_g(i + 1, 1)
            wait_g(i, 0)
            accumulate(i, 0)

            @pl.when(j2 < NCH // 2 - 1)
            def _():
                start_g(i + 2, 0)

            wait_g(i + 1, 1)
            accumulate(i + 1, 1)
            return carry

        lax.fori_loop(0, NCH // 2, body, 0)
        pltpu.sync_copy(mn_v, mn_h.at[pl.ds(base // 2, BPW // 2)])

    return run


def _build_cat_call(B, F, V, D, SD, NC, NS):
    NW = NC * NS
    BPW = B // NW
    BC = 8
    NCH = BPW // BC
    OW = F * D + SD
    NT = OW // 128
    mesh = plsc.VectorSubcoreMesh(core_axis_name="c", subcore_axis_name="s")

    @functools.partial(
        pl.kernel,
        out_type=jax.ShapeDtypeStruct((B // BC, NT, BC, 128), jnp.float32),
        mesh=mesh,
        compiler_params=pltpu.CompilerParams(use_tc_tiling_on_sc=False),
        scratch_types=[
            pltpu.VMEM((BPW * F,), jnp.int32),
            pltpu.VMEM((BPW // 2, 2 * SD), jnp.float32),
            pltpu.VMEM((BC * F, D), jnp.float32),
            pltpu.VMEM((BC * F, D), jnp.float32),
            pltpu.VMEM((NT, BC, 128), jnp.float32),
            pltpu.SemaphoreType.DMA,
            pltpu.SemaphoreType.DMA,
        ],
    )
    def run(cat_idx_h, ctab_h, mn_h, out_h,
            gi_v, mn_v, cr0, cr1, row_v, sem0, sem1):
        w = lax.axis_index("s") * NC + lax.axis_index("c")
        base = w * BPW
        pltpu.sync_copy(cat_idx_h.at[pl.ds(base * F, BPW * F)], gi_v)
        pltpu.sync_copy(mn_h.at[pl.ds(base // 2, BPW // 2)], mn_v)
        crs = (cr0, cr1)
        sems = (sem0, sem1)

        def start_g(i, p):
            pltpu.async_copy(
                ctab_h.at[gi_v.at[pl.ds(i * BC * F, BC * F)]],
                crs[p], sems[p])

        def wait_g(i, p):
            pltpu.make_async_copy(
                ctab_h.at[gi_v.at[pl.ds(i * BC * F, BC * F)]],
                crs[p], sems[p]).wait()

        def compute_and_store(i, p):
            cr_v = crs[p]

            def row(r, carry2):
                for f in range(F):
                    pf = r * F + f
                    for j in range(D // LANES):
                        col = f * D + j * LANES
                        row_v[col // 128, r, pl.ds(col % 128, LANES)] = (
                            cr_v[pf, pl.ds(j * LANES, LANES)])
                li = i * BC + r
                half = (li % 2) * SD
                for j in range(SD // LANES):
                    col = F * D + j * LANES
                    row_v[col // 128, r, pl.ds(col % 128, LANES)] = (
                        mn_v[li // 2, pl.ds(half + j * LANES, LANES)])
                return carry2

            lax.fori_loop(0, BC, row, 0)
            pltpu.sync_copy(row_v, out_h.at[base // BC + i])

        start_g(0, 0)

        def body(j2, carry):
            i = 2 * j2
            start_g(i + 1, 1)
            wait_g(i, 0)
            compute_and_store(i, 0)

            @pl.when(j2 < NCH // 2 - 1)
            def _():
                start_g(i + 2, 0)

            wait_g(i + 1, 1)
            compute_and_store(i + 1, 1)
            return carry

        lax.fori_loop(0, NCH // 2, body, 0)

    return run


def kernel(cat_idx, seq_ids, cat_tables, seq_table):
    B, F = cat_idx.shape
    L = seq_ids.shape[1]
    _, V, D = cat_tables.shape
    SD = seq_table.shape[1]
    info = plsc.get_sparse_core_info()
    NC, NS = info.num_cores, info.num_subcores

    flat_tables = cat_tables.reshape(F * V, D)
    cat_flat = (cat_idx.astype(jnp.int32)
                + (jnp.arange(F, dtype=jnp.int32) * V)[None, :]).reshape(B * F)
    seq_flat = seq_ids.astype(jnp.int32).reshape(B * L)

    seq_run = _build_seq_call(B, L, SD, NC, NS)
    means = seq_run(seq_flat, seq_table)
    cat_run = _build_cat_call(B, F, V, D, SD, NC, NS)
    out4 = cat_run(cat_flat, flat_tables, means)
    return out4.transpose(0, 2, 1, 3).reshape(B, F * D + SD)

# --- scband reference (transcript-rebuilt; emitter-appended) ---
"""Pipeline reference for scband-user-encoder-39444979646616 (READ-ONLY COPY).

The authoritative reference and input builder live on the scoring server;
editing this copy changes nothing except your own understanding.
"""

import jax, jax.numpy as jnp
import numpy as np

B = 16384   # batch
F = 26      # n categorical fields
V = 100000  # vocab per field (and for sequence ids)
D = 32      # emb_dim per categorical field
L = 50      # history length for seq encoder
SD = 64     # seq_enc.embedding_size


def setup_inputs(seed: int = 0) -> dict:
    key = jax.random.key(seed)
    k1, k2, k3, k4 = jax.random.split(key, 4)
    cat_idx = jax.random.randint(k1, (B, F), 0, V, dtype=jnp.int64 if jax.config.jax_enable_x64 else jnp.int32)
    seq_ids = jax.random.randint(k2, (B, L), 0, V, dtype=jnp.int64 if jax.config.jax_enable_x64 else jnp.int32)
    # learned parameters: one embedding table per categorical field (stacked),
    # padding_idx=0 -> row 0 initialized to zeros, plus sequence-id embedding table
    cat_tables = jax.random.normal(k3, (F, V, D), dtype=jnp.float32) * 0.02
    cat_tables = cat_tables.at[:, 0, :].set(0.0)
    seq_table = jax.random.normal(k4, (V, SD), dtype=jnp.float32) * 0.02
    return {"cat_idx": cat_idx, "seq_ids": seq_ids,
            "cat_tables": cat_tables, "seq_table": seq_table}


def reference(cat_idx, seq_ids, cat_tables, seq_table):
    # const_feats = [emb_f(x.payload[f]) for f in fields]   (nn.Embedding, padding_idx=0)
    nf = cat_tables.shape[0]
    gathered = cat_tables[jnp.arange(nf)[None, :], cat_idx]          # [B, F, D]
    pad_mask = (cat_idx != 0).astype(gathered.dtype)[..., None]      # padding_idx=0 -> zero row
    gathered = gathered * pad_mask
    const_feats = gathered.reshape(cat_idx.shape[0], -1)             # [B, F*D]
    # seq_feats = self.seq_enc(x): id-embedding lookup + mean pooling over history
    seq_emb = jnp.take(seq_table, seq_ids, axis=0)                   # [B, L, SD]
    seq_feats = jnp.mean(seq_emb, axis=1)                            # [B, SD]
    # x = torch.cat(const_feats + [seq_feats], dim=1)
    return jnp.concatenate([const_feats, seq_feats], axis=1)         # [B, F*D + SD] = [16384, 896]

if __name__ == "__main__":
    import jax
    _d = setup_inputs()
    print(jax.jit(kernel)(*tuple(_d.values())))

</pallas_src>

<mosaic_0001>
#map = affine_map<(d0, d1) -> (0)>
#map1 = affine_map<(d0, d1) -> (0, 0)>
module attributes {stable_mosaic.version = 14 : i64} {
  func.func @run(%arg0: i32, %arg1: i32, %arg2: memref<819200xi32, #tpu.memory_space<hbm>>, %arg3: memref<100000x64xf32, #tpu.memory_space<hbm>>, %arg4: memref<8192x128xf32, #tpu.memory_space<hbm>>, %arg5: memref<25600xi32, #tpu.memory_space<vmem>>, %arg6: memref<400x64xf32, #tpu.memory_space<vmem>>, %arg7: memref<400x64xf32, #tpu.memory_space<vmem>>, %arg8: memref<256x128xf32, #tpu.memory_space<vmem>>, %arg9: memref<!tpu.dma_semaphore, #tpu.memory_space<semaphore_mem>>, %arg10: memref<!tpu.dma_semaphore, #tpu.memory_space<semaphore_mem>>) attributes {dimension_semantics = [#tpu.dimension_semantics<core_parallel>, #tpu.dimension_semantics<subcore_parallel>], iteration_bounds = array<i64: 2, 16>, scalar_prefetch = 0 : i64, scratch_operands = 6 : i64, tpu.core_type = #tpu.core_type<sc_vector_subcore>, window_params = [{transform_indices = #map}, {transform_indices = #map1}, {transform_indices = #map1}]} {
    %mul3A = arith.constant 2 : i32
    %mul3A_0 = arith.muli %arg1, %mul3A : i32
    %add3A = arith.addi %mul3A_0, %arg0 : i32
    %mul3A_1 = arith.constant 512 : i32
    %mul3A_2 = arith.muli %add3A, %mul3A_1 : i32
    %mul3A_3 = arith.constant 50 : i32
    %mul3A_4 = arith.muli %mul3A_2, %mul3A_3 : i32
    "tpu.region"() ({
      %run_scoped3A = tpu.sem_alloc : memref<!tpu.dma_semaphore, #tpu.memory_space<semaphore_mem>>
      %dma_start3A_30 = tpu.memref_slice %arg2[%mul3A_4] : memref<819200xi32, #tpu.memory_space<hbm>> -> memref<25600xi32, #tpu.memory_space<hbm>>
      %dma_start3A_31 = tpu.memref_slice %arg2[%mul3A_4] : memref<819200xi32, #tpu.memory_space<hbm>> -> memref<25600xi32, #tpu.memory_space<hbm>>
      tpu.enqueue_dma source(%dma_start3A_31 : memref<25600xi32, #tpu.memory_space<hbm>>) target(%arg5 : memref<25600xi32, #tpu.memory_space<vmem>>) target_semaphore(%run_scoped3A : memref<!tpu.dma_semaphore, #tpu.memory_space<semaphore_mem>>)
      %dma_wait3A = tpu.memref_slice %arg2[%mul3A_4] : memref<819200xi32, #tpu.memory_space<hbm>> -> memref<25600xi32, #tpu.memory_space<hbm>>
      %dma_wait3A_32 = tpu.memref_slice %arg2[%mul3A_4] : memref<819200xi32, #tpu.memory_space<hbm>> -> memref<25600xi32, #tpu.memory_space<hbm>>
      tpu.wait_dma2 semaphore(%run_scoped3A : memref<!tpu.dma_semaphore, #tpu.memory_space<semaphore_mem>>) src(%dma_wait3A_32 : memref<25600xi32, #tpu.memory_space<hbm>>) dst(%arg5 : memref<25600xi32, #tpu.memory_space<vmem>>)
      tpu.yield
    }) : () -> ()
    %dma_start3A = arith.constant 0 : i32
    %dma_start3A_5 = tpu.memref_slice %arg5[%dma_start3A] : memref<25600xi32, #tpu.memory_space<vmem>> -> memref<400xi32, #tpu.memory_space<vmem>>
    %dma_start3A_6 = arith.constant 0 : i32
    %dma_start3A_7 = arith.constant 0 : i32
    %dma_start3A_8 = tpu.memref_slice %arg3[%dma_start3A_6, %dma_start3A_7] : memref<100000x64xf32, #tpu.memory_space<hbm>> -> memref<100000x64xf32, #tpu.memory_space<hbm>>
    tpu.enqueue_indirect_dma source(%dma_start3A_8 : memref<100000x64xf32, #tpu.memory_space<hbm>>) target(%arg6 : memref<400x64xf32, #tpu.memory_space<vmem>>) offsets(%dma_start3A_5 : memref<400xi32, #tpu.memory_space<vmem>>) semaphore(%arg9 : memref<!tpu.dma_semaphore, #tpu.memory_space<semaphore_mem>>)
    %scan3A = arith.constant 0 : i32
    %scan3A_9 = arith.constant 0 : i32
    %scan3A_10 = arith.constant 32 : i32
    %scan3A_11 = arith.addi %scan3A_9, %scan3A_10 : i32
    %scan3A_12 = arith.constant 1 : i32
    scf.for %scan3A_30 = %scan3A_9 to %scan3A_11 step %scan3A_12  : i32 {
      %mul3A_31 = arith.constant 2 : i32
      %mul3A_32 = arith.muli %mul3A_31, %scan3A_30 : i32
      %add3A_33 = arith.constant 1 : i32
      %add3A_34 = arith.addi %mul3A_32, %add3A_33 : i32
      %mul3A_35 = arith.constant 8 : i32
      %mul3A_36 = arith.muli %add3A_34, %mul3A_35 : i32
      %mul3A_37 = arith.constant 50 : i32
      %mul3A_38 = arith.muli %mul3A_36, %mul3A_37 : i32
      %dma_start3A_39 = tpu.memref_slice %arg5[%mul3A_38] : memref<25600xi32, #tpu.memory_space<vmem>> -> memref<400xi32, #tpu.memory_space<vmem>>
      %dma_start3A_40 = arith.constant 0 : i32
      %dma_start3A_41 = arith.constant 0 : i32
      %dma_start3A_42 = tpu.memref_slice %arg3[%dma_start3A_40, %dma_start3A_41] : memref<100000x64xf32, #tpu.memory_space<hbm>> -> memref<100000x64xf32, #tpu.memory_space<hbm>>
      tpu.enqueue_indirect_dma source(%dma_start3A_42 : memref<100000x64xf32, #tpu.memory_space<hbm>>) target(%arg7 : memref<400x64xf32, #tpu.memory_space<vmem>>) offsets(%dma_start3A_39 : memref<400xi32, #tpu.memory_space<vmem>>) semaphore(%arg10 : memref<!tpu.dma_semaphore, #tpu.memory_space<semaphore_mem>>)
      %mul3A_43 = arith.constant 8 : i32
      %mul3A_44 = arith.muli %mul3A_32, %mul3A_43 : i32
      %mul3A_45 = arith.constant 50 : i32
      %mul3A_46 = arith.muli %mul3A_44, %mul3A_45 : i32
      %dma_wait3A = tpu.memref_slice %arg5[%mul3A_46] : memref<25600xi32, #tpu.memory_space<vmem>> -> memref<400xi32, #tpu.memory_space<vmem>>
      %dma_wait3A_47 = arith.constant 0 : i32
      %dma_wait3A_48 = arith.constant 0 : i32
      %dma_wait3A_49 = tpu.memref_slice %arg3[%dma_wait3A_47, %dma_wait3A_48] : memref<100000x64xf32, #tpu.memory_space<hbm>> -> memref<100000x64xf32, #tpu.memory_space<hbm>>
      tpu.wait_indirect_dma semaphore(%arg9 : memref<!tpu.dma_semaphore, #tpu.memory_space<semaphore_mem>>) src(%dma_wait3A_49 : memref<100000x64xf32, #tpu.memory_space<hbm>>) dst(%arg6 : memref<400x64xf32, #tpu.memory_space<vmem>>)
      %scan3A_50 = arith.constant 0 : i32
      %scan3A_51 = arith.constant 0 : i32
      %scan3A_52 = arith.constant 8 : i32
      %scan3A_53 = arith.addi %scan3A_51, %scan3A_52 : i32
      %scan3A_54 = arith.constant 1 : i32
      scf.for %scan3A_76 = %scan3A_51 to %scan3A_53 step %scan3A_54  : i32 {
        %broadcast_in_dim3A = arith.constant 0.000000e+00 : f32
        %broadcast_in_dim3A_77 = vector.broadcast %broadcast_in_dim3A : f32 to vector<16xf32>
        %broadcast_in_dim3A_78 = arith.constant 0.000000e+00 : f32
        %broadcast_in_dim3A_79 = vector.broadcast %broadcast_in_dim3A_78 : f32 to vector<16xf32>
        %broadcast_in_dim3A_80 = arith.constant 0.000000e+00 : f32
        %broadcast_in_dim3A_81 = vector.broadcast %broadcast_in_dim3A_80 : f32 to vector<16xf32>
        %broadcast_in_dim3A_82 = arith.constant 0.000000e+00 : f32
        %broadcast_in_dim3A_83 = vector.broadcast %broadcast_in_dim3A_82 : f32 to vector<16xf32>
        %scan3A_84 = arith.constant 0 : i32
        %scan3A_85 = arith.constant 25 : i32
        %scan3A_86 = arith.addi %scan3A_84, %scan3A_85 : i32
        %scan3A_87 = arith.constant 1 : i32
        %scan3A_88:4 = scf.for %scan3A_245 = %scan3A_84 to %scan3A_86 step %scan3A_87 iter_args(%scan3A_246 = %broadcast_in_dim3A_77, %scan3A_247 = %broadcast_in_dim3A_79, %scan3A_248 = %broadcast_in_dim3A_81, %scan3A_249 = %broadcast_in_dim3A_83) -> (vector<16xf32>, vector<16xf32>, vector<16xf32>, vector<16xf32>)  : i32 {
          %mul3A_250 = arith.constant 50 : i32
          %mul3A_251 = arith.muli %scan3A_76, %mul3A_250 : i32
          %mul3A_252 = arith.constant 2 : i32
          %mul3A_253 = arith.muli %mul3A_252, %scan3A_245 : i32
          %add3A_254 = arith.addi %mul3A_251, %mul3A_253 : i32
          %get3A = arith.index_cast %add3A_254 : i32 to index
          %get3A_255 = arith.constant 0 : index
          %get3A_256 = tpu.vector_load %arg6[%get3A, %get3A_255] {strides = array<i32>} : memref<400x64xf32, #tpu.memory_space<vmem>>, vector<1x16xf32>,
          %get3A_257 = vector.shape_cast %get3A_256 : vector<1x16xf32> to vector<16xf32>
          %add3A_258 = arith.addf %scan3A_246, %get3A_257 : vector<16xf32>
          %get3A_259 = arith.index_cast %add3A_254 : i32 to index
          %get3A_260 = arith.constant 16 : index
          %get3A_261 = tpu.vector_load %arg6[%get3A_259, %get3A_260] {strides = array<i32>} : memref<400x64xf32, #tpu.memory_space<vmem>>, vector<1x16xf32>,
          %get3A_262 = vector.shape_cast %get3A_261 : vector<1x16xf32> to vector<16xf32>
          %add3A_263 = arith.addf %scan3A_247, %get3A_262 : vector<16xf32>
          %get3A_264 = arith.index_cast %add3A_254 : i32 to index
          %get3A_265 = arith.constant 32 : index
          %get3A_266 = tpu.vector_load %arg6[%get3A_264, %get3A_265] {strides = array<i32>} : memref<400x64xf32, #tpu.memory_space<vmem>>, vector<1x16xf32>,
          %get3A_267 = vector.shape_cast %get3A_266 : vector<1x16xf32> to vector<16xf32>
          %add3A_268 = arith.addf %scan3A_248, %get3A_267 : vector<16xf32>
          %get3A_269 = arith.index_cast %add3A_254 : i32 to index
          %get3A_270 = arith.constant 48 : index
          %get3A_271 = tpu.vector_load %arg6[%get3A_269, %get3A_270] {strides = array<i32>} : memref<400x64xf32, #tpu.memory_space<vmem>>, vector<1x16xf32>,
          %get3A_272 = vector.shape_cast %get3A_271 : vector<1x16xf32> to vector<16xf32>
          %add3A_273 = arith.addf %scan3A_249, %get3A_272 : vector<16xf32>
          %add3A_274 = arith.constant 1 : i32
          %add3A_275 = arith.addi %add3A_254, %add3A_274 : i32
          %get3A_276 = arith.index_cast %add3A_275 : i32 to index
          %get3A_277 = arith.constant 0 : index
          %get3A_278 = tpu.vector_load %arg6[%get3A_276, %get3A_277] {strides = array<i32>} : memref<400x64xf32, #tpu.memory_space<vmem>>, vector<1x16xf32>,
          %get3A_279 = vector.shape_cast %get3A_278 : vector<1x16xf32> to vector<16xf32>
          %add3A_280 = arith.addf %add3A_258, %get3A_279 : vector<16xf32>
          %add3A_281 = arith.constant 1 : i32
          %add3A_282 = arith.addi %add3A_254, %add3A_281 : i32
          %get3A_283 = arith.index_cast %add3A_282 : i32 to index
          %get3A_284 = arith.constant 16 : index
          %get3A_285 = tpu.vector_load %arg6[%get3A_283, %get3A_284] {strides = array<i32>} : memref<400x64xf32, #tpu.memory_space<vmem>>, vector<1x16xf32>,
          %get3A_286 = vector.shape_cast %get3A_285 : vector<1x16xf32> to vector<16xf32>
          %add3A_287 = arith.addf %add3A_263, %get3A_286 : vector<16xf32>
          %add3A_288 = arith.constant 1 : i32
          %add3A_289 = arith.addi %add3A_254, %add3A_288 : i32
          %get3A_290 = arith.index_cast %add3A_289 : i32 to index
          %get3A_291 = arith.constant 32 : index
          %get3A_292 = tpu.vector_load %arg6[%get3A_290, %get3A_291] {strides = array<i32>} : memref<400x64xf32, #tpu.memory_space<vmem>>, vector<1x16xf32>,
          %get3A_293 = vector.shape_cast %get3A_292 : vector<1x16xf32> to vector<16xf32>
          %add3A_294 = arith.addf %add3A_268, %get3A_293 : vector<16xf32>
          %add3A_295 = arith.constant 1 : i32
          %add3A_296 = arith.addi %add3A_254, %add3A_295 : i32
          %get3A_297 = arith.index_cast %add3A_296 : i32 to index
          %get3A_298 = arith.constant 48 : index
          %get3A_299 = tpu.vector_load %arg6[%get3A_297, %get3A_298] {strides = array<i32>} : memref<400x64xf32, #tpu.memory_space<vmem>>, vector<1x16xf32>,
          %get3A_300 = vector.shape_cast %get3A_299 : vector<1x16xf32> to vector<16xf32>
          %add3A_301 = arith.addf %add3A_273, %get3A_300 : vector<16xf32>
          scf.yield %add3A_280, %add3A_287, %add3A_294, %add3A_301 : vector<16xf32>, vector<16xf32>, vector<16xf32>, vector<16xf32>
        }
        %scan3A_89 = arith.constant 25 : i32
        %mul3A_90 = arith.constant 8 : i32
        %mul3A_91 = arith.muli %mul3A_32, %mul3A_90 : i32
        %add3A_92 = arith.addi %mul3A_91, %scan3A_76 : i32
        %jit3A_93 = arith.constant 2 : i32
        %eq3A = arith.constant 0 : i32
        %eq3A_94 = arith.cmpi eq, %jit3A_93, %eq3A : i32
        %jit3A_95 = arith.constant 1 : i32
        %select_n3A_96 = arith.select %eq3A_94, %jit3A_95, %jit3A_93 : i32
        %rem3A_97 = arith.remsi %add3A_92, %select_n3A_96 : i32
        %ne3A_98 = arith.constant 0 : i32
        %ne3A_99 = arith.cmpi ne, %rem3A_97, %ne3A_98 : i32
        %lt3A_100 = arith.constant 0 : i32
        %lt3A_101 = arith.cmpi slt, %rem3A_97, %lt3A_100 : i32
        %lt3A_102 = arith.constant 0 : i32
        %lt3A_103 = arith.cmpi slt, %select_n3A_96, %lt3A_102 : i32
        %ne3A_104 = arith.xori %lt3A_101, %lt3A_103 : i1
        %and3A_105 = arith.andi %ne3A_104, %ne3A_99 : i1
        %add3A_106 = arith.addi %rem3A_97, %select_n3A_96 : i32
        %select_n3A_107 = arith.select %and3A_105, %add3A_106, %rem3A_97 : i32
        %mul3A_108 = arith.constant 64 : i32
        %mul3A_109 = arith.muli %select_n3A_107, %mul3A_108 : i32
        %mul3A_110 = arith.constant 2.000000e-02 : f32
        %mul3A_111 = vector.broadcast %mul3A_110 : f32 to vector<16xf32>
        %mul3A_112 = arith.mulf %scan3A_88#0, %mul3A_111 : vector<16xf32>
        %jit3A_113 = arith.constant 2 : i32
        %div3A_114 = arith.divsi %add3A_92, %jit3A_113 : i32
        %sign3A_115 = arith.constant 0 : i32
        %sign3A_116 = arith.cmpi sgt, %add3A_92, %sign3A_115 : i32
        %sign3A_117 = arith.extui %sign3A_116 : i1 to i32
        %sign3A_118 = arith.constant 0 : i32
        %sign3A_119 = arith.cmpi slt, %add3A_92, %sign3A_118 : i32
        %sign3A_120 = arith.extui %sign3A_119 : i1 to i32
        %sign3A_121 = arith.subi %sign3A_117, %sign3A_120 : i32
        %sign3A_122 = arith.constant 0 : i32
        %sign3A_123 = arith.cmpi sgt, %jit3A_113, %sign3A_122 : i32
        %sign3A_124 = arith.extui %sign3A_123 : i1 to i32
        %sign3A_125 = arith.constant 0 : i32
        %sign3A_126 = arith.cmpi slt, %jit3A_113, %sign3A_125 : i32
        %sign3A_127 = arith.extui %sign3A_126 : i1 to i32
        %sign3A_128 = arith.subi %sign3A_124, %sign3A_127 : i32
        %ne3A_129 = arith.cmpi ne, %sign3A_121, %sign3A_128 : i32
        %rem3A_130 = arith.remsi %add3A_92, %jit3A_113 : i32
        %ne3A_131 = arith.constant 0 : i32
        %ne3A_132 = arith.cmpi ne, %rem3A_130, %ne3A_131 : i32
        %and3A_133 = arith.andi %ne3A_129, %ne3A_132 : i1
        %sub3A_134 = arith.constant 1 : i32
        %sub3A_135 = arith.subi %div3A_114, %sub3A_134 : i32
        %select_n3A_136 = arith.select %and3A_133, %sub3A_135, %div3A_114 : i32
        %add3A_137 = arith.constant 0 : i32
        %add3A_138 = arith.addi %mul3A_109, %add3A_137 : i32
        %swap3A = arith.index_cast %select_n3A_136 : i32 to index
        %swap3A_139 = arith.index_cast %add3A_138 : i32 to index
        %swap3A_140 = tpu.vector_load %arg8[%swap3A, %swap3A_139] {strides = array<i32>} : memref<256x128xf32, #tpu.memory_space<vmem>>, vector<1x16xf32>,
        %swap3A_141 = vector.shape_cast %swap3A_140 : vector<1x16xf32> to vector<16xf32>
        %swap3A_142 = vector.shape_cast %mul3A_112 : vector<16xf32> to vector<1x16xf32>
        tpu.vector_store %arg8[%swap3A, %swap3A_139], %swap3A_142 {strides = array<i32>} : memref<256x128xf32, #tpu.memory_space<vmem>>, vector<1x16xf32>,
        %mul3A_143 = arith.constant 2.000000e-02 : f32
        %mul3A_144 = vector.broadcast %mul3A_143 : f32 to vector<16xf32>
        %mul3A_145 = arith.mulf %scan3A_88#1, %mul3A_144 : vector<16xf32>
        %jit3A_146 = arith.constant 2 : i32
        %div3A_147 = arith.divsi %add3A_92, %jit3A_146 : i32
        %sign3A_148 = arith.constant 0 : i32
        %sign3A_149 = arith.cmpi sgt, %add3A_92, %sign3A_148 : i32
        %sign3A_150 = arith.extui %sign3A_149 : i1 to i32
        %sign3A_151 = arith.constant 0 : i32
        %sign3A_152 = arith.cmpi slt, %add3A_92, %sign3A_151 : i32
        %sign3A_153 = arith.extui %sign3A_152 : i1 to i32
        %sign3A_154 = arith.subi %sign3A_150, %sign3A_153 : i32
        %sign3A_155 = arith.constant 0 : i32
        %sign3A_156 = arith.cmpi sgt, %jit3A_146, %sign3A_155 : i32
        %sign3A_157 = arith.extui %sign3A_156 : i1 to i32
        %sign3A_158 = arith.constant 0 : i32
        %sign3A_159 = arith.cmpi slt, %jit3A_146, %sign3A_158 : i32
        %sign3A_160 = arith.extui %sign3A_159 : i1 to i32
        %sign3A_161 = arith.subi %sign3A_157, %sign3A_160 : i32
        %ne3A_162 = arith.cmpi ne, %sign3A_154, %sign3A_161 : i32
        %rem3A_163 = arith.remsi %add3A_92, %jit3A_146 : i32
        %ne3A_164 = arith.constant 0 : i32
        %ne3A_165 = arith.cmpi ne, %rem3A_163, %ne3A_164 : i32
        %and3A_166 = arith.andi %ne3A_162, %ne3A_165 : i1
        %sub3A_167 = arith.constant 1 : i32
        %sub3A_168 = arith.subi %div3A_147, %sub3A_167 : i32
        %select_n3A_169 = arith.select %and3A_166, %sub3A_168, %div3A_147 : i32
        %add3A_170 = arith.constant 16 : i32
        %add3A_171 = arith.addi %mul3A_109, %add3A_170 : i32
        %swap3A_172 = arith.index_cast %select_n3A_169 : i32 to index
        %swap3A_173 = arith.index_cast %add3A_171 : i32 to index
        %swap3A_174 = tpu.vector_load %arg8[%swap3A_172, %swap3A_173] {strides = array<i32>} : memref<256x128xf32, #tpu.memory_space<vmem>>, vector<1x16xf32>,
        %swap3A_175 = vector.shape_cast %swap3A_174 : vector<1x16xf32> to vector<16xf32>
        %swap3A_176 = vector.shape_cast %mul3A_145 : vector<16xf32> to vector<1x16xf32>
        tpu.vector_store %arg8[%swap3A_172, %swap3A_173], %swap3A_176 {strides = array<i32>} : memref<256x128xf32, #tpu.memory_space<vmem>>, vector<1x16xf32>,
        %mul3A_177 = arith.constant 2.000000e-02 : f32
        %mul3A_178 = vector.broadcast %mul3A_177 : f32 to vector<16xf32>
        %mul3A_179 = arith.mulf %scan3A_88#2, %mul3A_178 : vector<16xf32>
        %jit3A_180 = arith.constant 2 : i32
        %div3A_181 = arith.divsi %add3A_92, %jit3A_180 : i32
        %sign3A_182 = arith.constant 0 : i32
        %sign3A_183 = arith.cmpi sgt, %add3A_92, %sign3A_182 : i32
        %sign3A_184 = arith.extui %sign3A_183 : i1 to i32
        %sign3A_185 = arith.constant 0 : i32
        %sign3A_186 = arith.cmpi slt, %add3A_92, %sign3A_185 : i32
        %sign3A_187 = arith.extui %sign3A_186 : i1 to i32
        %sign3A_188 = arith.subi %sign3A_184, %sign3A_187 : i32
        %sign3A_189 = arith.constant 0 : i32
        %sign3A_190 = arith.cmpi sgt, %jit3A_180, %sign3A_189 : i32
        %sign3A_191 = arith.extui %sign3A_190 : i1 to i32
        %sign3A_192 = arith.constant 0 : i32
        %sign3A_193 = arith.cmpi slt, %jit3A_180, %sign3A_192 : i32
        %sign3A_194 = arith.extui %sign3A_193 : i1 to i32
        %sign3A_195 = arith.subi %sign3A_191, %sign3A_194 : i32
        %ne3A_196 = arith.cmpi ne, %sign3A_188, %sign3A_195 : i32
        %rem3A_197 = arith.remsi %add3A_92, %jit3A_180 : i32
        %ne3A_198 = arith.constant 0 : i32
        %ne3A_199 = arith.cmpi ne, %rem3A_197, %ne3A_198 : i32
        %and3A_200 = arith.andi %ne3A_196, %ne3A_199 : i1
        %sub3A_201 = arith.constant 1 : i32
        %sub3A_202 = arith.subi %div3A_181, %sub3A_201 : i32
        %select_n3A_203 = arith.select %and3A_200, %sub3A_202, %div3A_181 : i32
        %add3A_204 = arith.constant 32 : i32
        %add3A_205 = arith.addi %mul3A_109, %add3A_204 : i32
        %swap3A_206 = arith.index_cast %select_n3A_203 : i32 to index
        %swap3A_207 = arith.index_cast %add3A_205 : i32 to index
        %swap3A_208 = tpu.vector_load %arg8[%swap3A_206, %swap3A_207] {strides = array<i32>} : memref<256x128xf32, #tpu.memory_space<vmem>>, vector<1x16xf32>,
        %swap3A_209 = vector.shape_cast %swap3A_208 : vector<1x16xf32> to vector<16xf32>
        %swap3A_210 = vector.shape_cast %mul3A_179 : vector<16xf32> to vector<1x16xf32>
        tpu.vector_store %arg8[%swap3A_206, %swap3A_207], %swap3A_210 {strides = array<i32>} : memref<256x128xf32, #tpu.memory_space<vmem>>, vector<1x16xf32>,
        %mul3A_211 = arith.constant 2.000000e-02 : f32
        %mul3A_212 = vector.broadcast %mul3A_211 : f32 to vector<16xf32>
        %mul3A_213 = arith.mulf %scan3A_88#3, %mul3A_212 : vector<16xf32>
        %jit3A_214 = arith.constant 2 : i32
        %div3A_215 = arith.divsi %add3A_92, %jit3A_214 : i32
        %sign3A_216 = arith.constant 0 : i32
        %sign3A_217 = arith.cmpi sgt, %add3A_92, %sign3A_216 : i32
        %sign3A_218 = arith.extui %sign3A_217 : i1 to i32
        %sign3A_219 = arith.constant 0 : i32
        %sign3A_220 = arith.cmpi slt, %add3A_92, %sign3A_219 : i32
        %sign3A_221 = arith.extui %sign3A_220 : i1 to i32
        %sign3A_222 = arith.subi %sign3A_218, %sign3A_221 : i32
        %sign3A_223 = arith.constant 0 : i32
        %sign3A_224 = arith.cmpi sgt, %jit3A_214, %sign3A_223 : i32
        %sign3A_225 = arith.extui %sign3A_224 : i1 to i32
        %sign3A_226 = arith.constant 0 : i32
        %sign3A_227 = arith.cmpi slt, %jit3A_214, %sign3A_226 : i32
        %sign3A_228 = arith.extui %sign3A_227 : i1 to i32
        %sign3A_229 = arith.subi %sign3A_225, %sign3A_228 : i32
        %ne3A_230 = arith.cmpi ne, %sign3A_222, %sign3A_229 : i32
        %rem3A_231 = arith.remsi %add3A_92, %jit3A_214 : i32
        %ne3A_232 = arith.constant 0 : i32
        %ne3A_233 = arith.cmpi ne, %rem3A_231, %ne3A_232 : i32
        %and3A_234 = arith.andi %ne3A_230, %ne3A_233 : i1
        %sub3A_235 = arith.constant 1 : i32
        %sub3A_236 = arith.subi %div3A_215, %sub3A_235 : i32
        %select_n3A_237 = arith.select %and3A_234, %sub3A_236, %div3A_215 : i32
        %add3A_238 = arith.constant 48 : i32
        %add3A_239 = arith.addi %mul3A_109, %add3A_238 : i32
        %swap3A_240 = arith.index_cast %select_n3A_237 : i32 to index
        %swap3A_241 = arith.index_cast %add3A_239 : i32 to index
        %swap3A_242 = tpu.vector_load %arg8[%swap3A_240, %swap3A_241] {strides = array<i32>} : memref<256x128xf32, #tpu.memory_space<vmem>>, vector<1x16xf32>,
        %swap3A_243 = vector.shape_cast %swap3A_242 : vector<1x16xf32> to vector<16xf32>
        %swap3A_244 = vector.shape_cast %mul3A_213 : vector<16xf32> to vector<1x16xf32>
        tpu.vector_store %arg8[%swap3A_240, %swap3A_241], %swap3A_244 {strides = array<i32>} : memref<256x128xf32, #tpu.memory_space<vmem>>, vector<1x16xf32>,
      }
      %scan3A_55 = arith.constant 8 : i32
      %lt3A = arith.constant 31 : i32
      %lt3A_56 = arith.cmpi slt, %scan3A_30, %lt3A : i32
      %convert_element_type3A = arith.extui %lt3A_56 : i1 to i32
      %cond3A = arith.constant 0 : i32
      %cond3A_57 = arith.cmpi ne, %convert_element_type3A, %cond3A : i32
      scf.if %cond3A_57 {
        %add3A_76 = arith.constant 2 : i32
        %add3A_77 = arith.addi %mul3A_32, %add3A_76 : i32
        %mul3A_78 = arith.constant 8 : i32
        %mul3A_79 = arith.muli %add3A_77, %mul3A_78 : i32
        %mul3A_80 = arith.constant 50 : i32
        %mul3A_81 = arith.muli %mul3A_79, %mul3A_80 : i32
        %dma_start3A_82 = tpu.memref_slice %arg5[%mul3A_81] : memref<25600xi32, #tpu.memory_space<vmem>> -> memref<400xi32, #tpu.memory_space<vmem>>
        %dma_start3A_83 = arith.constant 0 : i32
        %dma_start3A_84 = arith.constant 0 : i32
        %dma_start3A_85 = tpu.memref_slice %arg3[%dma_start3A_83, %dma_start3A_84] : memref<100000x64xf32, #tpu.memory_space<hbm>> -> memref<100000x64xf32, #tpu.memory_space<hbm>>
        tpu.enqueue_indirect_dma source(%dma_start3A_85 : memref<100000x64xf32, #tpu.memory_space<hbm>>) target(%arg6 : memref<400x64xf32, #tpu.memory_space<vmem>>) offsets(%dma_start3A_82 : memref<400xi32, #tpu.memory_space<vmem>>) semaphore(%arg9 : memref<!tpu.dma_semaphore, #tpu.memory_space<semaphore_mem>>)
      } else {
      }
      %add3A_58 = arith.constant 1 : i32
      %add3A_59 = arith.addi %mul3A_32, %add3A_58 : i32
      %mul3A_60 = arith.constant 8 : i32
      %mul3A_61 = arith.muli %add3A_59, %mul3A_60 : i32
      %mul3A_62 = arith.constant 50 : i32
      %mul3A_63 = arith.muli %mul3A_61, %mul3A_62 : i32
      %dma_wait3A_64 = tpu.memref_slice %arg5[%mul3A_63] : memref<25600xi32, #tpu.memory_space<vmem>> -> memref<400xi32, #tpu.memory_space<vmem>>
      %dma_wait3A_65 = arith.constant 0 : i32
      %dma_wait3A_66 = arith.constant 0 : i32
      %dma_wait3A_67 = tpu.memref_slice %arg3[%dma_wait3A_65, %dma_wait3A_66] : memref<100000x64xf32, #tpu.memory_space<hbm>> -> memref<100000x64xf32, #tpu.memory_space<hbm>>
      tpu.wait_indirect_dma semaphore(%arg10 : memref<!tpu.dma_semaphore, #tpu.memory_space<semaphore_mem>>) src(%dma_wait3A_67 : memref<100000x64xf32, #tpu.memory_space<hbm>>) dst(%arg7 : memref<400x64xf32, #tpu.memory_space<vmem>>)
      %add3A_68 = arith.constant 1 : i32
      %add3A_69 = arith.addi %mul3A_32, %add3A_68 : i32
      %scan3A_70 = arith.constant 0 : i32
      %scan3A_71 = arith.constant 0 : i32
      %scan3A_72 = arith.constant 8 : i32
      %scan3A_73 = arith.addi %scan3A_71, %scan3A_72 : i32
      %scan3A_74 = arith.constant 1 : i32
      scf.for %scan3A_76 = %scan3A_71 to %scan3A_73 step %scan3A_74  : i32 {
        %broadcast_in_dim3A = arith.constant 0.000000e+00 : f32
        %broadcast_in_dim3A_77 = vector.broadcast %broadcast_in_dim3A : f32 to vector<16xf32>
        %broadcast_in_dim3A_78 = arith.constant 0.000000e+00 : f32
        %broadcast_in_dim3A_79 = vector.broadcast %broadcast_in_dim3A_78 : f32 to vector<16xf32>
        %broadcast_in_dim3A_80 = arith.constant 0.000000e+00 : f32
        %broadcast_in_dim3A_81 = vector.broadcast %broadcast_in_dim3A_80 : f32 to vector<16xf32>
        %broadcast_in_dim3A_82 = arith.constant 0.000000e+00 : f32
        %broadcast_in_dim3A_83 = vector.broadcast %broadcast_in_dim3A_82 : f32 to vector<16xf32>
        %scan3A_84 = arith.constant 0 : i32
        %scan3A_85 = arith.constant 25 : i32
        %scan3A_86 = arith.addi %scan3A_84, %scan3A_85 : i32
        %scan3A_87 = arith.constant 1 : i32
        %scan3A_88:4 = scf.for %scan3A_245 = %scan3A_84 to %scan3A_86 step %scan3A_87 iter_args(%scan3A_246 = %broadcast_in_dim3A_77, %scan3A_247 = %broadcast_in_dim3A_79, %scan3A_248 = %broadcast_in_dim3A_81, %scan3A_249 = %broadcast_in_dim3A_83) -> (vector<16xf32>, vector<16xf32>, vector<16xf32>, vector<16xf32>)  : i32 {
          %mul3A_250 = arith.constant 50 : i32
          %mul3A_251 = arith.muli %scan3A_76, %mul3A_250 : i32
          %mul3A_252 = arith.constant 2 : i32
          %mul3A_253 = arith.muli %mul3A_252, %scan3A_245 : i32
          %add3A_254 = arith.addi %mul3A_251, %mul3A_253 : i32
          %get3A = arith.index_cast %add3A_254 : i32 to index
          %get3A_255 = arith.constant 0 : index
          %get3A_256 = tpu.vector_load %arg7[%get3A, %get3A_255] {strides = array<i32>} : memref<400x64xf32, #tpu.memory_space<vmem>>, vector<1x16xf32>,
          %get3A_257 = vector.shape_cast %get3A_256 : vector<1x16xf32> to vector<16xf32>
          %add3A_258 = arith.addf %scan3A_246, %get3A_257 : vector<16xf32>
          %get3A_259 = arith.index_cast %add3A_254 : i32 to index
          %get3A_260 = arith.constant 16 : index
          %get3A_261 = tpu.vector_load %arg7[%get3A_259, %get3A_260] {strides = array<i32>} : memref<400x64xf32, #tpu.memory_space<vmem>>, vector<1x16xf32>,
          %get3A_262 = vector.shape_cast %get3A_261 : vector<1x16xf32> to vector<16xf32>
          %add3A_263 = arith.addf %scan3A_247, %get3A_262 : vector<16xf32>
          %get3A_264 = arith.index_cast %add3A_254 : i32 to index
          %get3A_265 = arith.constant 32 : index
          %get3A_266 = tpu.vector_load %arg7[%get3A_264, %get3A_265] {strides = array<i32>} : memref<400x64xf32, #tpu.memory_space<vmem>>, vector<1x16xf32>,
          %get3A_267 = vector.shape_cast %get3A_266 : vector<1x16xf32> to vector<16xf32>
          %add3A_268 = arith.addf %scan3A_248, %get3A_267 : vector<16xf32>
          %get3A_269 = arith.index_cast %add3A_254 : i32 to index
          %get3A_270 = arith.constant 48 : index
          %get3A_271 = tpu.vector_load %arg7[%get3A_269, %get3A_270] {strides = array<i32>} : memref<400x64xf32, #tpu.memory_space<vmem>>, vector<1x16xf32>,
          %get3A_272 = vector.shape_cast %get3A_271 : vector<1x16xf32> to vector<16xf32>
          %add3A_273 = arith.addf %scan3A_249, %get3A_272 : vector<16xf32>
          %add3A_274 = arith.constant 1 : i32
          %add3A_275 = arith.addi %add3A_254, %add3A_274 : i32
          %get3A_276 = arith.index_cast %add3A_275 : i32 to index
          %get3A_277 = arith.constant 0 : index
          %get3A_278 = tpu.vector_load %arg7[%get3A_276, %get3A_277] {strides = array<i32>} : memref<400x64xf32, #tpu.memory_space<vmem>>, vector<1x16xf32>,
          %get3A_279 = vector.shape_cast %get3A_278 : vector<1x16xf32> to vector<16xf32>
          %add3A_280 = arith.addf %add3A_258, %get3A_279 : vector<16xf32>
          %add3A_281 = arith.constant 1 : i32
          %add3A_282 = arith.addi %add3A_254, %add3A_281 : i32
          %get3A_283 = arith.index_cast %add3A_282 : i32 to index
          %get3A_284 = arith.constant 16 : index
          %get3A_285 = tpu.vector_load %arg7[%get3A_283, %get3A_284] {strides = array<i32>} : memref<400x64xf32, #tpu.memory_space<vmem>>, vector<1x16xf32>,
          %get3A_286 = vector.shape_cast %get3A_285 : vector<1x16xf32> to vector<16xf32>
          %add3A_287 = arith.addf %add3A_263, %get3A_286 : vector<16xf32>
          %add3A_288 = arith.constant 1 : i32
          %add3A_289 = arith.addi %add3A_254, %add3A_288 : i32
          %get3A_290 = arith.index_cast %add3A_289 : i32 to index
          %get3A_291 = arith.constant 32 : index
          %get3A_292 = tpu.vector_load %arg7[%get3A_290, %get3A_291] {strides = array<i32>} : memref<400x64xf32, #tpu.memory_space<vmem>>, vector<1x16xf32>,
          %get3A_293 = vector.shape_cast %get3A_292 : vector<1x16xf32> to vector<16xf32>
          %add3A_294 = arith.addf %add3A_268, %get3A_293 : vector<16xf32>
          %add3A_295 = arith.constant 1 : i32
          %add3A_296 = arith.addi %add3A_254, %add3A_295 : i32
          %get3A_297 = arith.index_cast %add3A_296 : i32 to index
          %get3A_298 = arith.constant 48 : index
          %get3A_299 = tpu.vector_load %arg7[%get3A_297, %get3A_298] {strides = array<i32>} : memref<400x64xf32, #tpu.memory_space<vmem>>, vector<1x16xf32>,
          %get3A_300 = vector.shape_cast %get3A_299 : vector<1x16xf32> to vector<16xf32>
          %add3A_301 = arith.addf %add3A_273, %get3A_300 : vector<16xf32>
          scf.yield %add3A_280, %add3A_287, %add3A_294, %add3A_301 : vector<16xf32>, vector<16xf32>, vector<16xf32>, vector<16xf32>
        }
        %scan3A_89 = arith.constant 25 : i32
        %mul3A_90 = arith.constant 8 : i32
        %mul3A_91 = arith.muli %add3A_69, %mul3A_90 : i32
        %add3A_92 = arith.addi %mul3A_91, %scan3A_76 : i32
        %jit3A_93 = arith.constant 2 : i32
        %eq3A = arith.constant 0 : i32
        %eq3A_94 = arith.cmpi eq, %jit3A_93, %eq3A : i32
        %jit3A_95 = arith.constant 1 : i32
        %select_n3A_96 = arith.select %eq3A_94, %jit3A_95, %jit3A_93 : i32
        %rem3A_97 = arith.remsi %add3A_92, %select_n3A_96 : i32
        %ne3A_98 = arith.constant 0 : i32
        %ne3A_99 = arith.cmpi ne, %rem3A_97, %ne3A_98 : i32
        %lt3A_100 = arith.constant 0 : i32
        %lt3A_101 = arith.cmpi slt, %rem3A_97, %lt3A_100 : i32
        %lt3A_102 = arith.constant 0 : i32
        %lt3A_103 = arith.cmpi slt, %select_n3A_96, %lt3A_102 : i32
        %ne3A_104 = arith.xori %lt3A_101, %lt3A_103 : i1
        %and3A_105 = arith.andi %ne3A_104, %ne3A_99 : i1
        %add3A_106 = arith.addi %rem3A_97, %select_n3A_96 : i32
        %select_n3A_107 = arith.select %and3A_105, %add3A_106, %rem3A_97 : i32
        %mul3A_108 = arith.constant 64 : i32
        %mul3A_109 = arith.muli %select_n3A_107, %mul3A_108 : i32
        %mul3A_110 = arith.constant 2.000000e-02 : f32
        %mul3A_111 = vector.broadcast %mul3A_110 : f32 to vector<16xf32>
        %mul3A_112 = arith.mulf %scan3A_88#0, %mul3A_111 : vector<16xf32>
        %jit3A_113 = arith.constant 2 : i32
        %div3A_114 = arith.divsi %add3A_92, %jit3A_113 : i32
        %sign3A_115 = arith.constant 0 : i32
        %sign3A_116 = arith.cmpi sgt, %add3A_92, %sign3A_115 : i32
        %sign3A_117 = arith.extui %sign3A_116 : i1 to i32
        %sign3A_118 = arith.constant 0 : i32
        %sign3A_119 = arith.cmpi slt, %add3A_92, %sign3A_118 : i32
        %sign3A_120 = arith.extui %sign3A_119 : i1 to i32
        %sign3A_121 = arith.subi %sign3A_117, %sign3A_120 : i32
        %sign3A_122 = arith.constant 0 : i32
        %sign3A_123 = arith.cmpi sgt, %jit3A_113, %sign3A_122 : i32
        %sign3A_124 = arith.extui %sign3A_123 : i1 to i32
        %sign3A_125 = arith.constant 0 : i32
        %sign3A_126 = arith.cmpi slt, %jit3A_113, %sign3A_125 : i32
        %sign3A_127 = arith.extui %sign3A_126 : i1 to i32
        %sign3A_128 = arith.subi %sign3A_124, %sign3A_127 : i32
        %ne3A_129 = arith.cmpi ne, %sign3A_121, %sign3A_128 : i32
        %rem3A_130 = arith.remsi %add3A_92, %jit3A_113 : i32
        %ne3A_131 = arith.constant 0 : i32
        %ne3A_132 = arith.cmpi ne, %rem3A_130, %ne3A_131 : i32
        %and3A_133 = arith.andi %ne3A_129, %ne3A_132 : i1
        %sub3A_134 = arith.constant 1 : i32
        %sub3A_135 = arith.subi %div3A_114, %sub3A_134 : i32
        %select_n3A_136 = arith.select %and3A_133, %sub3A_135, %div3A_114 : i32
        %add3A_137 = arith.constant 0 : i32
        %add3A_138 = arith.addi %mul3A_109, %add3A_137 : i32
        %swap3A = arith.index_cast %select_n3A_136 : i32 to index
        %swap3A_139 = arith.index_cast %add3A_138 : i32 to index
        %swap3A_140 = tpu.vector_load %arg8[%swap3A, %swap3A_139] {strides = array<i32>} : memref<256x128xf32, #tpu.memory_space<vmem>>, vector<1x16xf32>,
        %swap3A_141 = vector.shape_cast %swap3A_140 : vector<1x16xf32> to vector<16xf32>
        %swap3A_142 = vector.shape_cast %mul3A_112 : vector<16xf32> to vector<1x16xf32>
        tpu.vector_store %arg8[%swap3A, %swap3A_139], %swap3A_142 {strides = array<i32>} : memref<256x128xf32, #tpu.memory_space<vmem>>, vector<1x16xf32>,
        %mul3A_143 = arith.constant 2.000000e-02 : f32
        %mul3A_144 = vector.broadcast %mul3A_143 : f32 to vector<16xf32>
        %mul3A_145 = arith.mulf %scan3A_88#1, %mul3A_144 : vector<16xf32>
        %jit3A_146 = arith.constant 2 : i32
        %div3A_147 = arith.divsi %add3A_92, %jit3A_146 : i32
        %sign3A_148 = arith.constant 0 : i32
        %sign3A_149 = arith.cmpi sgt, %add3A_92, %sign3A_148 : i32
        %sign3A_150 = arith.extui %sign3A_149 : i1 to i32
        %sign3A_151 = arith.constant 0 : i32
        %sign3A_152 = arith.cmpi slt, %add3A_92, %sign3A_151 : i32
        %sign3A_153 = arith.extui %sign3A_152 : i1 to i32
        %sign3A_154 = arith.subi %sign3A_150, %sign3A_153 : i32
        %sign3A_155 = arith.constant 0 : i32
        %sign3A_156 = arith.cmpi sgt, %jit3A_146, %sign3A_155 : i32
        %sign3A_157 = arith.extui %sign3A_156 : i1 to i32
        %sign3A_158 = arith.constant 0 : i32
        %sign3A_159 = arith.cmpi slt, %jit3A_146, %sign3A_158 : i32
        %sign3A_160 = arith.extui %sign3A_159 : i1 to i32
        %sign3A_161 = arith.subi %sign3A_157, %sign3A_160 : i32
        %ne3A_162 = arith.cmpi ne, %sign3A_154, %sign3A_161 : i32
        %rem3A_163 = arith.remsi %add3A_92, %jit3A_146 : i32
        %ne3A_164 = arith.constant 0 : i32
        %ne3A_165 = arith.cmpi ne, %rem3A_163, %ne3A_164 : i32
        %and3A_166 = arith.andi %ne3A_162, %ne3A_165 : i1
        %sub3A_167 = arith.constant 1 : i32
        %sub3A_168 = arith.subi %div3A_147, %sub3A_167 : i32
        %select_n3A_169 = arith.select %and3A_166, %sub3A_168, %div3A_147 : i32
        %add3A_170 = arith.constant 16 : i32
        %add3A_171 = arith.addi %mul3A_109, %add3A_170 : i32
        %swap3A_172 = arith.index_cast %select_n3A_169 : i32 to index
        %swap3A_173 = arith.index_cast %add3A_171 : i32 to index
        %swap3A_174 = tpu.vector_load %arg8[%swap3A_172, %swap3A_173] {strides = array<i32>} : memref<256x128xf32, #tpu.memory_space<vmem>>, vector<1x16xf32>,
        %swap3A_175 = vector.shape_cast %swap3A_174 : vector<1x16xf32> to vector<16xf32>
        %swap3A_176 = vector.shape_cast %mul3A_145 : vector<16xf32> to vector<1x16xf32>
        tpu.vector_store %arg8[%swap3A_172, %swap3A_173], %swap3A_176 {strides = array<i32>} : memref<256x128xf32, #tpu.memory_space<vmem>>, vector<1x16xf32>,
        %mul3A_177 = arith.constant 2.000000e-02 : f32
        %mul3A_178 = vector.broadcast %mul3A_177 : f32 to vector<16xf32>
        %mul3A_179 = arith.mulf %scan3A_88#2, %mul3A_178 : vector<16xf32>
        %jit3A_180 = arith.constant 2 : i32
        %div3A_181 = arith.divsi %add3A_92, %jit3A_180 : i32
        %sign3A_182 = arith.constant 0 : i32
        %sign3A_183 = arith.cmpi sgt, %add3A_92, %sign3A_182 : i32
        %sign3A_184 = arith.extui %sign3A_183 : i1 to i32
        %sign3A_185 = arith.constant 0 : i32
        %sign3A_186 = arith.cmpi slt, %add3A_92, %sign3A_185 : i32
        %sign3A_187 = arith.extui %sign3A_186 : i1 to i32
        %sign3A_188 = arith.subi %sign3A_184, %sign3A_187 : i32
        %sign3A_189 = arith.constant 0 : i32
        %sign3A_190 = arith.cmpi sgt, %jit3A_180, %sign3A_189 : i32
        %sign3A_191 = arith.extui %sign3A_190 : i1 to i32
        %sign3A_192 = arith.constant 0 : i32
        %sign3A_193 = arith.cmpi slt, %jit3A_180, %sign3A_192 : i32
        %sign3A_194 = arith.extui %sign3A_193 : i1 to i32
        %sign3A_195 = arith.subi %sign3A_191, %sign3A_194 : i32
        %ne3A_196 = arith.cmpi ne, %sign3A_188, %sign3A_195 : i32
        %rem3A_197 = arith.remsi %add3A_92, %jit3A_180 : i32
        %ne3A_198 = arith.constant 0 : i32
        %ne3A_199 = arith.cmpi ne, %rem3A_197, %ne3A_198 : i32
        %and3A_200 = arith.andi %ne3A_196, %ne3A_199 : i1
        %sub3A_201 = arith.constant 1 : i32
        %sub3A_202 = arith.subi %div3A_181, %sub3A_201 : i32
        %select_n3A_203 = arith.select %and3A_200, %sub3A_202, %div3A_181 : i32
        %add3A_204 = arith.constant 32 : i32
        %add3A_205 = arith.addi %mul3A_109, %add3A_204 : i32
        %swap3A_206 = arith.index_cast %select_n3A_203 : i32 to index
        %swap3A_207 = arith.index_cast %add3A_205 : i32 to index
        %swap3A_208 = tpu.vector_load %arg8[%swap3A_206, %swap3A_207] {strides = array<i32>} : memref<256x128xf32, #tpu.memory_space<vmem>>, vector<1x16xf32>,
        %swap3A_209 = vector.shape_cast %swap3A_208 : vector<1x16xf32> to vector<16xf32>
        %swap3A_210 = vector.shape_cast %mul3A_179 : vector<16xf32> to vector<1x16xf32>
        tpu.vector_store %arg8[%swap3A_206, %swap3A_207], %swap3A_210 {strides = array<i32>} : memref<256x128xf32, #tpu.memory_space<vmem>>, vector<1x16xf32>,
        %mul3A_211 = arith.constant 2.000000e-02 : f32
        %mul3A_212 = vector.broadcast %mul3A_211 : f32 to vector<16xf32>
        %mul3A_213 = arith.mulf %scan3A_88#3, %mul3A_212 : vector<16xf32>
        %jit3A_214 = arith.constant 2 : i32
        %div3A_215 = arith.divsi %add3A_92, %jit3A_214 : i32
        %sign3A_216 = arith.constant 0 : i32
        %sign3A_217 = arith.cmpi sgt, %add3A_92, %sign3A_216 : i32
        %sign3A_218 = arith.extui %sign3A_217 : i1 to i32
        %sign3A_219 = arith.constant 0 : i32
        %sign3A_220 = arith.cmpi slt, %add3A_92, %sign3A_219 : i32
        %sign3A_221 = arith.extui %sign3A_220 : i1 to i32
        %sign3A_222 = arith.subi %sign3A_218, %sign3A_221 : i32
        %sign3A_223 = arith.constant 0 : i32
        %sign3A_224 = arith.cmpi sgt, %jit3A_214, %sign3A_223 : i32
        %sign3A_225 = arith.extui %sign3A_224 : i1 to i32
        %sign3A_226 = arith.constant 0 : i32
        %sign3A_227 = arith.cmpi slt, %jit3A_214, %sign3A_226 : i32
        %sign3A_228 = arith.extui %sign3A_227 : i1 to i32
        %sign3A_229 = arith.subi %sign3A_225, %sign3A_228 : i32
        %ne3A_230 = arith.cmpi ne, %sign3A_222, %sign3A_229 : i32
        %rem3A_231 = arith.remsi %add3A_92, %jit3A_214 : i32
        %ne3A_232 = arith.constant 0 : i32
        %ne3A_233 = arith.cmpi ne, %rem3A_231, %ne3A_232 : i32
        %and3A_234 = arith.andi %ne3A_230, %ne3A_233 : i1
        %sub3A_235 = arith.constant 1 : i32
        %sub3A_236 = arith.subi %div3A_215, %sub3A_235 : i32
        %select_n3A_237 = arith.select %and3A_234, %sub3A_236, %div3A_215 : i32
        %add3A_238 = arith.constant 48 : i32
        %add3A_239 = arith.addi %mul3A_109, %add3A_238 : i32
        %swap3A_240 = arith.index_cast %select_n3A_237 : i32 to index
        %swap3A_241 = arith.index_cast %add3A_239 : i32 to index
        %swap3A_242 = tpu.vector_load %arg8[%swap3A_240, %swap3A_241] {strides = array<i32>} : memref<256x128xf32, #tpu.memory_space<vmem>>, vector<1x16xf32>,
        %swap3A_243 = vector.shape_cast %swap3A_242 : vector<1x16xf32> to vector<16xf32>
        %swap3A_244 = vector.shape_cast %mul3A_213 : vector<16xf32> to vector<1x16xf32>
        tpu.vector_store %arg8[%swap3A_240, %swap3A_241], %swap3A_244 {strides = array<i32>} : memref<256x128xf32, #tpu.memory_space<vmem>>, vector<1x16xf32>,
      }
      %scan3A_75 = arith.constant 8 : i32
    }
    %scan3A_13 = arith.constant 32 : i32
    %jit3A = arith.constant 2 : i32
    %div3A = arith.divsi %mul3A_2, %jit3A : i32
    %sign3A = arith.constant 0 : i32
    %sign3A_14 = arith.cmpi sgt, %mul3A_2, %sign3A : i32
    %sign3A_15 = arith.extui %sign3A_14 : i1 to i32
    %sign3A_16 = arith.constant 0 : i32
    %sign3A_17 = arith.cmpi slt, %mul3A_2, %sign3A_16 : i32
    %sign3A_18 = arith.extui %sign3A_17 : i1 to i32
    %sign3A_19 = arith.subi %sign3A_15, %sign3A_18 : i32
    %sign3A_20 = arith.constant 0 : i32
    %sign3A_21 = arith.cmpi sgt, %jit3A, %sign3A_20 : i32
    %sign3A_22 = arith.extui %sign3A_21 : i1 to i32
    %sign3A_23 = arith.constant 0 : i32
    %sign3A_24 = arith.cmpi slt, %jit3A, %sign3A_23 : i32
    %sign3A_25 = arith.extui %sign3A_24 : i1 to i32
    %sign3A_26 = arith.subi %sign3A_22, %sign3A_25 : i32
    %ne3A = arith.cmpi ne, %sign3A_19, %sign3A_26 : i32
    %rem3A = arith.remsi %mul3A_2, %jit3A : i32
    %ne3A_27 = arith.constant 0 : i32
    %ne3A_28 = arith.cmpi ne, %rem3A, %ne3A_27 : i32
    %and3A = arith.andi %ne3A, %ne3A_28 : i1
    %sub3A = arith.constant 1 : i32
    %sub3A_29 = arith.subi %div3A, %sub3A : i32
    %select_n3A = arith.select %and3A, %sub3A_29, %div3A : i32
    "tpu.region"() ({
      %run_scoped3A = tpu.sem_alloc : memref<!tpu.dma_semaphore, #tpu.memory_space<semaphore_mem>>
      %dma_start3A_30 = arith.constant 0 : i32
      %dma_start3A_31 = tpu.memref_slice %arg4[%select_n3A, %dma_start3A_30] : memref<8192x128xf32, #tpu.memory_space<hbm>> -> memref<256x128xf32, #tpu.memory_space<hbm>>
      %dma_start3A_32 = arith.constant 0 : i32
      %dma_start3A_33 = tpu.memref_slice %arg4[%select_n3A, %dma_start3A_32] : memref<8192x128xf32, #tpu.memory_space<hbm>> -> memref<256x128xf32, #tpu.memory_space<hbm>>
      tpu.enqueue_dma source(%arg8 : memref<256x128xf32, #tpu.memory_space<vmem>>) target(%dma_start3A_33 : memref<256x128xf32, #tpu.memory_space<hbm>>) target_semaphore(%run_scoped3A : memref<!tpu.dma_semaphore, #tpu.memory_space<semaphore_mem>>)
      %dma_wait3A = arith.constant 0 : i32
      %dma_wait3A_34 = tpu.memref_slice %arg4[%select_n3A, %dma_wait3A] : memref<8192x128xf32, #tpu.memory_space<hbm>> -> memref<256x128xf32, #tpu.memory_space<hbm>>
      %dma_wait3A_35 = arith.constant 0 : i32
      %dma_wait3A_36 = tpu.memref_slice %arg4[%select_n3A, %dma_wait3A_35] : memref<8192x128xf32, #tpu.memory_space<hbm>> -> memref<256x128xf32, #tpu.memory_space<hbm>>
      tpu.wait_dma2 semaphore(%run_scoped3A : memref<!tpu.dma_semaphore, #tpu.memory_space<semaphore_mem>>) src(%arg8 : memref<256x128xf32, #tpu.memory_space<vmem>>) dst(%dma_wait3A_36 : memref<256x128xf32, #tpu.memory_space<hbm>>)
      tpu.yield
    }) : () -> ()
    return
  }
}

#map = affine_map<(d0, d1) -> (0)>
#map1 = affine_map<(d0, d1) -> (0, 0)>
#map2 = affine_map<(d0, d1) -> (0, 0, 0, 0)>
module attributes {stable_mosaic.version = 14 : i64} {
  func.func @run(%arg0: i32, %arg1: i32, %arg2: memref<425984xi32, #tpu.memory_space<hbm>>, %arg3: memref<2600000x32xf32, #tpu.memory_space<hbm>>, %arg4: memref<8192x128xf32, #tpu.memory_space<hbm>>, %arg5: memref<2048x7x8x128xf32, #tpu.memory_space<hbm>>, %arg6: memref<13312xi32, #tpu.memory_space<vmem>>, %arg7: memref<256x128xf32, #tpu.memory_space<vmem>>, %arg8: memref<208x32xf32, #tpu.memory_space<vmem>>, %arg9: memref<208x32xf32, #tpu.memory_space<vmem>>, %arg10: memref<7x8x128xf32, #tpu.memory_space<vmem>>, %arg11: memref<!tpu.dma_semaphore, #tpu.memory_space<semaphore_mem>>, %arg12: memref<!tpu.dma_semaphore, #tpu.memory_space<semaphore_mem>>) attributes {dimension_semantics = [#tpu.dimension_semantics<core_parallel>, #tpu.dimension_semantics<subcore_parallel>], iteration_bounds = array<i64: 2, 16>, scalar_prefetch = 0 : i64, scratch_operands = 7 : i64, tpu.core_type = #tpu.core_type<sc_vector_subcore>, window_params = [{transform_indices = #map}, {transform_indices = #map1}, {transform_indices = #map1}, {transform_indices = #map2}]} {
    %mul3A = arith.constant 2 : i32
    %mul3A_0 = arith.muli %arg1, %mul3A : i32
    %add3A = arith.addi %mul3A_0, %arg0 : i32
    %mul3A_1 = arith.constant 512 : i32
    %mul3A_2 = arith.muli %add3A, %mul3A_1 : i32
    %mul3A_3 = arith.constant 26 : i32
    %mul3A_4 = arith.muli %mul3A_2, %mul3A_3 : i32
    "tpu.region"() ({
      %run_scoped3A = tpu.sem_alloc : memref<!tpu.dma_semaphore, #tpu.memory_space<semaphore_mem>>
      %dma_start3A_30 = tpu.memref_slice %arg2[%mul3A_4] : memref<425984xi32, #tpu.memory_space<hbm>> -> memref<13312xi32, #tpu.memory_space<hbm>>
      %dma_start3A_31 = tpu.memref_slice %arg2[%mul3A_4] : memref<425984xi32, #tpu.memory_space<hbm>> -> memref<13312xi32, #tpu.memory_space<hbm>>
      tpu.enqueue_dma source(%dma_start3A_31 : memref<13312xi32, #tpu.memory_space<hbm>>) target(%arg6 : memref<13312xi32, #tpu.memory_space<vmem>>) target_semaphore(%run_scoped3A : memref<!tpu.dma_semaphore, #tpu.memory_space<semaphore_mem>>)
      %dma_wait3A = tpu.memref_slice %arg2[%mul3A_4] : memref<425984xi32, #tpu.memory_space<hbm>> -> memref<13312xi32, #tpu.memory_space<hbm>>
      %dma_wait3A_32 = tpu.memref_slice %arg2[%mul3A_4] : memref<425984xi32, #tpu.memory_space<hbm>> -> memref<13312xi32, #tpu.memory_space<hbm>>
      tpu.wait_dma2 semaphore(%run_scoped3A : memref<!tpu.dma_semaphore, #tpu.memory_space<semaphore_mem>>) src(%dma_wait3A_32 : memref<13312xi32, #tpu.memory_space<hbm>>) dst(%arg6 : memref<13312xi32, #tpu.memory_space<vmem>>)
      tpu.yield
    }) : () -> ()
    %jit3A = arith.constant 2 : i32
    %div3A = arith.divsi %mul3A_2, %jit3A : i32
    %sign3A = arith.constant 0 : i32
    %sign3A_5 = arith.cmpi sgt, %mul3A_2, %sign3A : i32
    %sign3A_6 = arith.extui %sign3A_5 : i1 to i32
    %sign3A_7 = arith.constant 0 : i32
    %sign3A_8 = arith.cmpi slt, %mul3A_2, %sign3A_7 : i32
    %sign3A_9 = arith.extui %sign3A_8 : i1 to i32
    %sign3A_10 = arith.subi %sign3A_6, %sign3A_9 : i32
    %sign3A_11 = arith.constant 0 : i32
    %sign3A_12 = arith.cmpi sgt, %jit3A, %sign3A_11 : i32
    %sign3A_13 = arith.extui %sign3A_12 : i1 to i32
    %sign3A_14 = arith.constant 0 : i32
    %sign3A_15 = arith.cmpi slt, %jit3A, %sign3A_14 : i32
    %sign3A_16 = arith.extui %sign3A_15 : i1 to i32
    %sign3A_17 = arith.subi %sign3A_13, %sign3A_16 : i32
    %ne3A = arith.cmpi ne, %sign3A_10, %sign3A_17 : i32
    %rem3A = arith.remsi %mul3A_2, %jit3A : i32
    %ne3A_18 = arith.constant 0 : i32
    %ne3A_19 = arith.cmpi ne, %rem3A, %ne3A_18 : i32
    %and3A = arith.andi %ne3A, %ne3A_19 : i1
    %sub3A = arith.constant 1 : i32
    %sub3A_20 = arith.subi %div3A, %sub3A : i32
    %select_n3A = arith.select %and3A, %sub3A_20, %div3A : i32
    "tpu.region"() ({
      %run_scoped3A = tpu.sem_alloc : memref<!tpu.dma_semaphore, #tpu.memory_space<semaphore_mem>>
      %dma_start3A_30 = arith.constant 0 : i32
      %dma_start3A_31 = tpu.memref_slice %arg4[%select_n3A, %dma_start3A_30] : memref<8192x128xf32, #tpu.memory_space<hbm>> -> memref<256x128xf32, #tpu.memory_space<hbm>>
      %dma_start3A_32 = arith.constant 0 : i32
      %dma_start3A_33 = tpu.memref_slice %arg4[%select_n3A, %dma_start3A_32] : memref<8192x128xf32, #tpu.memory_space<hbm>> -> memref<256x128xf32, #tpu.memory_space<hbm>>
      tpu.enqueue_dma source(%dma_start3A_33 : memref<256x128xf32, #tpu.memory_space<hbm>>) target(%arg7 : memref<256x128xf32, #tpu.memory_space<vmem>>) target_semaphore(%run_scoped3A : memref<!tpu.dma_semaphore, #tpu.memory_space<semaphore_mem>>)
      %dma_wait3A = arith.constant 0 : i32
      %dma_wait3A_34 = tpu.memref_slice %arg4[%select_n3A, %dma_wait3A] : memref<8192x128xf32, #tpu.memory_space<hbm>> -> memref<256x128xf32, #tpu.memory_space<hbm>>
      %dma_wait3A_35 = arith.constant 0 : i32
      %dma_wait3A_36 = tpu.memref_slice %arg4[%select_n3A, %dma_wait3A_35] : memref<8192x128xf32, #tpu.memory_space<hbm>> -> memref<256x128xf32, #tpu.memory_space<hbm>>
      tpu.wait_dma2 semaphore(%run_scoped3A : memref<!tpu.dma_semaphore, #tpu.memory_space<semaphore_mem>>) src(%dma_wait3A_36 : memref<256x128xf32, #tpu.memory_space<hbm>>) dst(%arg7 : memref<256x128xf32, #tpu.memory_space<vmem>>)
      tpu.yield
    }) : () -> ()
    %dma_start3A = arith.constant 0 : i32
    %dma_start3A_21 = tpu.memref_slice %arg6[%dma_start3A] : memref<13312xi32, #tpu.memory_space<vmem>> -> memref<208xi32, #tpu.memory_space<vmem>>
    %dma_start3A_22 = arith.constant 0 : i32
    %dma_start3A_23 = arith.constant 0 : i32
    %dma_start3A_24 = tpu.memref_slice %arg3[%dma_start3A_22, %dma_start3A_23] : memref<2600000x32xf32, #tpu.memory_space<hbm>> -> memref<2600000x32xf32, #tpu.memory_space<hbm>>
    tpu.enqueue_indirect_dma source(%dma_start3A_24 : memref<2600000x32xf32, #tpu.memory_space<hbm>>) target(%arg8 : memref<208x32xf32, #tpu.memory_space<vmem>>) offsets(%dma_start3A_21 : memref<208xi32, #tpu.memory_space<vmem>>) semaphore(%arg11 : memref<!tpu.dma_semaphore, #tpu.memory_space<semaphore_mem>>)
    %scan3A = arith.constant 0 : i32
    %scan3A_25 = arith.constant 0 : i32
    %scan3A_26 = arith.constant 32 : i32
    %scan3A_27 = arith.addi %scan3A_25, %scan3A_26 : i32
    %scan3A_28 = arith.constant 1 : i32
    scf.for %scan3A_30 = %scan3A_25 to %scan3A_27 step %scan3A_28  : i32 {
      %mul3A_31 = arith.constant 2 : i32
      %mul3A_32 = arith.muli %mul3A_31, %scan3A_30 : i32
      %add3A_33 = arith.constant 1 : i32
      %add3A_34 = arith.addi %mul3A_32, %add3A_33 : i32
      %mul3A_35 = arith.constant 8 : i32
      %mul3A_36 = arith.muli %add3A_34, %mul3A_35 : i32
      %mul3A_37 = arith.constant 26 : i32
      %mul3A_38 = arith.muli %mul3A_36, %mul3A_37 : i32
      %dma_start3A_39 = tpu.memref_slice %arg6[%mul3A_38] : memref<13312xi32, #tpu.memory_space<vmem>> -> memref<208xi32, #tpu.memory_space<vmem>>
      %dma_start3A_40 = arith.constant 0 : i32
      %dma_start3A_41 = arith.constant 0 : i32
      %dma_start3A_42 = tpu.memref_slice %arg3[%dma_start3A_40, %dma_start3A_41] : memref<2600000x32xf32, #tpu.memory_space<hbm>> -> memref<2600000x32xf32, #tpu.memory_space<hbm>>
      tpu.enqueue_indirect_dma source(%dma_start3A_42 : memref<2600000x32xf32, #tpu.memory_space<hbm>>) target(%arg9 : memref<208x32xf32, #tpu.memory_space<vmem>>) offsets(%dma_start3A_39 : memref<208xi32, #tpu.memory_space<vmem>>) semaphore(%arg12 : memref<!tpu.dma_semaphore, #tpu.memory_space<semaphore_mem>>)
      %mul3A_43 = arith.constant 8 : i32
      %mul3A_44 = arith.muli %mul3A_32, %mul3A_43 : i32
      %mul3A_45 = arith.constant 26 : i32
      %mul3A_46 = arith.muli %mul3A_44, %mul3A_45 : i32
      %dma_wait3A = tpu.memref_slice %arg6[%mul3A_46] : memref<13312xi32, #tpu.memory_space<vmem>> -> memref<208xi32, #tpu.memory_space<vmem>>
      %dma_wait3A_47 = arith.constant 0 : i32
      %dma_wait3A_48 = arith.constant 0 : i32
      %dma_wait3A_49 = tpu.memref_slice %arg3[%dma_wait3A_47, %dma_wait3A_48] : memref<2600000x32xf32, #tpu.memory_space<hbm>> -> memref<2600000x32xf32, #tpu.memory_space<hbm>>
      tpu.wait_indirect_dma semaphore(%arg11 : memref<!tpu.dma_semaphore, #tpu.memory_space<semaphore_mem>>) src(%dma_wait3A_49 : memref<2600000x32xf32, #tpu.memory_space<hbm>>) dst(%arg8 : memref<208x32xf32, #tpu.memory_space<vmem>>)
      %scan3A_50 = arith.constant 0 : i32
      %scan3A_51 = arith.constant 0 : i32
      %scan3A_52 = arith.constant 8 : i32
      %scan3A_53 = arith.addi %scan3A_51, %scan3A_52 : i32
      %scan3A_54 = arith.constant 1 : i32
      scf.for %scan3A_126 = %scan3A_51 to %scan3A_53 step %scan3A_54  : i32 {
        %mul3A_127 = arith.constant 26 : i32
        %mul3A_128 = arith.muli %scan3A_126, %mul3A_127 : i32
        %add3A_129 = arith.constant 0 : i32
        %add3A_130 = arith.addi %mul3A_128, %add3A_129 : i32
        %get3A = arith.index_cast %add3A_130 : i32 to index
        %get3A_131 = arith.constant 0 : index
        %get3A_132 = tpu.vector_load %arg8[%get3A, %get3A_131] {strides = array<i32>} : memref<208x32xf32, #tpu.memory_space<vmem>>, vector<1x16xf32>,
        %get3A_133 = vector.shape_cast %get3A_132 : vector<1x16xf32> to vector<16xf32>
        %swap3A = arith.constant 0 : i32
        %swap3A_134 = arith.index_cast %swap3A : i32 to index
        %swap3A_135 = arith.index_cast %scan3A_126 : i32 to index
        %swap3A_136 = arith.constant 0 : index
        %swap3A_137 = tpu.vector_load %arg10[%swap3A_134, %swap3A_135, %swap3A_136] {strides = array<i32>} : memref<7x8x128xf32, #tpu.memory_space<vmem>>, vector<1x1x16xf32>,
        %swap3A_138 = vector.shape_cast %swap3A_137 : vector<1x1x16xf32> to vector<16xf32>
        %swap3A_139 = vector.shape_cast %get3A_133 : vector<16xf32> to vector<1x1x16xf32>
        tpu.vector_store %arg10[%swap3A_134, %swap3A_135, %swap3A_136], %swap3A_139 {strides = array<i32>} : memref<7x8x128xf32, #tpu.memory_space<vmem>>, vector<1x1x16xf32>,
        %get3A_140 = arith.index_cast %add3A_130 : i32 to index
        %get3A_141 = arith.constant 16 : index
        %get3A_142 = tpu.vector_load %arg8[%get3A_140, %get3A_141] {strides = array<i32>} : memref<208x32xf32, #tpu.memory_space<vmem>>, vector<1x16xf32>,
        %get3A_143 = vector.shape_cast %get3A_142 : vector<1x16xf32> to vector<16xf32>
        %swap3A_144 = arith.constant 0 : i32
        %swap3A_145 = arith.index_cast %swap3A_144 : i32 to index
        %swap3A_146 = arith.index_cast %scan3A_126 : i32 to index
        %swap3A_147 = arith.constant 16 : index
        %swap3A_148 = tpu.vector_load %arg10[%swap3A_145, %swap3A_146, %swap3A_147] {strides = array<i32>} : memref<7x8x128xf32, #tpu.memory_space<vmem>>, vector<1x1x16xf32>,
        %swap3A_149 = vector.shape_cast %swap3A_148 : vector<1x1x16xf32> to vector<16xf32>
        %swap3A_150 = vector.shape_cast %get3A_143 : vector<16xf32> to vector<1x1x16xf32>
        tpu.vector_store %arg10[%swap3A_145, %swap3A_146, %swap3A_147], %swap3A_150 {strides = array<i32>} : memref<7x8x128xf32, #tpu.memory_space<vmem>>, vector<1x1x16xf32>,
        %mul3A_151 = arith.constant 26 : i32
        %mul3A_152 = arith.muli %scan3A_126, %mul3A_151 : i32
        %add3A_153 = arith.constant 1 : i32
        %add3A_154 = arith.addi %mul3A_152, %add3A_153 : i32
        %get3A_155 = arith.index_cast %add3A_154 : i32 to index
        %get3A_156 = arith.constant 0 : index
        %get3A_157 = tpu.vector_load %arg8[%get3A_155, %get3A_156] {strides = array<i32>} : memref<208x32xf32, #tpu.memory_space<vmem>>, vector<1x16xf32>,
        %get3A_158 = vector.shape_cast %get3A_157 : vector<1x16xf32> to vector<16xf32>
        %swap3A_159 = arith.constant 0 : i32
        %swap3A_160 = arith.index_cast %swap3A_159 : i32 to index
        %swap3A_161 = arith.index_cast %scan3A_126 : i32 to index
        %swap3A_162 = arith.constant 32 : index
        %swap3A_163 = tpu.vector_load %arg10[%swap3A_160, %swap3A_161, %swap3A_162] {strides = array<i32>} : memref<7x8x128xf32, #tpu.memory_space<vmem>>, vector<1x1x16xf32>,
        %swap3A_164 = vector.shape_cast %swap3A_163 : vector<1x1x16xf32> to vector<16xf32>
        %swap3A_165 = vector.shape_cast %get3A_158 : vector<16xf32> to vector<1x1x16xf32>
        tpu.vector_store %arg10[%swap3A_160, %swap3A_161, %swap3A_162], %swap3A_165 {strides = array<i32>} : memref<7x8x128xf32, #tpu.memory_space<vmem>>, vector<1x1x16xf32>,
        %get3A_166 = arith.index_cast %add3A_154 : i32 to index
        %get3A_167 = arith.constant 16 : index
        %get3A_168 = tpu.vector_load %arg8[%get3A_166, %get3A_167] {strides = array<i32>} : memref<208x32xf32, #tpu.memory_space<vmem>>, vector<1x16xf32>,
        %get3A_169 = vector.shape_cast %get3A_168 : vector<1x16xf32> to vector<16xf32>
        %swap3A_170 = arith.constant 0 : i32
        %swap3A_171 = arith.index_cast %swap3A_170 : i32 to index
        %swap3A_172 = arith.index_cast %scan3A_126 : i32 to index
        %swap3A_173 = arith.constant 48 : index
        %swap3A_174 = tpu.vector_load %arg10[%swap3A_171, %swap3A_172, %swap3A_173] {strides = array<i32>} : memref<7x8x128xf32, #tpu.memory_space<vmem>>, vector<1x1x16xf32>,
        %swap3A_175 = vector.shape_cast %swap3A_174 : vector<1x1x16xf32> to vector<16xf32>
        %swap3A_176 = vector.shape_cast %get3A_169 : vector<16xf32> to vector<1x1x16xf32>
        tpu.vector_store %arg10[%swap3A_171, %swap3A_172, %swap3A_173], %swap3A_176 {strides = array<i32>} : memref<7x8x128xf32, #tpu.memory_space<vmem>>, vector<1x1x16xf32>,
        %mul3A_177 = arith.constant 26 : i32
        %mul3A_178 = arith.muli %scan3A_126, %mul3A_177 : i32
        %add3A_179 = arith.constant 2 : i32
        %add3A_180 = arith.addi %mul3A_178, %add3A_179 : i32
        %get3A_181 = arith.index_cast %add3A_180 : i32 to index
        %get3A_182 = arith.constant 0 : index
        %get3A_183 = tpu.vector_load %arg8[%get3A_181, %get3A_182] {strides = array<i32>} : memref<208x32xf32, #tpu.memory_space<vmem>>, vector<1x16xf32>,
        %get3A_184 = vector.shape_cast %get3A_183 : vector<1x16xf32> to vector<16xf32>
        %swap3A_185 = arith.constant 0 : i32
        %swap3A_186 = arith.index_cast %swap3A_185 : i32 to index
        %swap3A_187 = arith.index_cast %scan3A_126 : i32 to index
        %swap3A_188 = arith.constant 64 : index
        %swap3A_189 = tpu.vector_load %arg10[%swap3A_186, %swap3A_187, %swap3A_188] {strides = array<i32>} : memref<7x8x128xf32, #tpu.memory_space<vmem>>, vector<1x1x16xf32>,
        %swap3A_190 = vector.shape_cast %swap3A_189 : vector<1x1x16xf32> to vector<16xf32>
        %swap3A_191 = vector.shape_cast %get3A_184 : vector<16xf32> to vector<1x1x16xf32>
        tpu.vector_store %arg10[%swap3A_186, %swap3A_187, %swap3A_188], %swap3A_191 {strides = array<i32>} : memref<7x8x128xf32, #tpu.memory_space<vmem>>, vector<1x1x16xf32>,
        %get3A_192 = arith.index_cast %add3A_180 : i32 to index
        %get3A_193 = arith.constant 16 : index
        %get3A_194 = tpu.vector_load %arg8[%get3A_192, %get3A_193] {strides = array<i32>} : memref<208x32xf32, #tpu.memory_space<vmem>>, vector<1x16xf32>,
        %get3A_195 = vector.shape_cast %get3A_194 : vector<1x16xf32> to vector<16xf32>
        %swap3A_196 = arith.constant 0 : i32
        %swap3A_197 = arith.index_cast %swap3A_196 : i32 to index
        %swap3A_198 = arith.index_cast %scan3A_126 : i32 to index
        %swap3A_199 = arith.constant 80 : index
        %swap3A_200 = tpu.vector_load %arg10[%swap3A_197, %swap3A_198, %swap3A_199] {strides = array<i32>} : memref<7x8x128xf32, #tpu.memory_space<vmem>>, vector<1x1x16xf32>,
        %swap3A_201 = vector.shape_cast %swap3A_200 : vector<1x1x16xf32> to vector<16xf32>
        %swap3A_202 = vector.shape_cast %get3A_195 : vector<16xf32> to vector<1x1x16xf32>
        tpu.vector_store %arg10[%swap3A_197, %swap3A_198, %swap3A_199], %swap3A_202 {strides = array<i32>} : memref<7x8x128xf32, #tpu.memory_space<vmem>>, vector<1x1x16xf32>,
        %mul3A_203 = arith.constant 26 : i32
        %mul3A_204 = arith.muli %scan3A_126, %mul3A_203 : i32
        %add3A_205 = arith.constant 3 : i32
        %add3A_206 = arith.addi %mul3A_204, %add3A_205 : i32
        %get3A_207 = arith.index_cast %add3A_206 : i32 to index
        %get3A_208 = arith.constant 0 : index
        %get3A_209 = tpu.vector_load %arg8[%get3A_207, %get3A_208] {strides = array<i32>} : memref<208x32xf32, #tpu.memory_space<vmem>>, vector<1x16xf32>,
        %get3A_210 = vector.shape_cast %get3A_209 : vector<1x16xf32> to vector<16xf32>
        %swap3A_211 = arith.constant 0 : i32
        %swap3A_212 = arith.index_cast %swap3A_211 : i32 to index
        %swap3A_213 = arith.index_cast %scan3A_126 : i32 to index
        %swap3A_214 = arith.constant 96 : index
        %swap3A_215 = tpu.vector_load %arg10[%swap3A_212, %swap3A_213, %swap3A_214] {strides = array<i32>} : memref<7x8x128xf32, #tpu.memory_space<vmem>>, vector<1x1x16xf32>,
        %swap3A_216 = vector.shape_cast %swap3A_215 : vector<1x1x16xf32> to vector<16xf32>
        %swap3A_217 = vector.shape_cast %get3A_210 : vector<16xf32> to vector<1x1x16xf32>
        tpu.vector_store %arg10[%swap3A_212, %swap3A_213, %swap3A_214], %swap3A_217 {strides = array<i32>} : memref<7x8x128xf32, #tpu.memory_space<vmem>>, vector<1x1x16xf32>,
        %get3A_218 = arith.index_cast %add3A_206 : i32 to index
        %get3A_219 = arith.constant 16 : index
        %get3A_220 = tpu.vector_load %arg8[%get3A_218, %get3A_219] {strides = array<i32>} : memref<208x32xf32, #tpu.memory_space<vmem>>, vector<1x16xf32>,
        %get3A_221 = vector.shape_cast %get3A_220 : vector<1x16xf32> to vector<16xf32>
        %swap3A_222 = arith.constant 0 : i32
        %swap3A_223 = arith.index_cast %swap3A_222 : i32 to index
        %swap3A_224 = arith.index_cast %scan3A_126 : i32 to index
        %swap3A_225 = arith.constant 112 : index
        %swap3A_226 = tpu.vector_load %arg10[%swap3A_223, %swap3A_224, %swap3A_225] {strides = array<i32>} : memref<7x8x128xf32, #tpu.memory_space<vmem>>, vector<1x1x16xf32>,
        %swap3A_227 = vector.shape_cast %swap3A_226 : vector<1x1x16xf32> to vector<16xf32>
        %swap3A_228 = vector.shape_cast %get3A_221 : vector<16xf32> to vector<1x1x16xf32>
        tpu.vector_store %arg10[%swap3A_223, %swap3A_224, %swap3A_225], %swap3A_228 {strides = array<i32>} : memref<7x8x128xf32, #tpu.memory_space<vmem>>, vector<1x1x16xf32>,
        %mul3A_229 = arith.constant 26 : i32
        %mul3A_230 = arith.muli %scan3A_126, %mul3A_229 : i32
        %add3A_231 = arith.constant 4 : i32
        %add3A_232 = arith.addi %mul3A_230, %add3A_231 : i32
        %get3A_233 = arith.index_cast %add3A_232 : i32 to index
        %get3A_234 = arith.constant 0 : index
        %get3A_235 = tpu.vector_load %arg8[%get3A_233, %get3A_234] {strides = array<i32>} : memref<208x32xf32, #tpu.memory_space<vmem>>, vector<1x16xf32>,
        %get3A_236 = vector.shape_cast %get3A_235 : vector<1x16xf32> to vector<16xf32>
        %swap3A_237 = arith.constant 1 : i32
        %swap3A_238 = arith.index_cast %swap3A_237 : i32 to index
        %swap3A_239 = arith.index_cast %scan3A_126 : i32 to index
        %swap3A_240 = arith.constant 0 : index
        %swap3A_241 = tpu.vector_load %arg10[%swap3A_238, %swap3A_239, %swap3A_240] {strides = array<i32>} : memref<7x8x128xf32, #tpu.memory_space<vmem>>, vector<1x1x16xf32>,
        %swap3A_242 = vector.shape_cast %swap3A_241 : vector<1x1x16xf32> to vector<16xf32>
        %swap3A_243 = vector.shape_cast %get3A_236 : vector<16xf32> to vector<1x1x16xf32>
        tpu.vector_store %arg10[%swap3A_238, %swap3A_239, %swap3A_240], %swap3A_243 {strides = array<i32>} : memref<7x8x128xf32, #tpu.memory_space<vmem>>, vector<1x1x16xf32>,
        %get3A_244 = arith.index_cast %add3A_232 : i32 to index
        %get3A_245 = arith.constant 16 : index
        %get3A_246 = tpu.vector_load %arg8[%get3A_244, %get3A_245] {strides = array<i32>} : memref<208x32xf32, #tpu.memory_space<vmem>>, vector<1x16xf32>,
        %get3A_247 = vector.shape_cast %get3A_246 : vector<1x16xf32> to vector<16xf32>
        %swap3A_248 = arith.constant 1 : i32
        %swap3A_249 = arith.index_cast %swap3A_248 : i32 to index
        %swap3A_250 = arith.index_cast %scan3A_126 : i32 to index
        %swap3A_251 = arith.constant 16 : index
        %swap3A_252 = tpu.vector_load %arg10[%swap3A_249, %swap3A_250, %swap3A_251] {strides = array<i32>} : memref<7x8x128xf32, #tpu.memory_space<vmem>>, vector<1x1x16xf32>,
        %swap3A_253 = vector.shape_cast %swap3A_252 : vector<1x1x16xf32> to vector<16xf32>
        %swap3A_254 = vector.shape_cast %get3A_247 : vector<16xf32> to vector<1x1x16xf32>
        tpu.vector_store %arg10[%swap3A_249, %swap3A_250, %swap3A_251], %swap3A_254 {strides = array<i32>} : memref<7x8x128xf32, #tpu.memory_space<vmem>>, vector<1x1x16xf32>,
        %mul3A_255 = arith.constant 26 : i32
        %mul3A_256 = arith.muli %scan3A_126, %mul3A_255 : i32
        %add3A_257 = arith.constant 5 : i32
        %add3A_258 = arith.addi %mul3A_256, %add3A_257 : i32
        %get3A_259 = arith.index_cast %add3A_258 : i32 to index
        %get3A_260 = arith.constant 0 : index
        %get3A_261 = tpu.vector_load %arg8[%get3A_259, %get3A_260] {strides = array<i32>} : memref<208x32xf32, #tpu.memory_space<vmem>>, vector<1x16xf32>,
        %get3A_262 = vector.shape_cast %get3A_261 : vector<1x16xf32> to vector<16xf32>
        %swap3A_263 = arith.constant 1 : i32
        %swap3A_264 = arith.index_cast %swap3A_263 : i32 to index
        %swap3A_265 = arith.index_cast %scan3A_126 : i32 to index
        %swap3A_266 = arith.constant 32 : index
        %swap3A_267 = tpu.vector_load %arg10[%swap3A_264, %swap3A_265, %swap3A_266] {strides = array<i32>} : memref<7x8x128xf32, #tpu.memory_space<vmem>>, vector<1x1x16xf32>,
        %swap3A_268 = vector.shape_cast %swap3A_267 : vector<1x1x16xf32> to vector<16xf32>
        %swap3A_269 = vector.shape_cast %get3A_262 : vector<16xf32> to vector<1x1x16xf32>
        tpu.vector_store %arg10[%swap3A_264, %swap3A_265, %swap3A_266], %swap3A_269 {strides = array<i32>} : memref<7x8x128xf32, #tpu.memory_space<vmem>>, vector<1x1x16xf32>,
        %get3A_270 = arith.index_cast %add3A_258 : i32 to index
        %get3A_271 = arith.constant 16 : index
        %get3A_272 = tpu.vector_load %arg8[%get3A_270, %get3A_271] {strides = array<i32>} : memref<208x32xf32, #tpu.memory_space<vmem>>, vector<1x16xf32>,
        %get3A_273 = vector.shape_cast %get3A_272 : vector<1x16xf32> to vector<16xf32>
        %swap3A_274 = arith.constant 1 : i32
        %swap3A_275 = arith.index_cast %swap3A_274 : i32 to index
        %swap3A_276 = arith.index_cast %scan3A_126 : i32 to index
        %swap3A_277 = arith.constant 48 : index
        %swap3A_278 = tpu.vector_load %arg10[%swap3A_275, %swap3A_276, %swap3A_277] {strides = array<i32>} : memref<7x8x128xf32, #tpu.memory_space<vmem>>, vector<1x1x16xf32>,
        %swap3A_279 = vector.shape_cast %swap3A_278 : vector<1x1x16xf32> to vector<16xf32>
        %swap3A_280 = vector.shape_cast %get3A_273 : vector<16xf32> to vector<1x1x16xf32>
        tpu.vector_store %arg10[%swap3A_275, %swap3A_276, %swap3A_277], %swap3A_280 {strides = array<i32>} : memref<7x8x128xf32, #tpu.memory_space<vmem>>, vector<1x1x16xf32>,
        %mul3A_281 = arith.constant 26 : i32
        %mul3A_282 = arith.muli %scan3A_126, %mul3A_281 : i32
        %add3A_283 = arith.constant 6 : i32
        %add3A_284 = arith.addi %mul3A_282, %add3A_283 : i32
        %get3A_285 = arith.index_cast %add3A_284 : i32 to index
        %get3A_286 = arith.constant 0 : index
        %get3A_287 = tpu.vector_load %arg8[%get3A_285, %get3A_286] {strides = array<i32>} : memref<208x32xf32, #tpu.memory_space<vmem>>, vector<1x16xf32>,
        %get3A_288 = vector.shape_cast %get3A_287 : vector<1x16xf32> to vector<16xf32>
        %swap3A_289 = arith.constant 1 : i32
        %swap3A_290 = arith.index_cast %swap3A_289 : i32 to index
        %swap3A_291 = arith.index_cast %scan3A_126 : i32 to index
        %swap3A_292 = arith.constant 64 : index
        %swap3A_293 = tpu.vector_load %arg10[%swap3A_290, %swap3A_291, %swap3A_292] {strides = array<i32>} : memref<7x8x128xf32, #tpu.memory_space<vmem>>, vector<1x1x16xf32>,
        %swap3A_294 = vector.shape_cast %swap3A_293 : vector<1x1x16xf32> to vector<16xf32>
        %swap3A_295 = vector.shape_cast %get3A_288 : vector<16xf32> to vector<1x1x16xf32>
        tpu.vector_store %arg10[%swap3A_290, %swap3A_291, %swap3A_292], %swap3A_295 {strides = array<i32>} : memref<7x8x128xf32, #tpu.memory_space<vmem>>, vector<1x1x16xf32>,
        %get3A_296 = arith.index_cast %add3A_284 : i32 to index
        %get3A_297 = arith.constant 16 : index
        %get3A_298 = tpu.vector_load %arg8[%get3A_296, %get3A_297] {strides = array<i32>} : memref<208x32xf32, #tpu.memory_space<vmem>>, vector<1x16xf32>,
        %get3A_299 = vector.shape_cast %get3A_298 : vector<1x16xf32> to vector<16xf32>
        %swap3A_300 = arith.constant 1 : i32
        %swap3A_301 = arith.index_cast %swap3A_300 : i32 to index
        %swap3A_302 = arith.index_cast %scan3A_126 : i32 to index
        %swap3A_303 = arith.constant 80 : index
        %swap3A_304 = tpu.vector_load %arg10[%swap3A_301, %swap3A_302, %swap3A_303] {strides = array<i32>} : memref<7x8x128xf32, #tpu.memory_space<vmem>>, vector<1x1x16xf32>,
        %swap3A_305 = vector.shape_cast %swap3A_304 : vector<1x1x16xf32> to vector<16xf32>
        %swap3A_306 = vector.shape_cast %get3A_299 : vector<16xf32> to vector<1x1x16xf32>
        tpu.vector_store %arg10[%swap3A_301, %swap3A_302, %swap3A_303], %swap3A_306 {strides = array<i32>} : memref<7x8x128xf32, #tpu.memory_space<vmem>>, vector<1x1x16xf32>,
        %mul3A_307 = arith.constant 26 : i32
        %mul3A_308 = arith.muli %scan3A_126, %mul3A_307 : i32
        %add3A_309 = arith.constant 7 : i32
        %add3A_310 = arith.addi %mul3A_308, %add3A_309 : i32
        %get3A_311 = arith.index_cast %add3A_310 : i32 to index
        %get3A_312 = arith.constant 0 : index
        %get3A_313 = tpu.vector_load %arg8[%get3A_311, %get3A_312] {strides = array<i32>} : memref<208x32xf32, #tpu.memory_space<vmem>>, vector<1x16xf32>,
        %get3A_314 = vector.shape_cast %get3A_313 : vector<1x16xf32> to vector<16xf32>
        %swap3A_315 = arith.constant 1 : i32
        %swap3A_316 = arith.index_cast %swap3A_315 : i32 to index
        %swap3A_317 = arith.index_cast %scan3A_126 : i32 to index
        %swap3A_318 = arith.constant 96 : index
        %swap3A_319 = tpu.vector_load %arg10[%swap3A_316, %swap3A_317, %swap3A_318] {strides = array<i32>} : memref<7x8x128xf32, #tpu.memory_space<vmem>>, vector<1x1x16xf32>,
        %swap3A_320 = vector.shape_cast %swap3A_319 : vector<1x1x16xf32> to vector<16xf32>
        %swap3A_321 = vector.shape_cast %get3A_314 : vector<16xf32> to vector<1x1x16xf32>
        tpu.vector_store %arg10[%swap3A_316, %swap3A_317, %swap3A_318], %swap3A_321 {strides = array<i32>} : memref<7x8x128xf32, #tpu.memory_space<vmem>>, vector<1x1x16xf32>,
        %get3A_322 = arith.index_cast %add3A_310 : i32 to index
        %get3A_323 = arith.constant 16 : index
        %get3A_324 = tpu.vector_load %arg8[%get3A_322, %get3A_323] {strides = array<i32>} : memref<208x32xf32, #tpu.memory_space<vmem>>, vector<1x16xf32>,
        %get3A_325 = vector.shape_cast %get3A_324 : vector<1x16xf32> to vector<16xf32>
        %swap3A_326 = arith.constant 1 : i32
        %swap3A_327 = arith.index_cast %swap3A_326 : i32 to index
        %swap3A_328 = arith.index_cast %scan3A_126 : i32 to index
        %swap3A_329 = arith.constant 112 : index
        %swap3A_330 = tpu.vector_load %arg10[%swap3A_327, %swap3A_328, %swap3A_329] {strides = array<i32>} : memref<7x8x128xf32, #tpu.memory_space<vmem>>, vector<1x1x16xf32>,
        %swap3A_331 = vector.shape_cast %swap3A_330 : vector<1x1x16xf32> to vector<16xf32>
        %swap3A_332 = vector.shape_cast %get3A_325 : vector<16xf32> to vector<1x1x16xf32>
        tpu.vector_store %arg10[%swap3A_327, %swap3A_328, %swap3A_329], %swap3A_332 {strides = array<i32>} : memref<7x8x128xf32, #tpu.memory_space<vmem>>, vector<1x1x16xf32>,
        %mul3A_333 = arith.constant 26 : i32
        %mul3A_334 = arith.muli %scan3A_126, %mul3A_333 : i32
        %add3A_335 = arith.constant 8 : i32
        %add3A_336 = arith.addi %mul3A_334, %add3A_335 : i32
        %get3A_337 = arith.index_cast %add3A_336 : i32 to index
        %get3A_338 = arith.constant 0 : index
        %get3A_339 = tpu.vector_load %arg8[%get3A_337, %get3A_338] {strides = array<i32>} : memref<208x32xf32, #tpu.memory_space<vmem>>, vector<1x16xf32>,
        %get3A_340 = vector.shape_cast %get3A_339 : vector<1x16xf32> to vector<16xf32>
        %swap3A_341 = arith.constant 2 : i32
        %swap3A_342 = arith.index_cast %swap3A_341 : i32 to index
        %swap3A_343 = arith.index_cast %scan3A_126 : i32 to index
        %swap3A_344 = arith.constant 0 : index
        %swap3A_345 = tpu.vector_load %arg10[%swap3A_342, %swap3A_343, %swap3A_344] {strides = array<i32>} : memref<7x8x128xf32, #tpu.memory_space<vmem>>, vector<1x1x16xf32>,
        %swap3A_346 = vector.shape_cast %swap3A_345 : vector<1x1x16xf32> to vector<16xf32>
        %swap3A_347 = vector.shape_cast %get3A_340 : vector<16xf32> to vector<1x1x16xf32>
        tpu.vector_store %arg10[%swap3A_342, %swap3A_343, %swap3A_344], %swap3A_347 {strides = array<i32>} : memref<7x8x128xf32, #tpu.memory_space<vmem>>, vector<1x1x16xf32>,
        %get3A_348 = arith.index_cast %add3A_336 : i32 to index
        %get3A_349 = arith.constant 16 : index
        %get3A_350 = tpu.vector_load %arg8[%get3A_348, %get3A_349] {strides = array<i32>} : memref<208x32xf32, #tpu.memory_space<vmem>>, vector<1x16xf32>,
        %get3A_351 = vector.shape_cast %get3A_350 : vector<1x16xf32> to vector<16xf32>
        %swap3A_352 = arith.constant 2 : i32
        %swap3A_353 = arith.index_cast %swap3A_352 : i32 to index
        %swap3A_354 = arith.index_cast %scan3A_126 : i32 to index
        %swap3A_355 = arith.constant 16 : index
        %swap3A_356 = tpu.vector_load %arg10[%swap3A_353, %swap3A_354, %swap3A_355] {strides = array<i32>} : memref<7x8x128xf32, #tpu.memory_space<vmem>>, vector<1x1x16xf32>,
        %swap3A_357 = vector.shape_cast %swap3A_356 : vector<1x1x16xf32> to vector<16xf32>
        %swap3A_358 = vector.shape_cast %get3A_351 : vector<16xf32> to vector<1x1x16xf32>
        tpu.vector_store %arg10[%swap3A_353, %swap3A_354, %swap3A_355], %swap3A_358 {strides = array<i32>} : memref<7x8x128xf32, #tpu.memory_space<vmem>>, vector<1x1x16xf32>,
        %mul3A_359 = arith.constant 26 : i32
        %mul3A_360 = arith.muli %scan3A_126, %mul3A_359 : i32
        %add3A_361 = arith.constant 9 : i32
        %add3A_362 = arith.addi %mul3A_360, %add3A_361 : i32
        %get3A_363 = arith.index_cast %add3A_362 : i32 to index
        %get3A_364 = arith.constant 0 : index
        %get3A_365 = tpu.vector_load %arg8[%get3A_363, %get3A_364] {strides = array<i32>} : memref<208x32xf32, #tpu.memory_space<vmem>>, vector<1x16xf32>,
        %get3A_366 = vector.shape_cast %get3A_365 : vector<1x16xf32> to vector<16xf32>
        %swap3A_367 = arith.constant 2 : i32
        %swap3A_368 = arith.index_cast %swap3A_367 : i32 to index
        %swap3A_369 = arith.index_cast %scan3A_126 : i32 to index
        %swap3A_370 = arith.constant 32 : index
        %swap3A_371 = tpu.vector_load %arg10[%swap3A_368, %swap3A_369, %swap3A_370] {strides = array<i32>} : memref<7x8x128xf32, #tpu.memory_space<vmem>>, vector<1x1x16xf32>,
        %swap3A_372 = vector.shape_cast %swap3A_371 : vector<1x1x16xf32> to vector<16xf32>
        %swap3A_373 = vector.shape_cast %get3A_366 : vector<16xf32> to vector<1x1x16xf32>
        tpu.vector_store %arg10[%swap3A_368, %swap3A_369, %swap3A_370], %swap3A_373 {strides = array<i32>} : memref<7x8x128xf32, #tpu.memory_space<vmem>>, vector<1x1x16xf32>,
        %get3A_374 = arith.index_cast %add3A_362 : i32 to index
        %get3A_375 = arith.constant 16 : index
        %get3A_376 = tpu.vector_load %arg8[%get3A_374, %get3A_375] {strides = array<i32>} : memref<208x32xf32, #tpu.memory_space<vmem>>, vector<1x16xf32>,
        %get3A_377 = vector.shape_cast %get3A_376 : vector<1x16xf32> to vector<16xf32>
        %swap3A_378 = arith.constant 2 : i32
        %swap3A_379 = arith.index_cast %swap3A_378 : i32 to index
        %swap3A_380 = arith.index_cast %scan3A_126 : i32 to index
        %swap3A_381 = arith.constant 48 : index
        %swap3A_382 = tpu.vector_load %arg10[%swap3A_379, %swap3A_380, %swap3A_381] {strides = array<i32>} : memref<7x8x128xf32, #tpu.memory_space<vmem>>, vector<1x1x16xf32>,
        %swap3A_383 = vector.shape_cast %swap3A_382 : vector<1x1x16xf32> to vector<16xf32>
        %swap3A_384 = vector.shape_cast %get3A_377 : vector<16xf32> to vector<1x1x16xf32>
        tpu.vector_store %arg10[%swap3A_379, %swap3A_380, %swap3A_381], %swap3A_384 {strides = array<i32>} : memref<7x8x128xf32, #tpu.memory_space<vmem>>, vector<1x1x16xf32>,
        %mul3A_385 = arith.constant 26 : i32
        %mul3A_386 = arith.muli %scan3A_126, %mul3A_385 : i32
        %add3A_387 = arith.constant 10 : i32
        %add3A_388 = arith.addi %mul3A_386, %add3A_387 : i32
        %get3A_389 = arith.index_cast %add3A_388 : i32 to index
        %get3A_390 = arith.constant 0 : index
        %get3A_391 = tpu.vector_load %arg8[%get3A_389, %get3A_390] {strides = array<i32>} : memref<208x32xf32, #tpu.memory_space<vmem>>, vector<1x16xf32>,
        %get3A_392 = vector.shape_cast %get3A_391 : vector<1x16xf32> to vector<16xf32>
        %swap3A_393 = arith.constant 2 : i32
        %swap3A_394 = arith.index_cast %swap3A_393 : i32 to index
        %swap3A_395 = arith.index_cast %scan3A_126 : i32 to index
        %swap3A_396 = arith.constant 64 : index
        %swap3A_397 = tpu.vector_load %arg10[%swap3A_394, %swap3A_395, %swap3A_396] {strides = array<i32>} : memref<7x8x128xf32, #tpu.memory_space<vmem>>, vector<1x1x16xf32>,
        %swap3A_398 = vector.shape_cast %swap3A_397 : vector<1x1x16xf32> to vector<16xf32>
        %swap3A_399 = vector.shape_cast %get3A_392 : vector<16xf32> to vector<1x1x16xf32>
        tpu.vector_store %arg10[%swap3A_394, %swap3A_395, %swap3A_396], %swap3A_399 {strides = array<i32>} : memref<7x8x128xf32, #tpu.memory_space<vmem>>, vector<1x1x16xf32>,
        %get3A_400 = arith.index_cast %add3A_388 : i32 to index
        %get3A_401 = arith.constant 16 : index
        %get3A_402 = tpu.vector_load %arg8[%get3A_400, %get3A_401] {strides = array<i32>} : memref<208x32xf32, #tpu.memory_space<vmem>>, vector<1x16xf32>,
        %get3A_403 = vector.shape_cast %get3A_402 : vector<1x16xf32> to vector<16xf32>
        %swap3A_404 = arith.constant 2 : i32
        %swap3A_405 = arith.index_cast %swap3A_404 : i32 to index
        %swap3A_406 = arith.index_cast %scan3A_126 : i32 to index
        %swap3A_407 = arith.constant 80 : index
        %swap3A_408 = tpu.vector_load %arg10[%swap3A_405, %swap3A_406, %swap3A_407] {strides = array<i32>} : memref<7x8x128xf32, #tpu.memory_space<vmem>>, vector<1x1x16xf32>,
        %swap3A_409 = vector.shape_cast %swap3A_408 : vector<1x1x16xf32> to vector<16xf32>
        %swap3A_410 = vector.shape_cast %get3A_403 : vector<16xf32> to vector<1x1x16xf32>
        tpu.vector_store %arg10[%swap3A_405, %swap3A_406, %swap3A_407], %swap3A_410 {strides = array<i32>} : memref<7x8x128xf32, #tpu.memory_space<vmem>>, vector<1x1x16xf32>,
        %mul3A_411 = arith.constant 26 : i32
        %mul3A_412 = arith.muli %scan3A_126, %mul3A_411 : i32
        %add3A_413 = arith.constant 11 : i32
        %add3A_414 = arith.addi %mul3A_412, %add3A_413 : i32
        %get3A_415 = arith.index_cast %add3A_414 : i32 to index
        %get3A_416 = arith.constant 0 : index
        %get3A_417 = tpu.vector_load %arg8[%get3A_415, %get3A_416] {strides = array<i32>} : memref<208x32xf32, #tpu.memory_space<vmem>>, vector<1x16xf32>,
        %get3A_418 = vector.shape_cast %get3A_417 : vector<1x16xf32> to vector<16xf32>
        %swap3A_419 = arith.constant 2 : i32
        %swap3A_420 = arith.index_cast %swap3A_419 : i32 to index
        %swap3A_421 = arith.index_cast %scan3A_126 : i32 to index
        %swap3A_422 = arith.constant 96 : index
        %swap3A_423 = tpu.vector_load %arg10[%swap3A_420, %swap3A_421, %swap3A_422] {strides = array<i32>} : memref<7x8x128xf32, #tpu.memory_space<vmem>>, vector<1x1x16xf32>,
        %swap3A_424 = vector.shape_cast %swap3A_423 : vector<1x1x16xf32> to vector<16xf32>
        %swap3A_425 = vector.shape_cast %get3A_418 : vector<16xf32> to vector<1x1x16xf32>
        tpu.vector_store %arg10[%swap3A_420, %swap3A_421, %swap3A_422], %swap3A_425 {strides = array<i32>} : memref<7x8x128xf32, #tpu.memory_space<vmem>>, vector<1x1x16xf32>,
        %get3A_426 = arith.index_cast %add3A_414 : i32 to index
        %get3A_427 = arith.constant 16 : index
        %get3A_428 = tpu.vector_load %arg8[%get3A_426, %get3A_427] {strides = array<i32>} : memref<208x32xf32, #tpu.memory_space<vmem>>, vector<1x16xf32>,
        %get3A_429 = vector.shape_cast %get3A_428 : vector<1x16xf32> to vector<16xf32>
        %swap3A_430 = arith.constant 2 : i32
        %swap3A_431 = arith.index_cast %swap3A_430 : i32 to index
        %swap3A_432 = arith.index_cast %scan3A_126 : i32 to index
        %swap3A_433 = arith.constant 112 : index
        %swap3A_434 = tpu.vector_load %arg10[%swap3A_431, %swap3A_432, %swap3A_433] {strides = array<i32>} : memref<7x8x128xf32, #tpu.memory_space<vmem>>, vector<1x1x16xf32>,
        %swap3A_435 = vector.shape_cast %swap3A_434 : vector<1x1x16xf32> to vector<16xf32>
        %swap3A_436 = vector.shape_cast %get3A_429 : vector<16xf32> to vector<1x1x16xf32>
        tpu.vector_store %arg10[%swap3A_431, %swap3A_432, %swap3A_433], %swap3A_436 {strides = array<i32>} : memref<7x8x128xf32, #tpu.memory_space<vmem>>, vector<1x1x16xf32>,
        %mul3A_437 = arith.constant 26 : i32
        %mul3A_438 = arith.muli %scan3A_126, %mul3A_437 : i32
        %add3A_439 = arith.constant 12 : i32
        %add3A_440 = arith.addi %mul3A_438, %add3A_439 : i32
        %get3A_441 = arith.index_cast %add3A_440 : i32 to index
        %get3A_442 = arith.constant 0 : index
        %get3A_443 = tpu.vector_load %arg8[%get3A_441, %get3A_442] {strides = array<i32>} : memref<208x32xf32, #tpu.memory_space<vmem>>, vector<1x16xf32>,
        %get3A_444 = vector.shape_cast %get3A_443 : vector<1x16xf32> to vector<16xf32>
        %swap3A_445 = arith.constant 3 : i32
        %swap3A_446 = arith.index_cast %swap3A_445 : i32 to index
        %swap3A_447 = arith.index_cast %scan3A_126 : i32 to index
        %swap3A_448 = arith.constant 0 : index
        %swap3A_449 = tpu.vector_load %arg10[%swap3A_446, %swap3A_447, %swap3A_448] {strides = array<i32>} : memref<7x8x128xf32, #tpu.memory_space<vmem>>, vector<1x1x16xf32>,
        %swap3A_450 = vector.shape_cast %swap3A_449 : vector<1x1x16xf32> to vector<16xf32>
        %swap3A_451 = vector.shape_cast %get3A_444 : vector<16xf32> to vector<1x1x16xf32>
        tpu.vector_store %arg10[%swap3A_446, %swap3A_447, %swap3A_448], %swap3A_451 {strides = array<i32>} : memref<7x8x128xf32, #tpu.memory_space<vmem>>, vector<1x1x16xf32>,
        %get3A_452 = arith.index_cast %add3A_440 : i32 to index
        %get3A_453 = arith.constant 16 : index
        %get3A_454 = tpu.vector_load %arg8[%get3A_452, %get3A_453] {strides = array<i32>} : memref<208x32xf32, #tpu.memory_space<vmem>>, vector<1x16xf32>,
        %get3A_455 = vector.shape_cast %get3A_454 : vector<1x16xf32> to vector<16xf32>
        %swap3A_456 = arith.constant 3 : i32
        %swap3A_457 = arith.index_cast %swap3A_456 : i32 to index
        %swap3A_458 = arith.index_cast %scan3A_126 : i32 to index
        %swap3A_459 = arith.constant 16 : index
        %swap3A_460 = tpu.vector_load %arg10[%swap3A_457, %swap3A_458, %swap3A_459] {strides = array<i32>} : memref<7x8x128xf32, #tpu.memory_space<vmem>>, vector<1x1x16xf32>,
        %swap3A_461 = vector.shape_cast %swap3A_460 : vector<1x1x16xf32> to vector<16xf32>
        %swap3A_462 = vector.shape_cast %get3A_455 : vector<16xf32> to vector<1x1x16xf32>
        tpu.vector_store %arg10[%swap3A_457, %swap3A_458, %swap3A_459], %swap3A_462 {strides = array<i32>} : memref<7x8x128xf32, #tpu.memory_space<vmem>>, vector<1x1x16xf32>,
        %mul3A_463 = arith.constant 26 : i32
        %mul3A_464 = arith.muli %scan3A_126, %mul3A_463 : i32
        %add3A_465 = arith.constant 13 : i32
        %add3A_466 = arith.addi %mul3A_464, %add3A_465 : i32
        %get3A_467 = arith.index_cast %add3A_466 : i32 to index
        %get3A_468 = arith.constant 0 : index
        %get3A_469 = tpu.vector_load %arg8[%get3A_467, %get3A_468] {strides = array<i32>} : memref<208x32xf32, #tpu.memory_space<vmem>>, vector<1x16xf32>,
        %get3A_470 = vector.shape_cast %get3A_469 : vector<1x16xf32> to vector<16xf32>
        %swap3A_471 = arith.constant 3 : i32
        %swap3A_472 = arith.index_cast %swap3A_471 : i32 to index
        %swap3A_473 = arith.index_cast %scan3A_126 : i32 to index
        %swap3A_474 = arith.constant 32 : index
        %swap3A_475 = tpu.vector_load %arg10[%swap3A_472, %swap3A_473, %swap3A_474] {strides = array<i32>} : memref<7x8x128xf32, #tpu.memory_space<vmem>>, vector<1x1x16xf32>,
        %swap3A_476 = vector.shape_cast %swap3A_475 : vector<1x1x16xf32> to vector<16xf32>
        %swap3A_477 = vector.shape_cast %get3A_470 : vector<16xf32> to vector<1x1x16xf32>
        tpu.vector_store %arg10[%swap3A_472, %swap3A_473, %swap3A_474], %swap3A_477 {strides = array<i32>} : memref<7x8x128xf32, #tpu.memory_space<vmem>>, vector<1x1x16xf32>,
        %get3A_478 = arith.index_cast %add3A_466 : i32 to index
        %get3A_479 = arith.constant 16 : index
        %get3A_480 = tpu.vector_load %arg8[%get3A_478, %get3A_479] {strides = array<i32>} : memref<208x32xf32, #tpu.memory_space<vmem>>, vector<1x16xf32>,
        %get3A_481 = vector.shape_cast %get3A_480 : vector<1x16xf32> to vector<16xf32>
        %swap3A_482 = arith.constant 3 : i32
        %swap3A_483 = arith.index_cast %swap3A_482 : i32 to index
        %swap3A_484 = arith.index_cast %scan3A_126 : i32 to index
        %swap3A_485 = arith.constant 48 : index
        %swap3A_486 = tpu.vector_load %arg10[%swap3A_483, %swap3A_484, %swap3A_485] {strides = array<i32>} : memref<7x8x128xf32, #tpu.memory_space<vmem>>, vector<1x1x16xf32>,
        %swap3A_487 = vector.shape_cast %swap3A_486 : vector<1x1x16xf32> to vector<16xf32>
        %swap3A_488 = vector.shape_cast %get3A_481 : vector<16xf32> to vector<1x1x16xf32>
        tpu.vector_store %arg10[%swap3A_483, %swap3A_484, %swap3A_485], %swap3A_488 {strides = array<i32>} : memref<7x8x128xf32, #tpu.memory_space<vmem>>, vector<1x1x16xf32>,
        %mul3A_489 = arith.constant 26 : i32
        %mul3A_490 = arith.muli %scan3A_126, %mul3A_489 : i32
        %add3A_491 = arith.constant 14 : i32
        %add3A_492 = arith.addi %mul3A_490, %add3A_491 : i32
        %get3A_493 = arith.index_cast %add3A_492 : i32 to index
        %get3A_494 = arith.constant 0 : index
        %get3A_495 = tpu.vector_load %arg8[%get3A_493, %get3A_494] {strides = array<i32>} : memref<208x32xf32, #tpu.memory_space<vmem>>, vector<1x16xf32>,
        %get3A_496 = vector.shape_cast %get3A_495 : vector<1x16xf32> to vector<16xf32>
        %swap3A_497 = arith.constant 3 : i32
        %swap3A_498 = arith.index_cast %swap3A_497 : i32 to index
        %swap3A_499 = arith.index_cast %scan3A_126 : i32 to index
        %swap3A_500 = arith.constant 64 : index
        %swap3A_501 = tpu.vector_load %arg10[%swap3A_498, %swap3A_499, %swap3A_500] {strides = array<i32>} : memref<7x8x128xf32, #tpu.memory_space<vmem>>, vector<1x1x16xf32>,
        %swap3A_502 = vector.shape_cast %swap3A_501 : vector<1x1x16xf32> to vector<16xf32>
        %swap3A_503 = vector.shape_cast %get3A_496 : vector<16xf32> to vector<1x1x16xf32>
        tpu.vector_store %arg10[%swap3A_498, %swap3A_499, %swap3A_500], %swap3A_503 {strides = array<i32>} : memref<7x8x128xf32, #tpu.memory_space<vmem>>, vector<1x1x16xf32>,
        %get3A_504 = arith.index_cast %add3A_492 : i32 to index
        %get3A_505 = arith.constant 16 : index
        %get3A_506 = tpu.vector_load %arg8[%get3A_504, %get3A_505] {strides = array<i32>} : memref<208x32xf32, #tpu.memory_space<vmem>>, vector<1x16xf32>,
        %get3A_507 = vector.shape_cast %get3A_506 : vector<1x16xf32> to vector<16xf32>
        %swap3A_508 = arith.constant 3 : i32
        %swap3A_509 = arith.index_cast %swap3A_508 : i32 to index
        %swap3A_510 = arith.index_cast %scan3A_126 : i32 to index
        %swap3A_511 = arith.constant 80 : index
        %swap3A_512 = tpu.vector_load %arg10[%swap3A_509, %swap3A_510, %swap3A_511] {strides = array<i32>} : memref<7x8x128xf32, #tpu.memory_space<vmem>>, vector<1x1x16xf32>,
        %swap3A_513 = vector.shape_cast %swap3A_512 : vector<1x1x16xf32> to vector<16xf32>
        %swap3A_514 = vector.shape_cast %get3A_507 : vector<16xf32> to vector<1x1x16xf32>
        tpu.vector_store %arg10[%swap3A_509, %swap3A_510, %swap3A_511], %swap3A_514 {strides = array<i32>} : memref<7x8x128xf32, #tpu.memory_space<vmem>>, vector<1x1x16xf32>,
        %mul3A_515 = arith.constant 26 : i32
        %mul3A_516 = arith.muli %scan3A_126, %mul3A_515 : i32
        %add3A_517 = arith.constant 15 : i32
        %add3A_518 = arith.addi %mul3A_516, %add3A_517 : i32
        %get3A_519 = arith.index_cast %add3A_518 : i32 to index
        %get3A_520 = arith.constant 0 : index
        %get3A_521 = tpu.vector_load %arg8[%get3A_519, %get3A_520] {strides = array<i32>} : memref<208x32xf32, #tpu.memory_space<vmem>>, vector<1x16xf32>,
        %get3A_522 = vector.shape_cast %get3A_521 : vector<1x16xf32> to vector<16xf32>
        %swap3A_523 = arith.constant 3 : i32
        %swap3A_524 = arith.index_cast %swap3A_523 : i32 to index
        %swap3A_525 = arith.index_cast %scan3A_126 : i32 to index
        %swap3A_526 = arith.constant 96 : index
        %swap3A_527 = tpu.vector_load %arg10[%swap3A_524, %swap3A_525, %swap3A_526] {strides = array<i32>} : memref<7x8x128xf32, #tpu.memory_space<vmem>>, vector<1x1x16xf32>,
        %swap3A_528 = vector.shape_cast %swap3A_527 : vector<1x1x16xf32> to vector<16xf32>
        %swap3A_529 = vector.shape_cast %get3A_522 : vector<16xf32> to vector<1x1x16xf32>
        tpu.vector_store %arg10[%swap3A_524, %swap3A_525, %swap3A_526], %swap3A_529 {strides = array<i32>} : memref<7x8x128xf32, #tpu.memory_space<vmem>>, vector<1x1x16xf32>,
        %get3A_530 = arith.index_cast %add3A_518 : i32 to index
        %get3A_531 = arith.constant 16 : index
        %get3A_532 = tpu.vector_load %arg8[%get3A_530, %get3A_531] {strides = array<i32>} : memref<208x32xf32, #tpu.memory_space<vmem>>, vector<1x16xf32>,
        %get3A_533 = vector.shape_cast %get3A_532 : vector<1x16xf32> to vector<16xf32>
        %swap3A_534 = arith.constant 3 : i32
        %swap3A_535 = arith.index_cast %swap3A_534 : i32 to index
        %swap3A_536 = arith.index_cast %scan3A_126 : i32 to index
        %swap3A_537 = arith.constant 112 : index
        %swap3A_538 = tpu.vector_load %arg10[%swap3A_535, %swap3A_536, %swap3A_537] {strides = array<i32>} : memref<7x8x128xf32, #tpu.memory_space<vmem>>, vector<1x1x16xf32>,
        %swap3A_539 = vector.shape_cast %swap3A_538 : vector<1x1x16xf32> to vector<16xf32>
        %swap3A_540 = vector.shape_cast %get3A_533 : vector<16xf32> to vector<1x1x16xf32>
        tpu.vector_store %arg10[%swap3A_535, %swap3A_536, %swap3A_537], %swap3A_540 {strides = array<i32>} : memref<7x8x128xf32, #tpu.memory_space<vmem>>, vector<1x1x16xf32>,
        %mul3A_541 = arith.constant 26 : i32
        %mul3A_542 = arith.muli %scan3A_126, %mul3A_541 : i32
        %add3A_543 = arith.constant 16 : i32
        %add3A_544 = arith.addi %mul3A_542, %add3A_543 : i32
        %get3A_545 = arith.index_cast %add3A_544 : i32 to index
        %get3A_546 = arith.constant 0 : index
        %get3A_547 = tpu.vector_load %arg8[%get3A_545, %get3A_546] {strides = array<i32>} : memref<208x32xf32, #tpu.memory_space<vmem>>, vector<1x16xf32>,
        %get3A_548 = vector.shape_cast %get3A_547 : vector<1x16xf32> to vector<16xf32>
        %swap3A_549 = arith.constant 4 : i32
        %swap3A_550 = arith.index_cast %swap3A_549 : i32 to index
        %swap3A_551 = arith.index_cast %scan3A_126 : i32 to index
        %swap3A_552 = arith.constant 0 : index
        %swap3A_553 = tpu.vector_load %arg10[%swap3A_550, %swap3A_551, %swap3A_552] {strides = array<i32>} : memref<7x8x128xf32, #tpu.memory_space<vmem>>, vector<1x1x16xf32>,
        %swap3A_554 = vector.shape_cast %swap3A_553 : vector<1x1x16xf32> to vector<16xf32>
        %swap3A_555 = vector.shape_cast %get3A_548 : vector<16xf32> to vector<1x1x16xf32>
        tpu.vector_store %arg10[%swap3A_550, %swap3A_551, %swap3A_552], %swap3A_555 {strides = array<i32>} : memref<7x8x128xf32, #tpu.memory_space<vmem>>, vector<1x1x16xf32>,
        %get3A_556 = arith.index_cast %add3A_544 : i32 to index
        %get3A_557 = arith.constant 16 : index
        %get3A_558 = tpu.vector_load %arg8[%get3A_556, %get3A_557] {strides = array<i32>} : memref<208x32xf32, #tpu.memory_space<vmem>>, vector<1x16xf32>,
        %get3A_559 = vector.shape_cast %get3A_558 : vector<1x16xf32> to vector<16xf32>
        %swap3A_560 = arith.constant 4 : i32
        %swap3A_561 = arith.index_cast %swap3A_560 : i32 to index
        %swap3A_562 = arith.index_cast %scan3A_126 : i32 to index
        %swap3A_563 = arith.constant 16 : index
        %swap3A_564 = tpu.vector_load %arg10[%swap3A_561, %swap3A_562, %swap3A_563] {strides = array<i32>} : memref<7x8x128xf32, #tpu.memory_space<vmem>>, vector<1x1x16xf32>,
        %swap3A_565 = vector.shape_cast %swap3A_564 : vector<1x1x16xf32> to vector<16xf32>
        %swap3A_566 = vector.shape_cast %get3A_559 : vector<16xf32> to vector<1x1x16xf32>
        tpu.vector_store %arg10[%swap3A_561, %swap3A_562, %swap3A_563], %swap3A_566 {strides = array<i32>} : memref<7x8x128xf32, #tpu.memory_space<vmem>>, vector<1x1x16xf32>,
        %mul3A_567 = arith.constant 26 : i32
        %mul3A_568 = arith.muli %scan3A_126, %mul3A_567 : i32
        %add3A_569 = arith.constant 17 : i32
        %add3A_570 = arith.addi %mul3A_568, %add3A_569 : i32
        %get3A_571 = arith.index_cast %add3A_570 : i32 to index
        %get3A_572 = arith.constant 0 : index
        %get3A_573 = tpu.vector_load %arg8[%get3A_571, %get3A_572] {strides = array<i32>} : memref<208x32xf32, #tpu.memory_space<vmem>>, vector<1x16xf32>,
        %get3A_574 = vector.shape_cast %get3A_573 : vector<1x16xf32> to vector<16xf32>
        %swap3A_575 = arith.constant 4 : i32
        %swap3A_576 = arith.index_cast %swap3A_575 : i32 to index
        %swap3A_577 = arith.index_cast %scan3A_126 : i32 to index
        %swap3A_578 = arith.constant 32 : index
        %swap3A_579 = tpu.vector_load %arg10[%swap3A_576, %swap3A_577, %swap3A_578] {strides = array<i32>} : memref<7x8x128xf32, #tpu.memory_space<vmem>>, vector<1x1x16xf32>,
        %swap3A_580 = vector.shape_cast %swap3A_579 : vector<1x1x16xf32> to vector<16xf32>
        %swap3A_581 = vector.shape_cast %get3A_574 : vector<16xf32> to vector<1x1x16xf32>
        tpu.vector_store %arg10[%swap3A_576, %swap3A_577, %swap3A_578], %swap3A_581 {strides = array<i32>} : memref<7x8x128xf32, #tpu.memory_space<vmem>>, vector<1x1x16xf32>,
        %get3A_582 = arith.index_cast %add3A_570 : i32 to index
        %get3A_583 = arith.constant 16 : index
        %get3A_584 = tpu.vector_load %arg8[%get3A_582, %get3A_583] {strides = array<i32>} : memref<208x32xf32, #tpu.memory_space<vmem>>, vector<1x16xf32>,
        %get3A_585 = vector.shape_cast %get3A_584 : vector<1x16xf32> to vector<16xf32>
        %swap3A_586 = arith.constant 4 : i32
        %swap3A_587 = arith.index_cast %swap3A_586 : i32 to index
        %swap3A_588 = arith.index_cast %scan3A_126 : i32 to index
        %swap3A_589 = arith.constant 48 : index
        %swap3A_590 = tpu.vector_load %arg10[%swap3A_587, %swap3A_588, %swap3A_589] {strides = array<i32>} : memref<7x8x128xf32, #tpu.memory_space<vmem>>, vector<1x1x16xf32>,
        %swap3A_591 = vector.shape_cast %swap3A_590 : vector<1x1x16xf32> to vector<16xf32>
        %swap3A_592 = vector.shape_cast %get3A_585 : vector<16xf32> to vector<1x1x16xf32>
        tpu.vector_store %arg10[%swap3A_587, %swap3A_588, %swap3A_589], %swap3A_592 {strides = array<i32>} : memref<7x8x128xf32, #tpu.memory_space<vmem>>, vector<1x1x16xf32>,
        %mul3A_593 = arith.constant 26 : i32
        %mul3A_594 = arith.muli %scan3A_126, %mul3A_593 : i32
        %add3A_595 = arith.constant 18 : i32
        %add3A_596 = arith.addi %mul3A_594, %add3A_595 : i32
        %get3A_597 = arith.index_cast %add3A_596 : i32 to index
        %get3A_598 = arith.constant 0 : index
        %get3A_599 = tpu.vector_load %arg8[%get3A_597, %get3A_598] {strides = array<i32>} : memref<208x32xf32, #tpu.memory_space<vmem>>, vector<1x16xf32>,
        %get3A_600 = vector.shape_cast %get3A_599 : vector<1x16xf32> to vector<16xf32>
        %swap3A_601 = arith.constant 4 : i32
        %swap3A_602 = arith.index_cast %swap3A_601 : i32 to index
        %swap3A_603 = arith.index_cast %scan3A_126 : i32 to index
        %swap3A_604 = arith.constant 64 : index
        %swap3A_605 = tpu.vector_load %arg10[%swap3A_602, %swap3A_603, %swap3A_604] {strides = array<i32>} : memref<7x8x128xf32, #tpu.memory_space<vmem>>, vector<1x1x16xf32>,
        %swap3A_606 = vector.shape_cast %swap3A_605 : vector<1x1x16xf32> to vector<16xf32>
        %swap3A_607 = vector.shape_cast %get3A_600 : vector<16xf32> to vector<1x1x16xf32>
        tpu.vector_store %arg10[%swap3A_602, %swap3A_603, %swap3A_604], %swap3A_607 {strides = array<i32>} : memref<7x8x128xf32, #tpu.memory_space<vmem>>, vector<1x1x16xf32>,
        %get3A_608 = arith.index_cast %add3A_596 : i32 to index
        %get3A_609 = arith.constant 16 : index
        %get3A_610 = tpu.vector_load %arg8[%get3A_608, %get3A_609] {strides = array<i32>} : memref<208x32xf32, #tpu.memory_space<vmem>>, vector<1x16xf32>,
        %get3A_611 = vector.shape_cast %get3A_610 : vector<1x16xf32> to vector<16xf32>
        %swap3A_612 = arith.constant 4 : i32
        %swap3A_613 = arith.index_cast %swap3A_612 : i32 to index
        %swap3A_614 = arith.index_cast %scan3A_126 : i32 to index
        %swap3A_615 = arith.constant 80 : index
        %swap3A_616 = tpu.vector_load %arg10[%swap3A_613, %swap3A_614, %swap3A_615] {strides = array<i32>} : memref<7x8x128xf32, #tpu.memory_space<vmem>>, vector<1x1x16xf32>,
        %swap3A_617 = vector.shape_cast %swap3A_616 : vector<1x1x16xf32> to vector<16xf32>
        %swap3A_618 = vector.shape_cast %get3A_611 : vector<16xf32> to vector<1x1x16xf32>
        tpu.vector_store %arg10[%swap3A_613, %swap3A_614, %swap3A_615], %swap3A_618 {strides = array<i32>} : memref<7x8x128xf32, #tpu.memory_space<vmem>>, vector<1x1x16xf32>,
        %mul3A_619 = arith.constant 26 : i32
        %mul3A_620 = arith.muli %scan3A_126, %mul3A_619 : i32
        %add3A_621 = arith.constant 19 : i32
        %add3A_622 = arith.addi %mul3A_620, %add3A_621 : i32
        %get3A_623 = arith.index_cast %add3A_622 : i32 to index
        %get3A_624 = arith.constant 0 : index
        %get3A_625 = tpu.vector_load %arg8[%get3A_623, %get3A_624] {strides = array<i32>} : memref<208x32xf32, #tpu.memory_space<vmem>>, vector<1x16xf32>,
        %get3A_626 = vector.shape_cast %get3A_625 : vector<1x16xf32> to vector<16xf32>
        %swap3A_627 = arith.constant 4 : i32
        %swap3A_628 = arith.index_cast %swap3A_627 : i32 to index
        %swap3A_629 = arith.index_cast %scan3A_126 : i32 to index
        %swap3A_630 = arith.constant 96 : index
        %swap3A_631 = tpu.vector_load %arg10[%swap3A_628, %swap3A_629, %swap3A_630] {strides = array<i32>} : memref<7x8x128xf32, #tpu.memory_space<vmem>>, vector<1x1x16xf32>,
        %swap3A_632 = vector.shape_cast %swap3A_631 : vector<1x1x16xf32> to vector<16xf32>
        %swap3A_633 = vector.shape_cast %get3A_626 : vector<16xf32> to vector<1x1x16xf32>
        tpu.vector_store %arg10[%swap3A_628, %swap3A_629, %swap3A_630], %swap3A_633 {strides = array<i32>} : memref<7x8x128xf32, #tpu.memory_space<vmem>>, vector<1x1x16xf32>,
        %get3A_634 = arith.index_cast %add3A_622 : i32 to index
        %get3A_635 = arith.constant 16 : index
        %get3A_636 = tpu.vector_load %arg8[%get3A_634, %get3A_635] {strides = array<i32>} : memref<208x32xf32, #tpu.memory_space<vmem>>, vector<1x16xf32>,
        %get3A_637 = vector.shape_cast %get3A_636 : vector<1x16xf32> to vector<16xf32>
        %swap3A_638 = arith.constant 4 : i32
        %swap3A_639 = arith.index_cast %swap3A_638 : i32 to index
        %swap3A_640 = arith.index_cast %scan3A_126 : i32 to index
        %swap3A_641 = arith.constant 112 : index
        %swap3A_642 = tpu.vector_load %arg10[%swap3A_639, %swap3A_640, %swap3A_641] {strides = array<i32>} : memref<7x8x128xf32, #tpu.memory_space<vmem>>, vector<1x1x16xf32>,
        %swap3A_643 = vector.shape_cast %swap3A_642 : vector<1x1x16xf32> to vector<16xf32>
        %swap3A_644 = vector.shape_cast %get3A_637 : vector<16xf32> to vector<1x1x16xf32>
        tpu.vector_store %arg10[%swap3A_639, %swap3A_640, %swap3A_641], %swap3A_644 {strides = array<i32>} : memref<7x8x128xf32, #tpu.memory_space<vmem>>, vector<1x1x16xf32>,
        %mul3A_645 = arith.constant 26 : i32
        %mul3A_646 = arith.muli %scan3A_126, %mul3A_645 : i32
        %add3A_647 = arith.constant 20 : i32
        %add3A_648 = arith.addi %mul3A_646, %add3A_647 : i32
        %get3A_649 = arith.index_cast %add3A_648 : i32 to index
        %get3A_650 = arith.constant 0 : index
        %get3A_651 = tpu.vector_load %arg8[%get3A_649, %get3A_650] {strides = array<i32>} : memref<208x32xf32, #tpu.memory_space<vmem>>, vector<1x16xf32>,
        %get3A_652 = vector.shape_cast %get3A_651 : vector<1x16xf32> to vector<16xf32>
        %swap3A_653 = arith.constant 5 : i32
        %swap3A_654 = arith.index_cast %swap3A_653 : i32 to index
        %swap3A_655 = arith.index_cast %scan3A_126 : i32 to index
        %swap3A_656 = arith.constant 0 : index
        %swap3A_657 = tpu.vector_load %arg10[%swap3A_654, %swap3A_655, %swap3A_656] {strides = array<i32>} : memref<7x8x128xf32, #tpu.memory_space<vmem>>, vector<1x1x16xf32>,
        %swap3A_658 = vector.shape_cast %swap3A_657 : vector<1x1x16xf32> to vector<16xf32>
        %swap3A_659 = vector.shape_cast %get3A_652 : vector<16xf32> to vector<1x1x16xf32>
        tpu.vector_store %arg10[%swap3A_654, %swap3A_655, %swap3A_656], %swap3A_659 {strides = array<i32>} : memref<7x8x128xf32, #tpu.memory_space<vmem>>, vector<1x1x16xf32>,
        %get3A_660 = arith.index_cast %add3A_648 : i32 to index
        %get3A_661 = arith.constant 16 : index
        %get3A_662 = tpu.vector_load %arg8[%get3A_660, %get3A_661] {strides = array<i32>} : memref<208x32xf32, #tpu.memory_space<vmem>>, vector<1x16xf32>,
        %get3A_663 = vector.shape_cast %get3A_662 : vector<1x16xf32> to vector<16xf32>
        %swap3A_664 = arith.constant 5 : i32
        %swap3A_665 = arith.index_cast %swap3A_664 : i32 to index
        %swap3A_666 = arith.index_cast %scan3A_126 : i32 to index
        %swap3A_667 = arith.constant 16 : index
        %swap3A_668 = tpu.vector_load %arg10[%swap3A_665, %swap3A_666, %swap3A_667] {strides = array<i32>} : memref<7x8x128xf32, #tpu.memory_space<vmem>>, vector<1x1x16xf32>,
        %swap3A_669 = vector.shape_cast %swap3A_668 : vector<1x1x16xf32> to vector<16xf32>
        %swap3A_670 = vector.shape_cast %get3A_663 : vector<16xf32> to vector<1x1x16xf32>
        tpu.vector_store %arg10[%swap3A_665, %swap3A_666, %swap3A_667], %swap3A_670 {strides = array<i32>} : memref<7x8x128xf32, #tpu.memory_space<vmem>>, vector<1x1x16xf32>,
        %mul3A_671 = arith.constant 26 : i32
        %mul3A_672 = arith.muli %scan3A_126, %mul3A_671 : i32
        %add3A_673 = arith.constant 21 : i32
        %add3A_674 = arith.addi %mul3A_672, %add3A_673 : i32
        %get3A_675 = arith.index_cast %add3A_674 : i32 to index
        %get3A_676 = arith.constant 0 : index
        %get3A_677 = tpu.vector_load %arg8[%get3A_675, %get3A_676] {strides = array<i32>} : memref<208x32xf32, #tpu.memory_space<vmem>>, vector<1x16xf32>,
        %get3A_678 = vector.shape_cast %get3A_677 : vector<1x16xf32> to vector<16xf32>
        %swap3A_679 = arith.constant 5 : i32
        %swap3A_680 = arith.index_cast %swap3A_679 : i32 to index
        %swap3A_681 = arith.index_cast %scan3A_126 : i32 to index
        %swap3A_682 = arith.constant 32 : index
        %swap3A_683 = tpu.vector_load %arg10[%swap3A_680, %swap3A_681, %swap3A_682] {strides = array<i32>} : memref<7x8x128xf32, #tpu.memory_space<vmem>>, vector<1x1x16xf32>,
        %swap3A_684 = vector.shape_cast %swap3A_683 : vector<1x1x16xf32> to vector<16xf32>
        %swap3A_685 = vector.shape_cast %get3A_678 : vector<16xf32> to vector<1x1x16xf32>
        tpu.vector_store %arg10[%swap3A_680, %swap3A_681, %swap3A_682], %swap3A_685 {strides = array<i32>} : memref<7x8x128xf32, #tpu.memory_space<vmem>>, vector<1x1x16xf32>,
        %get3A_686 = arith.index_cast %add3A_674 : i32 to index
        %get3A_687 = arith.constant 16 : index
        %get3A_688 = tpu.vector_load %arg8[%get3A_686, %get3A_687] {strides = array<i32>} : memref<208x32xf32, #tpu.memory_space<vmem>>, vector<1x16xf32>,
        %get3A_689 = vector.shape_cast %get3A_688 : vector<1x16xf32> to vector<16xf32>
        %swap3A_690 = arith.constant 5 : i32
        %swap3A_691 = arith.index_cast %swap3A_690 : i32 to index
        %swap3A_692 = arith.index_cast %scan3A_126 : i32 to index
        %swap3A_693 = arith.constant 48 : index
        %swap3A_694 = tpu.vector_load %arg10[%swap3A_691, %swap3A_692, %swap3A_693] {strides = array<i32>} : memref<7x8x128xf32, #tpu.memory_space<vmem>>, vector<1x1x16xf32>,
        %swap3A_695 = vector.shape_cast %swap3A_694 : vector<1x1x16xf32> to vector<16xf32>
        %swap3A_696 = vector.shape_cast %get3A_689 : vector<16xf32> to vector<1x1x16xf32>
        tpu.vector_store %arg10[%swap3A_691, %swap3A_692, %swap3A_693], %swap3A_696 {strides = array<i32>} : memref<7x8x128xf32, #tpu.memory_space<vmem>>, vector<1x1x16xf32>,
        %mul3A_697 = arith.constant 26 : i32
        %mul3A_698 = arith.muli %scan3A_126, %mul3A_697 : i32
        %add3A_699 = arith.constant 22 : i32
        %add3A_700 = arith.addi %mul3A_698, %add3A_699 : i32
        %get3A_701 = arith.index_cast %add3A_700 : i32 to index
        %get3A_702 = arith.constant 0 : index
        %get3A_703 = tpu.vector_load %arg8[%get3A_701, %get3A_702] {strides = array<i32>} : memref<208x32xf32, #tpu.memory_space<vmem>>, vector<1x16xf32>,
        %get3A_704 = vector.shape_cast %get3A_703 : vector<1x16xf32> to vector<16xf32>
        %swap3A_705 = arith.constant 5 : i32
        %swap3A_706 = arith.index_cast %swap3A_705 : i32 to index
        %swap3A_707 = arith.index_cast %scan3A_126 : i32 to index
        %swap3A_708 = arith.constant 64 : index
        %swap3A_709 = tpu.vector_load %arg10[%swap3A_706, %swap3A_707, %swap3A_708] {strides = array<i32>} : memref<7x8x128xf32, #tpu.memory_space<vmem>>, vector<1x1x16xf32>,
        %swap3A_710 = vector.shape_cast %swap3A_709 : vector<1x1x16xf32> to vector<16xf32>
        %swap3A_711 = vector.shape_cast %get3A_704 : vector<16xf32> to vector<1x1x16xf32>
        tpu.vector_store %arg10[%swap3A_706, %swap3A_707, %swap3A_708], %swap3A_711 {strides = array<i32>} : memref<7x8x128xf32, #tpu.memory_space<vmem>>, vector<1x1x16xf32>,
        %get3A_712 = arith.index_cast %add3A_700 : i32 to index
        %get3A_713 = arith.constant 16 : index
        %get3A_714 = tpu.vector_load %arg8[%get3A_712, %get3A_713] {strides = array<i32>} : memref<208x32xf32, #tpu.memory_space<vmem>>, vector<1x16xf32>,
        %get3A_715 = vector.shape_cast %get3A_714 : vector<1x16xf32> to vector<16xf32>
        %swap3A_716 = arith.constant 5 : i32
        %swap3A_717 = arith.index_cast %swap3A_716 : i32 to index
        %swap3A_718 = arith.index_cast %scan3A_126 : i32 to index
        %swap3A_719 = arith.constant 80 : index
        %swap3A_720 = tpu.vector_load %arg10[%swap3A_717, %swap3A_718, %swap3A_719] {strides = array<i32>} : memref<7x8x128xf32, #tpu.memory_space<vmem>>, vector<1x1x16xf32>,
        %swap3A_721 = vector.shape_cast %swap3A_720 : vector<1x1x16xf32> to vector<16xf32>
        %swap3A_722 = vector.shape_cast %get3A_715 : vector<16xf32> to vector<1x1x16xf32>
        tpu.vector_store %arg10[%swap3A_717, %swap3A_718, %swap3A_719], %swap3A_722 {strides = array<i32>} : memref<7x8x128xf32, #tpu.memory_space<vmem>>, vector<1x1x16xf32>,
        %mul3A_723 = arith.constant 26 : i32
        %mul3A_724 = arith.muli %scan3A_126, %mul3A_723 : i32
        %add3A_725 = arith.constant 23 : i32
        %add3A_726 = arith.addi %mul3A_724, %add3A_725 : i32
        %get3A_727 = arith.index_cast %add3A_726 : i32 to index
        %get3A_728 = arith.constant 0 : index
        %get3A_729 = tpu.vector_load %arg8[%get3A_727, %get3A_728] {strides = array<i32>} : memref<208x32xf32, #tpu.memory_space<vmem>>, vector<1x16xf32>,
        %get3A_730 = vector.shape_cast %get3A_729 : vector<1x16xf32> to vector<16xf32>
        %swap3A_731 = arith.constant 5 : i32
        %swap3A_732 = arith.index_cast %swap3A_731 : i32 to index
        %swap3A_733 = arith.index_cast %scan3A_126 : i32 to index
        %swap3A_734 = arith.constant 96 : index
        %swap3A_735 = tpu.vector_load %arg10[%swap3A_732, %swap3A_733, %swap3A_734] {strides = array<i32>} : memref<7x8x128xf32, #tpu.memory_space<vmem>>, vector<1x1x16xf32>,
        %swap3A_736 = vector.shape_cast %swap3A_735 : vector<1x1x16xf32> to vector<16xf32>
        %swap3A_737 = vector.shape_cast %get3A_730 : vector<16xf32> to vector<1x1x16xf32>
        tpu.vector_store %arg10[%swap3A_732, %swap3A_733, %swap3A_734], %swap3A_737 {strides = array<i32>} : memref<7x8x128xf32, #tpu.memory_space<vmem>>, vector<1x1x16xf32>,
        %get3A_738 = arith.index_cast %add3A_726 : i32 to index
        %get3A_739 = arith.constant 16 : index
        %get3A_740 = tpu.vector_load %arg8[%get3A_738, %get3A_739] {strides = array<i32>} : memref<208x32xf32, #tpu.memory_space<vmem>>, vector<1x16xf32>,
        %get3A_741 = vector.shape_cast %get3A_740 : vector<1x16xf32> to vector<16xf32>
        %swap3A_742 = arith.constant 5 : i32
        %swap3A_743 = arith.index_cast %swap3A_742 : i32 to index
        %swap3A_744 = arith.index_cast %scan3A_126 : i32 to index
        %swap3A_745 = arith.constant 112 : index
        %swap3A_746 = tpu.vector_load %arg10[%swap3A_743, %swap3A_744, %swap3A_745] {strides = array<i32>} : memref<7x8x128xf32, #tpu.memory_space<vmem>>, vector<1x1x16xf32>,
        %swap3A_747 = vector.shape_cast %swap3A_746 : vector<1x1x16xf32> to vector<16xf32>
        %swap3A_748 = vector.shape_cast %get3A_741 : vector<16xf32> to vector<1x1x16xf32>
        tpu.vector_store %arg10[%swap3A_743, %swap3A_744, %swap3A_745], %swap3A_748 {strides = array<i32>} : memref<7x8x128xf32, #tpu.memory_space<vmem>>, vector<1x1x16xf32>,
        %mul3A_749 = arith.constant 26 : i32
        %mul3A_750 = arith.muli %scan3A_126, %mul3A_749 : i32
        %add3A_751 = arith.constant 24 : i32
        %add3A_752 = arith.addi %mul3A_750, %add3A_751 : i32
        %get3A_753 = arith.index_cast %add3A_752 : i32 to index
        %get3A_754 = arith.constant 0 : index
        %get3A_755 = tpu.vector_load %arg8[%get3A_753, %get3A_754] {strides = array<i32>} : memref<208x32xf32, #tpu.memory_space<vmem>>, vector<1x16xf32>,
        %get3A_756 = vector.shape_cast %get3A_755 : vector<1x16xf32> to vector<16xf32>
        %swap3A_757 = arith.constant 6 : i32
        %swap3A_758 = arith.index_cast %swap3A_757 : i32 to index
        %swap3A_759 = arith.index_cast %scan3A_126 : i32 to index
        %swap3A_760 = arith.constant 0 : index
        %swap3A_761 = tpu.vector_load %arg10[%swap3A_758, %swap3A_759, %swap3A_760] {strides = array<i32>} : memref<7x8x128xf32, #tpu.memory_space<vmem>>, vector<1x1x16xf32>,
        %swap3A_762 = vector.shape_cast %swap3A_761 : vector<1x1x16xf32> to vector<16xf32>
        %swap3A_763 = vector.shape_cast %get3A_756 : vector<16xf32> to vector<1x1x16xf32>
        tpu.vector_store %arg10[%swap3A_758, %swap3A_759, %swap3A_760], %swap3A_763 {strides = array<i32>} : memref<7x8x128xf32, #tpu.memory_space<vmem>>, vector<1x1x16xf32>,
        %get3A_764 = arith.index_cast %add3A_752 : i32 to index
        %get3A_765 = arith.constant 16 : index
        %get3A_766 = tpu.vector_load %arg8[%get3A_764, %get3A_765] {strides = array<i32>} : memref<208x32xf32, #tpu.memory_space<vmem>>, vector<1x16xf32>,
        %get3A_767 = vector.shape_cast %get3A_766 : vector<1x16xf32> to vector<16xf32>
        %swap3A_768 = arith.constant 6 : i32
        %swap3A_769 = arith.index_cast %swap3A_768 : i32 to index
        %swap3A_770 = arith.index_cast %scan3A_126 : i32 to index
        %swap3A_771 = arith.constant 16 : index
        %swap3A_772 = tpu.vector_load %arg10[%swap3A_769, %swap3A_770, %swap3A_771] {strides = array<i32>} : memref<7x8x128xf32, #tpu.memory_space<vmem>>, vector<1x1x16xf32>,
        %swap3A_773 = vector.shape_cast %swap3A_772 : vector<1x1x16xf32> to vector<16xf32>
        %swap3A_774 = vector.shape_cast %get3A_767 : vector<16xf32> to vector<1x1x16xf32>
        tpu.vector_store %arg10[%swap3A_769, %swap3A_770, %swap3A_771], %swap3A_774 {strides = array<i32>} : memref<7x8x128xf32, #tpu.memory_space<vmem>>, vector<1x1x16xf32>,
        %mul3A_775 = arith.constant 26 : i32
        %mul3A_776 = arith.muli %scan3A_126, %mul3A_775 : i32
        %add3A_777 = arith.constant 25 : i32
        %add3A_778 = arith.addi %mul3A_776, %add3A_777 : i32
        %get3A_779 = arith.index_cast %add3A_778 : i32 to index
        %get3A_780 = arith.constant 0 : index
        %get3A_781 = tpu.vector_load %arg8[%get3A_779, %get3A_780] {strides = array<i32>} : memref<208x32xf32, #tpu.memory_space<vmem>>, vector<1x16xf32>,
        %get3A_782 = vector.shape_cast %get3A_781 : vector<1x16xf32> to vector<16xf32>
        %swap3A_783 = arith.constant 6 : i32
        %swap3A_784 = arith.index_cast %swap3A_783 : i32 to index
        %swap3A_785 = arith.index_cast %scan3A_126 : i32 to index
        %swap3A_786 = arith.constant 32 : index
        %swap3A_787 = tpu.vector_load %arg10[%swap3A_784, %swap3A_785, %swap3A_786] {strides = array<i32>} : memref<7x8x128xf32, #tpu.memory_space<vmem>>, vector<1x1x16xf32>,
        %swap3A_788 = vector.shape_cast %swap3A_787 : vector<1x1x16xf32> to vector<16xf32>
        %swap3A_789 = vector.shape_cast %get3A_782 : vector<16xf32> to vector<1x1x16xf32>
        tpu.vector_store %arg10[%swap3A_784, %swap3A_785, %swap3A_786], %swap3A_789 {strides = array<i32>} : memref<7x8x128xf32, #tpu.memory_space<vmem>>, vector<1x1x16xf32>,
        %get3A_790 = arith.index_cast %add3A_778 : i32 to index
        %get3A_791 = arith.constant 16 : index
        %get3A_792 = tpu.vector_load %arg8[%get3A_790, %get3A_791] {strides = array<i32>} : memref<208x32xf32, #tpu.memory_space<vmem>>, vector<1x16xf32>,
        %get3A_793 = vector.shape_cast %get3A_792 : vector<1x16xf32> to vector<16xf32>
        %swap3A_794 = arith.constant 6 : i32
        %swap3A_795 = arith.index_cast %swap3A_794 : i32 to index
        %swap3A_796 = arith.index_cast %scan3A_126 : i32 to index
        %swap3A_797 = arith.constant 48 : index
        %swap3A_798 = tpu.vector_load %arg10[%swap3A_795, %swap3A_796, %swap3A_797] {strides = array<i32>} : memref<7x8x128xf32, #tpu.memory_space<vmem>>, vector<1x1x16xf32>,
        %swap3A_799 = vector.shape_cast %swap3A_798 : vector<1x1x16xf32> to vector<16xf32>
        %swap3A_800 = vector.shape_cast %get3A_793 : vector<16xf32> to vector<1x1x16xf32>
        tpu.vector_store %arg10[%swap3A_795, %swap3A_796, %swap3A_797], %swap3A_800 {strides = array<i32>} : memref<7x8x128xf32, #tpu.memory_space<vmem>>, vector<1x1x16xf32>,
        %mul3A_801 = arith.constant 8 : i32
        %mul3A_802 = arith.muli %mul3A_32, %mul3A_801 : i32
        %add3A_803 = arith.addi %mul3A_802, %scan3A_126 : i32
        %jit3A_804 = arith.constant 2 : i32
        %eq3A = arith.constant 0 : i32
        %eq3A_805 = arith.cmpi eq, %jit3A_804, %eq3A : i32
        %jit3A_806 = arith.constant 1 : i32
        %select_n3A_807 = arith.select %eq3A_805, %jit3A_806, %jit3A_804 : i32
        %rem3A_808 = arith.remsi %add3A_803, %select_n3A_807 : i32
        %ne3A_809 = arith.constant 0 : i32
        %ne3A_810 = arith.cmpi ne, %rem3A_808, %ne3A_809 : i32
        %lt3A_811 = arith.constant 0 : i32
        %lt3A_812 = arith.cmpi slt, %rem3A_808, %lt3A_811 : i32
        %lt3A_813 = arith.constant 0 : i32
        %lt3A_814 = arith.cmpi slt, %select_n3A_807, %lt3A_813 : i32
        %ne3A_815 = arith.xori %lt3A_812, %lt3A_814 : i1
        %and3A_816 = arith.andi %ne3A_815, %ne3A_810 : i1
        %add3A_817 = arith.addi %rem3A_808, %select_n3A_807 : i32
        %select_n3A_818 = arith.select %and3A_816, %add3A_817, %rem3A_808 : i32
        %mul3A_819 = arith.constant 64 : i32
        %mul3A_820 = arith.muli %select_n3A_818, %mul3A_819 : i32
        %jit3A_821 = arith.constant 2 : i32
        %div3A_822 = arith.divsi %add3A_803, %jit3A_821 : i32
        %sign3A_823 = arith.constant 0 : i32
        %sign3A_824 = arith.cmpi sgt, %add3A_803, %sign3A_823 : i32
        %sign3A_825 = arith.extui %sign3A_824 : i1 to i32
        %sign3A_826 = arith.constant 0 : i32
        %sign3A_827 = arith.cmpi slt, %add3A_803, %sign3A_826 : i32
        %sign3A_828 = arith.extui %sign3A_827 : i1 to i32
        %sign3A_829 = arith.subi %sign3A_825, %sign3A_828 : i32
        %sign3A_830 = arith.constant 0 : i32
        %sign3A_831 = arith.cmpi sgt, %jit3A_821, %sign3A_830 : i32
        %sign3A_832 = arith.extui %sign3A_831 : i1 to i32
        %sign3A_833 = arith.constant 0 : i32
        %sign3A_834 = arith.cmpi slt, %jit3A_821, %sign3A_833 : i32
        %sign3A_835 = arith.extui %sign3A_834 : i1 to i32
        %sign3A_836 = arith.subi %sign3A_832, %sign3A_835 : i32
        %ne3A_837 = arith.cmpi ne, %sign3A_829, %sign3A_836 : i32
        %rem3A_838 = arith.remsi %add3A_803, %jit3A_821 : i32
        %ne3A_839 = arith.constant 0 : i32
        %ne3A_840 = arith.cmpi ne, %rem3A_838, %ne3A_839 : i32
        %and3A_841 = arith.andi %ne3A_837, %ne3A_840 : i1
        %sub3A_842 = arith.constant 1 : i32
        %sub3A_843 = arith.subi %div3A_822, %sub3A_842 : i32
        %select_n3A_844 = arith.select %and3A_841, %sub3A_843, %div3A_822 : i32
        %add3A_845 = arith.constant 0 : i32
        %add3A_846 = arith.addi %mul3A_820, %add3A_845 : i32
        %get3A_847 = arith.index_cast %select_n3A_844 : i32 to index
        %get3A_848 = arith.index_cast %add3A_846 : i32 to index
        %get3A_849 = tpu.vector_load %arg7[%get3A_847, %get3A_848] {strides = array<i32>} : memref<256x128xf32, #tpu.memory_space<vmem>>, vector<1x16xf32>,
        %get3A_850 = vector.shape_cast %get3A_849 : vector<1x16xf32> to vector<16xf32>
        %swap3A_851 = arith.constant 6 : i32
        %swap3A_852 = arith.index_cast %swap3A_851 : i32 to index
        %swap3A_853 = arith.index_cast %scan3A_126 : i32 to index
        %swap3A_854 = arith.constant 64 : index
        %swap3A_855 = tpu.vector_load %arg10[%swap3A_852, %swap3A_853, %swap3A_854] {strides = array<i32>} : memref<7x8x128xf32, #tpu.memory_space<vmem>>, vector<1x1x16xf32>,
        %swap3A_856 = vector.shape_cast %swap3A_855 : vector<1x1x16xf32> to vector<16xf32>
        %swap3A_857 = vector.shape_cast %get3A_850 : vector<16xf32> to vector<1x1x16xf32>
        tpu.vector_store %arg10[%swap3A_852, %swap3A_853, %swap3A_854], %swap3A_857 {strides = array<i32>} : memref<7x8x128xf32, #tpu.memory_space<vmem>>, vector<1x1x16xf32>,
        %jit3A_858 = arith.constant 2 : i32
        %div3A_859 = arith.divsi %add3A_803, %jit3A_858 : i32
        %sign3A_860 = arith.constant 0 : i32
        %sign3A_861 = arith.cmpi sgt, %add3A_803, %sign3A_860 : i32
        %sign3A_862 = arith.extui %sign3A_861 : i1 to i32
        %sign3A_863 = arith.constant 0 : i32
        %sign3A_864 = arith.cmpi slt, %add3A_803, %sign3A_863 : i32
        %sign3A_865 = arith.extui %sign3A_864 : i1 to i32
        %sign3A_866 = arith.subi %sign3A_862, %sign3A_865 : i32
        %sign3A_867 = arith.constant 0 : i32
        %sign3A_868 = arith.cmpi sgt, %jit3A_858, %sign3A_867 : i32
        %sign3A_869 = arith.extui %sign3A_868 : i1 to i32
        %sign3A_870 = arith.constant 0 : i32
        %sign3A_871 = arith.cmpi slt, %jit3A_858, %sign3A_870 : i32
        %sign3A_872 = arith.extui %sign3A_871 : i1 to i32
        %sign3A_873 = arith.subi %sign3A_869, %sign3A_872 : i32
        %ne3A_874 = arith.cmpi ne, %sign3A_866, %sign3A_873 : i32
        %rem3A_875 = arith.remsi %add3A_803, %jit3A_858 : i32
        %ne3A_876 = arith.constant 0 : i32
        %ne3A_877 = arith.cmpi ne, %rem3A_875, %ne3A_876 : i32
        %and3A_878 = arith.andi %ne3A_874, %ne3A_877 : i1
        %sub3A_879 = arith.constant 1 : i32
        %sub3A_880 = arith.subi %div3A_859, %sub3A_879 : i32
        %select_n3A_881 = arith.select %and3A_878, %sub3A_880, %div3A_859 : i32
        %add3A_882 = arith.constant 16 : i32
        %add3A_883 = arith.addi %mul3A_820, %add3A_882 : i32
        %get3A_884 = arith.index_cast %select_n3A_881 : i32 to index
        %get3A_885 = arith.index_cast %add3A_883 : i32 to index
        %get3A_886 = tpu.vector_load %arg7[%get3A_884, %get3A_885] {strides = array<i32>} : memref<256x128xf32, #tpu.memory_space<vmem>>, vector<1x16xf32>,
        %get3A_887 = vector.shape_cast %get3A_886 : vector<1x16xf32> to vector<16xf32>
        %swap3A_888 = arith.constant 6 : i32
        %swap3A_889 = arith.index_cast %swap3A_888 : i32 to index
        %swap3A_890 = arith.index_cast %scan3A_126 : i32 to index
        %swap3A_891 = arith.constant 80 : index
        %swap3A_892 = tpu.vector_load %arg10[%swap3A_889, %swap3A_890, %swap3A_891] {strides = array<i32>} : memref<7x8x128xf32, #tpu.memory_space<vmem>>, vector<1x1x16xf32>,
        %swap3A_893 = vector.shape_cast %swap3A_892 : vector<1x1x16xf32> to vector<16xf32>
        %swap3A_894 = vector.shape_cast %get3A_887 : vector<16xf32> to vector<1x1x16xf32>
        tpu.vector_store %arg10[%swap3A_889, %swap3A_890, %swap3A_891], %swap3A_894 {strides = array<i32>} : memref<7x8x128xf32, #tpu.memory_space<vmem>>, vector<1x1x16xf32>,
        %jit3A_895 = arith.constant 2 : i32
        %div3A_896 = arith.divsi %add3A_803, %jit3A_895 : i32
        %sign3A_897 = arith.constant 0 : i32
        %sign3A_898 = arith.cmpi sgt, %add3A_803, %sign3A_897 : i32
        %sign3A_899 = arith.extui %sign3A_898 : i1 to i32
        %sign3A_900 = arith.constant 0 : i32
        %sign3A_901 = arith.cmpi slt, %add3A_803, %sign3A_900 : i32
        %sign3A_902 = arith.extui %sign3A_901 : i1 to i32
        %sign3A_903 = arith.subi %sign3A_899, %sign3A_902 : i32
        %sign3A_904 = arith.constant 0 : i32
        %sign3A_905 = arith.cmpi sgt, %jit3A_895, %sign3A_904 : i32
        %sign3A_906 = arith.extui %sign3A_905 : i1 to i32
        %sign3A_907 = arith.constant 0 : i32
        %sign3A_908 = arith.cmpi slt, %jit3A_895, %sign3A_907 : i32
        %sign3A_909 = arith.extui %sign3A_908 : i1 to i32
        %sign3A_910 = arith.subi %sign3A_906, %sign3A_909 : i32
        %ne3A_911 = arith.cmpi ne, %sign3A_903, %sign3A_910 : i32
        %rem3A_912 = arith.remsi %add3A_803, %jit3A_895 : i32
        %ne3A_913 = arith.constant 0 : i32
        %ne3A_914 = arith.cmpi ne, %rem3A_912, %ne3A_913 : i32
        %and3A_915 = arith.andi %ne3A_911, %ne3A_914 : i1
        %sub3A_916 = arith.constant 1 : i32
        %sub3A_917 = arith.subi %div3A_896, %sub3A_916 : i32
        %select_n3A_918 = arith.select %and3A_915, %sub3A_917, %div3A_896 : i32
        %add3A_919 = arith.constant 32 : i32
        %add3A_920 = arith.addi %mul3A_820, %add3A_919 : i32
        %get3A_921 = arith.index_cast %select_n3A_918 : i32 to index
        %get3A_922 = arith.index_cast %add3A_920 : i32 to index
        %get3A_923 = tpu.vector_load %arg7[%get3A_921, %get3A_922] {strides = array<i32>} : memref<256x128xf32, #tpu.memory_space<vmem>>, vector<1x16xf32>,
        %get3A_924 = vector.shape_cast %get3A_923 : vector<1x16xf32> to vector<16xf32>
        %swap3A_925 = arith.constant 6 : i32
        %swap3A_926 = arith.index_cast %swap3A_925 : i32 to index
        %swap3A_927 = arith.index_cast %scan3A_126 : i32 to index
        %swap3A_928 = arith.constant 96 : index
        %swap3A_929 = tpu.vector_load %arg10[%swap3A_926, %swap3A_927, %swap3A_928] {strides = array<i32>} : memref<7x8x128xf32, #tpu.memory_space<vmem>>, vector<1x1x16xf32>,
        %swap3A_930 = vector.shape_cast %swap3A_929 : vector<1x1x16xf32> to vector<16xf32>
        %swap3A_931 = vector.shape_cast %get3A_924 : vector<16xf32> to vector<1x1x16xf32>
        tpu.vector_store %arg10[%swap3A_926, %swap3A_927, %swap3A_928], %swap3A_931 {strides = array<i32>} : memref<7x8x128xf32, #tpu.memory_space<vmem>>, vector<1x1x16xf32>,
        %jit3A_932 = arith.constant 2 : i32
        %div3A_933 = arith.divsi %add3A_803, %jit3A_932 : i32
        %sign3A_934 = arith.constant 0 : i32
        %sign3A_935 = arith.cmpi sgt, %add3A_803, %sign3A_934 : i32
        %sign3A_936 = arith.extui %sign3A_935 : i1 to i32
        %sign3A_937 = arith.constant 0 : i32
        %sign3A_938 = arith.cmpi slt, %add3A_803, %sign3A_937 : i32
        %sign3A_939 = arith.extui %sign3A_938 : i1 to i32
        %sign3A_940 = arith.subi %sign3A_936, %sign3A_939 : i32
        %sign3A_941 = arith.constant 0 : i32
        %sign3A_942 = arith.cmpi sgt, %jit3A_932, %sign3A_941 : i32
        %sign3A_943 = arith.extui %sign3A_942 : i1 to i32
        %sign3A_944 = arith.constant 0 : i32
        %sign3A_945 = arith.cmpi slt, %jit3A_932, %sign3A_944 : i32
        %sign3A_946 = arith.extui %sign3A_945 : i1 to i32
        %sign3A_947 = arith.subi %sign3A_943, %sign3A_946 : i32
        %ne3A_948 = arith.cmpi ne, %sign3A_940, %sign3A_947 : i32
        %rem3A_949 = arith.remsi %add3A_803, %jit3A_932 : i32
        %ne3A_950 = arith.constant 0 : i32
        %ne3A_951 = arith.cmpi ne, %rem3A_949, %ne3A_950 : i32
        %and3A_952 = arith.andi %ne3A_948, %ne3A_951 : i1
        %sub3A_953 = arith.constant 1 : i32
        %sub3A_954 = arith.subi %div3A_933, %sub3A_953 : i32
        %select_n3A_955 = arith.select %and3A_952, %sub3A_954, %div3A_933 : i32
        %add3A_956 = arith.constant 48 : i32
        %add3A_957 = arith.addi %mul3A_820, %add3A_956 : i32
        %get3A_958 = arith.index_cast %select_n3A_955 : i32 to index
        %get3A_959 = arith.index_cast %add3A_957 : i32 to index
        %get3A_960 = tpu.vector_load %arg7[%get3A_958, %get3A_959] {strides = array<i32>} : memref<256x128xf32, #tpu.memory_space<vmem>>, vector<1x16xf32>,
        %get3A_961 = vector.shape_cast %get3A_960 : vector<1x16xf32> to vector<16xf32>
        %swap3A_962 = arith.constant 6 : i32
        %swap3A_963 = arith.index_cast %swap3A_962 : i32 to index
        %swap3A_964 = arith.index_cast %scan3A_126 : i32 to index
        %swap3A_965 = arith.constant 112 : index
        %swap3A_966 = tpu.vector_load %arg10[%swap3A_963, %swap3A_964, %swap3A_965] {strides = array<i32>} : memref<7x8x128xf32, #tpu.memory_space<vmem>>, vector<1x1x16xf32>,
        %swap3A_967 = vector.shape_cast %swap3A_966 : vector<1x1x16xf32> to vector<16xf32>
        %swap3A_968 = vector.shape_cast %get3A_961 : vector<16xf32> to vector<1x1x16xf32>
        tpu.vector_store %arg10[%swap3A_963, %swap3A_964, %swap3A_965], %swap3A_968 {strides = array<i32>} : memref<7x8x128xf32, #tpu.memory_space<vmem>>, vector<1x1x16xf32>,
      }
      %scan3A_55 = arith.constant 8 : i32
      %jit3A_56 = arith.constant 8 : i32
      %div3A_57 = arith.divsi %mul3A_2, %jit3A_56 : i32
      %sign3A_58 = arith.constant 0 : i32
      %sign3A_59 = arith.cmpi sgt, %mul3A_2, %sign3A_58 : i32
      %sign3A_60 = arith.extui %sign3A_59 : i1 to i32
      %sign3A_61 = arith.constant 0 : i32
      %sign3A_62 = arith.cmpi slt, %mul3A_2, %sign3A_61 : i32
      %sign3A_63 = arith.extui %sign3A_62 : i1 to i32
      %sign3A_64 = arith.subi %sign3A_60, %sign3A_63 : i32
      %sign3A_65 = arith.constant 0 : i32
      %sign3A_66 = arith.cmpi sgt, %jit3A_56, %sign3A_65 : i32
      %sign3A_67 = arith.extui %sign3A_66 : i1 to i32
      %sign3A_68 = arith.constant 0 : i32
      %sign3A_69 = arith.cmpi slt, %jit3A_56, %sign3A_68 : i32
      %sign3A_70 = arith.extui %sign3A_69 : i1 to i32
      %sign3A_71 = arith.subi %sign3A_67, %sign3A_70 : i32
      %ne3A_72 = arith.cmpi ne, %sign3A_64, %sign3A_71 : i32
      %rem3A_73 = arith.remsi %mul3A_2, %jit3A_56 : i32
      %ne3A_74 = arith.constant 0 : i32
      %ne3A_75 = arith.cmpi ne, %rem3A_73, %ne3A_74 : i32
      %and3A_76 = arith.andi %ne3A_72, %ne3A_75 : i1
      %sub3A_77 = arith.constant 1 : i32
      %sub3A_78 = arith.subi %div3A_57, %sub3A_77 : i32
      %select_n3A_79 = arith.select %and3A_76, %sub3A_78, %div3A_57 : i32
      %add3A_80 = arith.addi %select_n3A_79, %mul3A_32 : i32
      "tpu.region"() ({
        %run_scoped3A = tpu.sem_alloc : memref<!tpu.dma_semaphore, #tpu.memory_space<semaphore_mem>>
        %dma_start3A_126 = arith.constant 0 : i32
        %dma_start3A_127 = arith.constant 0 : i32
        %dma_start3A_128 = arith.constant 0 : i32
        %dma_start3A_129 = tpu.memref_slice %arg5[%add3A_80, %dma_start3A_126, %dma_start3A_127, %dma_start3A_128] : memref<2048x7x8x128xf32, #tpu.memory_space<hbm>> -> memref<1x7x8x128xf32, #tpu.memory_space<hbm>>
        %dma_start3A_130 = tpu.memref_squeeze %dma_start3A_129 : memref<1x7x8x128xf32, #tpu.memory_space<hbm>> -> memref<7x8x128xf32, #tpu.memory_space<hbm>>
        %dma_start3A_131 = arith.constant 0 : i32
        %dma_start3A_132 = arith.constant 0 : i32
        %dma_start3A_133 = arith.constant 0 : i32
        %dma_start3A_134 = tpu.memref_slice %arg5[%add3A_80, %dma_start3A_131, %dma_start3A_132, %dma_start3A_133] : memref<2048x7x8x128xf32, #tpu.memory_space<hbm>> -> memref<1x7x8x128xf32, #tpu.memory_space<hbm>>
        %dma_start3A_135 = tpu.memref_squeeze %dma_start3A_134 : memref<1x7x8x128xf32, #tpu.memory_space<hbm>> -> memref<7x8x128xf32, #tpu.memory_space<hbm>>
        tpu.enqueue_dma source(%arg10 : memref<7x8x128xf32, #tpu.memory_space<vmem>>) target(%dma_start3A_135 : memref<7x8x128xf32, #tpu.memory_space<hbm>>) target_semaphore(%run_scoped3A : memref<!tpu.dma_semaphore, #tpu.memory_space<semaphore_mem>>)
        %dma_wait3A_136 = arith.constant 0 : i32
        %dma_wait3A_137 = arith.constant 0 : i32
        %dma_wait3A_138 = arith.constant 0 : i32
        %dma_wait3A_139 = tpu.memref_slice %arg5[%add3A_80, %dma_wait3A_136, %dma_wait3A_137, %dma_wait3A_138] : memref<2048x7x8x128xf32, #tpu.memory_space<hbm>> -> memref<1x7x8x128xf32, #tpu.memory_space<hbm>>
        %dma_wait3A_140 = tpu.memref_squeeze %dma_wait3A_139 : memref<1x7x8x128xf32, #tpu.memory_space<hbm>> -> memref<7x8x128xf32, #tpu.memory_space<hbm>>
        %dma_wait3A_141 = arith.constant 0 : i32
        %dma_wait3A_142 = arith.constant 0 : i32
        %dma_wait3A_143 = arith.constant 0 : i32
        %dma_wait3A_144 = tpu.memref_slice %arg5[%add3A_80, %dma_wait3A_141, %dma_wait3A_142, %dma_wait3A_143] : memref<2048x7x8x128xf32, #tpu.memory_space<hbm>> -> memref<1x7x8x128xf32, #tpu.memory_space<hbm>>
        %dma_wait3A_145 = tpu.memref_squeeze %dma_wait3A_144 : memref<1x7x8x128xf32, #tpu.memory_space<hbm>> -> memref<7x8x128xf32, #tpu.memory_space<hbm>>
        tpu.wait_dma2 semaphore(%run_scoped3A : memref<!tpu.dma_semaphore, #tpu.memory_space<semaphore_mem>>) src(%arg10 : memref<7x8x128xf32, #tpu.memory_space<vmem>>) dst(%dma_wait3A_145 : memref<7x8x128xf32, #tpu.memory_space<hbm>>)
        tpu.yield
      }) : () -> ()
      %lt3A = arith.constant 31 : i32
      %lt3A_81 = arith.cmpi slt, %scan3A_30, %lt3A : i32
      %convert_element_type3A = arith.extui %lt3A_81 : i1 to i32
      %cond3A = arith.constant 0 : i32
      %cond3A_82 = arith.cmpi ne, %convert_element_type3A, %cond3A : i32
      scf.if %cond3A_82 {
        %add3A_126 = arith.constant 2 : i32
        %add3A_127 = arith.addi %mul3A_32, %add3A_126 : i32
        %mul3A_128 = arith.constant 8 : i32
        %mul3A_129 = arith.muli %add3A_127, %mul3A_128 : i32
        %mul3A_130 = arith.constant 26 : i32
        %mul3A_131 = arith.muli %mul3A_129, %mul3A_130 : i32
        %dma_start3A_132 = tpu.memref_slice %arg6[%mul3A_131] : memref<13312xi32, #tpu.memory_space<vmem>> -> memref<208xi32, #tpu.memory_space<vmem>>
        %dma_start3A_133 = arith.constant 0 : i32
        %dma_start3A_134 = arith.constant 0 : i32
        %dma_start3A_135 = tpu.memref_slice %arg3[%dma_start3A_133, %dma_start3A_134] : memref<2600000x32xf32, #tpu.memory_space<hbm>> -> memref<2600000x32xf32, #tpu.memory_space<hbm>>
        tpu.enqueue_indirect_dma source(%dma_start3A_135 : memref<2600000x32xf32, #tpu.memory_space<hbm>>) target(%arg8 : memref<208x32xf32, #tpu.memory_space<vmem>>) offsets(%dma_start3A_132 : memref<208xi32, #tpu.memory_space<vmem>>) semaphore(%arg11 : memref<!tpu.dma_semaphore, #tpu.memory_space<semaphore_mem>>)
      } else {
      }
      %add3A_83 = arith.constant 1 : i32
      %add3A_84 = arith.addi %mul3A_32, %add3A_83 : i32
      %mul3A_85 = arith.constant 8 : i32
      %mul3A_86 = arith.muli %add3A_84, %mul3A_85 : i32
      %mul3A_87 = arith.constant 26 : i32
      %mul3A_88 = arith.muli %mul3A_86, %mul3A_87 : i32
      %dma_wait3A_89 = tpu.memref_slice %arg6[%mul3A_88] : memref<13312xi32, #tpu.memory_space<vmem>> -> memref<208xi32, #tpu.memory_space<vmem>>
      %dma_wait3A_90 = arith.constant 0 : i32
      %dma_wait3A_91 = arith.constant 0 : i32
      %dma_wait3A_92 = tpu.memref_slice %arg3[%dma_wait3A_90, %dma_wait3A_91] : memref<2600000x32xf32, #tpu.memory_space<hbm>> -> memref<2600000x32xf32, #tpu.memory_space<hbm>>
      tpu.wait_indirect_dma semaphore(%arg12 : memref<!tpu.dma_semaphore, #tpu.memory_space<semaphore_mem>>) src(%dma_wait3A_92 : memref<2600000x32xf32, #tpu.memory_space<hbm>>) dst(%arg9 : memref<208x32xf32, #tpu.memory_space<vmem>>)
      %add3A_93 = arith.constant 1 : i32
      %add3A_94 = arith.addi %mul3A_32, %add3A_93 : i32
      %scan3A_95 = arith.constant 0 : i32
      %scan3A_96 = arith.constant 0 : i32
      %scan3A_97 = arith.constant 8 : i32
      %scan3A_98 = arith.addi %scan3A_96, %scan3A_97 : i32
      %scan3A_99 = arith.constant 1 : i32
      scf.for %scan3A_126 = %scan3A_96 to %scan3A_98 step %scan3A_99  : i32 {
        %mul3A_127 = arith.constant 26 : i32
        %mul3A_128 = arith.muli %scan3A_126, %mul3A_127 : i32
        %add3A_129 = arith.constant 0 : i32
        %add3A_130 = arith.addi %mul3A_128, %add3A_129 : i32
        %get3A = arith.index_cast %add3A_130 : i32 to index
        %get3A_131 = arith.constant 0 : index
        %get3A_132 = tpu.vector_load %arg9[%get3A, %get3A_131] {strides = array<i32>} : memref<208x32xf32, #tpu.memory_space<vmem>>, vector<1x16xf32>,
        %get3A_133 = vector.shape_cast %get3A_132 : vector<1x16xf32> to vector<16xf32>
        %swap3A = arith.constant 0 : i32
        %swap3A_134 = arith.index_cast %swap3A : i32 to index
        %swap3A_135 = arith.index_cast %scan3A_126 : i32 to index
        %swap3A_136 = arith.constant 0 : index
        %swap3A_137 = tpu.vector_load %arg10[%swap3A_134, %swap3A_135, %swap3A_136] {strides = array<i32>} : memref<7x8x128xf32, #tpu.memory_space<vmem>>, vector<1x1x16xf32>,
        %swap3A_138 = vector.shape_cast %swap3A_137 : vector<1x1x16xf32> to vector<16xf32>
        %swap3A_139 = vector.shape_cast %get3A_133 : vector<16xf32> to vector<1x1x16xf32>
        tpu.vector_store %arg10[%swap3A_134, %swap3A_135, %swap3A_136], %swap3A_139 {strides = array<i32>} : memref<7x8x128xf32, #tpu.memory_space<vmem>>, vector<1x1x16xf32>,
        %get3A_140 = arith.index_cast %add3A_130 : i32 to index
        %get3A_141 = arith.constant 16 : index
        %get3A_142 = tpu.vector_load %arg9[%get3A_140, %get3A_141] {strides = array<i32>} : memref<208x32xf32, #tpu.memory_space<vmem>>, vector<1x16xf32>,
        %get3A_143 = vector.shape_cast %get3A_142 : vector<1x16xf32> to vector<16xf32>
        %swap3A_144 = arith.constant 0 : i32
        %swap3A_145 = arith.index_cast %swap3A_144 : i32 to index
        %swap3A_146 = arith.index_cast %scan3A_126 : i32 to index
        %swap3A_147 = arith.constant 16 : index
        %swap3A_148 = tpu.vector_load %arg10[%swap3A_145, %swap3A_146, %swap3A_147] {strides = array<i32>} : memref<7x8x128xf32, #tpu.memory_space<vmem>>, vector<1x1x16xf32>,
        %swap3A_149 = vector.shape_cast %swap3A_148 : vector<1x1x16xf32> to vector<16xf32>
        %swap3A_150 = vector.shape_cast %get3A_143 : vector<16xf32> to vector<1x1x16xf32>
        tpu.vector_store %arg10[%swap3A_145, %swap3A_146, %swap3A_147], %swap3A_150 {strides = array<i32>} : memref<7x8x128xf32, #tpu.memory_space<vmem>>, vector<1x1x16xf32>,
        %mul3A_151 = arith.constant 26 : i32
        %mul3A_152 = arith.muli %scan3A_126, %mul3A_151 : i32
        %add3A_153 = arith.constant 1 : i32
        %add3A_154 = arith.addi %mul3A_152, %add3A_153 : i32
        %get3A_155 = arith.index_cast %add3A_154 : i32 to index
        %get3A_156 = arith.constant 0 : index
        %get3A_157 = tpu.vector_load %arg9[%get3A_155, %get3A_156] {strides = array<i32>} : memref<208x32xf32, #tpu.memory_space<vmem>>, vector<1x16xf32>,
        %get3A_158 = vector.shape_cast %get3A_157 : vector<1x16xf32> to vector<16xf32>
        %swap3A_159 = arith.constant 0 : i32
        %swap3A_160 = arith.index_cast %swap3A_159 : i32 to index
        %swap3A_161 = arith.index_cast %scan3A_126 : i32 to index
        %swap3A_162 = arith.constant 32 : index
        %swap3A_163 = tpu.vector_load %arg10[%swap3A_160, %swap3A_161, %swap3A_162] {strides = array<i32>} : memref<7x8x128xf32, #tpu.memory_space<vmem>>, vector<1x1x16xf32>,
        %swap3A_164 = vector.shape_cast %swap3A_163 : vector<1x1x16xf32> to vector<16xf32>
        %swap3A_165 = vector.shape_cast %get3A_158 : vector<16xf32> to vector<1x1x16xf32>
        tpu.vector_store %arg10[%swap3A_160, %swap3A_161, %swap3A_162], %swap3A_165 {strides = array<i32>} : memref<7x8x128xf32, #tpu.memory_space<vmem>>, vector<1x1x16xf32>,
        %get3A_166 = arith.index_cast %add3A_154 : i32 to index
        %get3A_167 = arith.constant 16 : index
        %get3A_168 = tpu.vector_load %arg9[%get3A_166, %get3A_167] {strides = array<i32>} : memref<208x32xf32, #tpu.memory_space<vmem>>, vector<1x16xf32>,
        %get3A_169 = vector.shape_cast %get3A_168 : vector<1x16xf32> to vector<16xf32>
        %swap3A_170 = arith.constant 0 : i32
        %swap3A_171 = arith.index_cast %swap3A_170 : i32 to index
        %swap3A_172 = arith.index_cast %scan3A_126 : i32 to index
        %swap3A_173 = arith.constant 48 : index
        %swap3A_174 = tpu.vector_load %arg10[%swap3A_171, %swap3A_172, %swap3A_173] {strides = array<i32>} : memref<7x8x128xf32, #tpu.memory_space<vmem>>, vector<1x1x16xf32>,
        %swap3A_175 = vector.shape_cast %swap3A_174 : vector<1x1x16xf32> to vector<16xf32>
        %swap3A_176 = vector.shape_cast %get3A_169 : vector<16xf32> to vector<1x1x16xf32>
        tpu.vector_store %arg10[%swap3A_171, %swap3A_172, %swap3A_173], %swap3A_176 {strides = array<i32>} : memref<7x8x128xf32, #tpu.memory_space<vmem>>, vector<1x1x16xf32>,
        %mul3A_177 = arith.constant 26 : i32
        %mul3A_178 = arith.muli %scan3A_126, %mul3A_177 : i32
        %add3A_179 = arith.constant 2 : i32
        %add3A_180 = arith.addi %mul3A_178, %add3A_179 : i32
        %get3A_181 = arith.index_cast %add3A_180 : i32 to index
        %get3A_182 = arith.constant 0 : index
        %get3A_183 = tpu.vector_load %arg9[%get3A_181, %get3A_182] {strides = array<i32>} : memref<208x32xf32, #tpu.memory_space<vmem>>, vector<1x16xf32>,
        %get3A_184 = vector.shape_cast %get3A_183 : vector<1x16xf32> to vector<16xf32>
        %swap3A_185 = arith.constant 0 : i32
        %swap3A_186 = arith.index_cast %swap3A_185 : i32 to index
        %swap3A_187 = arith.index_cast %scan3A_126 : i32 to index
        %swap3A_188 = arith.constant 64 : index
        %swap3A_189 = tpu.vector_load %arg10[%swap3A_186, %swap3A_187, %swap3A_188] {strides = array<i32>} : memref<7x8x128xf32, #tpu.memory_space<vmem>>, vector<1x1x16xf32>,
        %swap3A_190 = vector.shape_cast %swap3A_189 : vector<1x1x16xf32> to vector<16xf32>
        %swap3A_191 = vector.shape_cast %get3A_184 : vector<16xf32> to vector<1x1x16xf32>
        tpu.vector_store %arg10[%swap3A_186, %swap3A_187, %swap3A_188], %swap3A_191 {strides = array<i32>} : memref<7x8x128xf32, #tpu.memory_space<vmem>>, vector<1x1x16xf32>,
        %get3A_192 = arith.index_cast %add3A_180 : i32 to index
        %get3A_193 = arith.constant 16 : index
        %get3A_194 = tpu.vector_load %arg9[%get3A_192, %get3A_193] {strides = array<i32>} : memref<208x32xf32, #tpu.memory_space<vmem>>, vector<1x16xf32>,
        %get3A_195 = vector.shape_cast %get3A_194 : vector<1x16xf32> to vector<16xf32>
        %swap3A_196 = arith.constant 0 : i32
        %swap3A_197 = arith.index_cast %swap3A_196 : i32 to index
        %swap3A_198 = arith.index_cast %scan3A_126 : i32 to index
        %swap3A_199 = arith.constant 80 : index
        %swap3A_200 = tpu.vector_load %arg10[%swap3A_197, %swap3A_198, %swap3A_199] {strides = array<i32>} : memref<7x8x128xf32, #tpu.memory_space<vmem>>, vector<1x1x16xf32>,
        %swap3A_201 = vector.shape_cast %swap3A_200 : vector<1x1x16xf32> to vector<16xf32>
        %swap3A_202 = vector.shape_cast %get3A_195 : vector<16xf32> to vector<1x1x16xf32>
        tpu.vector_store %arg10[%swap3A_197, %swap3A_198, %swap3A_199], %swap3A_202 {strides = array<i32>} : memref<7x8x128xf32, #tpu.memory_space<vmem>>, vector<1x1x16xf32>,
        %mul3A_203 = arith.constant 26 : i32
        %mul3A_204 = arith.muli %scan3A_126, %mul3A_203 : i32
        %add3A_205 = arith.constant 3 : i32
        %add3A_206 = arith.addi %mul3A_204, %add3A_205 : i32
        %get3A_207 = arith.index_cast %add3A_206 : i32 to index
        %get3A_208 = arith.constant 0 : index
        %get3A_209 = tpu.vector_load %arg9[%get3A_207, %get3A_208] {strides = array<i32>} : memref<208x32xf32, #tpu.memory_space<vmem>>, vector<1x16xf32>,
        %get3A_210 = vector.shape_cast %get3A_209 : vector<1x16xf32> to vector<16xf32>
        %swap3A_211 = arith.constant 0 : i32
        %swap3A_212 = arith.index_cast %swap3A_211 : i32 to index
        %swap3A_213 = arith.index_cast %scan3A_126 : i32 to index
        %swap3A_214 = arith.constant 96 : index
        %swap3A_215 = tpu.vector_load %arg10[%swap3A_212, %swap3A_213, %swap3A_214] {strides = array<i32>} : memref<7x8x128xf32, #tpu.memory_space<vmem>>, vector<1x1x16xf32>,
        %swap3A_216 = vector.shape_cast %swap3A_215 : vector<1x1x16xf32> to vector<16xf32>
        %swap3A_217 = vector.shape_cast %get3A_210 : vector<16xf32> to vector<1x1x16xf32>
        tpu.vector_store %arg10[%swap3A_212, %swap3A_213, %swap3A_214], %swap3A_217 {strides = array<i32>} : memref<7x8x128xf32, #tpu.memory_space<vmem>>, vector<1x1x16xf32>,
        %get3A_218 = arith.index_cast %add3A_206 : i32 to index
        %get3A_219 = arith.constant 16 : index
        %get3A_220 = tpu.vector_load %arg9[%get3A_218, %get3A_219] {strides = array<i32>} : memref<208x32xf32, #tpu.memory_space<vmem>>, vector<1x16xf32>,
        %get3A_221 = vector.shape_cast %get3A_220 : vector<1x16xf32> to vector<16xf32>
        %swap3A_222 = arith.constant 0 : i32
        %swap3A_223 = arith.index_cast %swap3A_222 : i32 to index
        %swap3A_224 = arith.index_cast %scan3A_126 : i32 to index
        %swap3A_225 = arith.constant 112 : index
        %swap3A_226 = tpu.vector_load %arg10[%swap3A_223, %swap3A_224, %swap3A_225] {strides = array<i32>} : memref<7x8x128xf32, #tpu.memory_space<vmem>>, vector<1x1x16xf32>,
        %swap3A_227 = vector.shape_cast %swap3A_226 : vector<1x1x16xf32> to vector<16xf32>
        %swap3A_228 = vector.shape_cast %get3A_221 : vector<16xf32> to vector<1x1x16xf32>
        tpu.vector_store %arg10[%swap3A_223, %swap3A_224, %swap3A_225], %swap3A_228 {strides = array<i32>} : memref<7x8x128xf32, #tpu.memory_space<vmem>>, vector<1x1x16xf32>,
        %mul3A_229 = arith.constant 26 : i32
        %mul3A_230 = arith.muli %scan3A_126, %mul3A_229 : i32
        %add3A_231 = arith.constant 4 : i32
        %add3A_232 = arith.addi %mul3A_230, %add3A_231 : i32
        %get3A_233 = arith.index_cast %add3A_232 : i32 to index
        %get3A_234 = arith.constant 0 : index
        %get3A_235 = tpu.vector_load %arg9[%get3A_233, %get3A_234] {strides = array<i32>} : memref<208x32xf32, #tpu.memory_space<vmem>>, vector<1x16xf32>,
        %get3A_236 = vector.shape_cast %get3A_235 : vector<1x16xf32> to vector<16xf32>
        %swap3A_237 = arith.constant 1 : i32
        %swap3A_238 = arith.index_cast %swap3A_237 : i32 to index
        %swap3A_239 = arith.index_cast %scan3A_126 : i32 to index
        %swap3A_240 = arith.constant 0 : index
        %swap3A_241 = tpu.vector_load %arg10[%swap3A_238, %swap3A_239, %swap3A_240] {strides = array<i32>} : memref<7x8x128xf32, #tpu.memory_space<vmem>>, vector<1x1x16xf32>,
        %swap3A_242 = vector.shape_cast %swap3A_241 : vector<1x1x16xf32> to vector<16xf32>
        %swap3A_243 = vector.shape_cast %get3A_236 : vector<16xf32> to vector<1x1x16xf32>
        tpu.vector_store %arg10[%swap3A_238, %swap3A_239, %swap3A_240], %swap3A_243 {strides = array<i32>} : memref<7x8x128xf32, #tpu.memory_space<vmem>>, vector<1x1x16xf32>,
        %get3A_244 = arith.index_cast %add3A_232 : i32 to index
        %get3A_245 = arith.constant 16 : index
        %get3A_246 = tpu.vector_load %arg9[%get3A_244, %get3A_245] {strides = array<i32>} : memref<208x32xf32, #tpu.memory_space<vmem>>, vector<1x16xf32>,
        %get3A_247 = vector.shape_cast %get3A_246 : vector<1x16xf32> to vector<16xf32>
        %swap3A_248 = arith.constant 1 : i32
        %swap3A_249 = arith.index_cast %swap3A_248 : i32 to index
        %swap3A_250 = arith.index_cast %scan3A_126 : i32 to index
        %swap3A_251 = arith.constant 16 : index
        %swap3A_252 = tpu.vector_load %arg10[%swap3A_249, %swap3A_250, %swap3A_251] {strides = array<i32>} : memref<7x8x128xf32, #tpu.memory_space<vmem>>, vector<1x1x16xf32>,
        %swap3A_253 = vector.shape_cast %swap3A_252 : vector<1x1x16xf32> to vector<16xf32>
        %swap3A_254 = vector.shape_cast %get3A_247 : vector<16xf32> to vector<1x1x16xf32>
        tpu.vector_store %arg10[%swap3A_249, %swap3A_250, %swap3A_251], %swap3A_254 {strides = array<i32>} : memref<7x8x128xf32, #tpu.memory_space<vmem>>, vector<1x1x16xf32>,
        %mul3A_255 = arith.constant 26 : i32
        %mul3A_256 = arith.muli %scan3A_126, %mul3A_255 : i32
        %add3A_257 = arith.constant 5 : i32
        %add3A_258 = arith.addi %mul3A_256, %add3A_257 : i32
        %get3A_259 = arith.index_cast %add3A_258 : i32 to index
        %get3A_260 = arith.constant 0 : index
        %get3A_261 = tpu.vector_load %arg9[%get3A_259, %get3A_260] {strides = array<i32>} : memref<208x32xf32, #tpu.memory_space<vmem>>, vector<1x16xf32>,
        %get3A_262 = vector.shape_cast %get3A_261 : vector<1x16xf32> to vector<16xf32>
        %swap3A_263 = arith.constant 1 : i32
        %swap3A_264 = arith.index_cast %swap3A_263 : i32 to index
        %swap3A_265 = arith.index_cast %scan3A_126 : i32 to index
        %swap3A_266 = arith.constant 32 : index
        %swap3A_267 = tpu.vector_load %arg10[%swap3A_264, %swap3A_265, %swap3A_266] {strides = array<i32>} : memref<7x8x128xf32, #tpu.memory_space<vmem>>, vector<1x1x16xf32>,
        %swap3A_268 = vector.shape_cast %swap3A_267 : vector<1x1x16xf32> to vector<16xf32>
        %swap3A_269 = vector.shape_cast %get3A_262 : vector<16xf32> to vector<1x1x16xf32>
        tpu.vector_store %arg10[%swap3A_264, %swap3A_265, %swap3A_266], %swap3A_269 {strides = array<i32>} : memref<7x8x128xf32, #tpu.memory_space<vmem>>, vector<1x1x16xf32>,
        %get3A_270 = arith.index_cast %add3A_258 : i32 to index
        %get3A_271 = arith.constant 16 : index
        %get3A_272 = tpu.vector_load %arg9[%get3A_270, %get3A_271] {strides = array<i32>} : memref<208x32xf32, #tpu.memory_space<vmem>>, vector<1x16xf32>,
        %get3A_273 = vector.shape_cast %get3A_272 : vector<1x16xf32> to vector<16xf32>
        %swap3A_274 = arith.constant 1 : i32
        %swap3A_275 = arith.index_cast %swap3A_274 : i32 to index
        %swap3A_276 = arith.index_cast %scan3A_126 : i32 to index
        %swap3A_277 = arith.constant 48 : index
        %swap3A_278 = tpu.vector_load %arg10[%swap3A_275, %swap3A_276, %swap3A_277] {strides = array<i32>} : memref<7x8x128xf32, #tpu.memory_space<vmem>>, vector<1x1x16xf32>,
        %swap3A_279 = vector.shape_cast %swap3A_278 : vector<1x1x16xf32> to vector<16xf32>
        %swap3A_280 = vector.shape_cast %get3A_273 : vector<16xf32> to vector<1x1x16xf32>
        tpu.vector_store %arg10[%swap3A_275, %swap3A_276, %swap3A_277], %swap3A_280 {strides = array<i32>} : memref<7x8x128xf32, #tpu.memory_space<vmem>>, vector<1x1x16xf32>,
        %mul3A_281 = arith.constant 26 : i32
        %mul3A_282 = arith.muli %scan3A_126, %mul3A_281 : i32
        %add3A_283 = arith.constant 6 : i32
        %add3A_284 = arith.addi %mul3A_282, %add3A_283 : i32
        %get3A_285 = arith.index_cast %add3A_284 : i32 to index
        %get3A_286 = arith.constant 0 : index
        %get3A_287 = tpu.vector_load %arg9[%get3A_285, %get3A_286] {strides = array<i32>} : memref<208x32xf32, #tpu.memory_space<vmem>>, vector<1x16xf32>,
        %get3A_288 = vector.shape_cast %get3A_287 : vector<1x16xf32> to vector<16xf32>
        %swap3A_289 = arith.constant 1 : i32
        %swap3A_290 = arith.index_cast %swap3A_289 : i32 to index
        %swap3A_291 = arith.index_cast %scan3A_126 : i32 to index
        %swap3A_292 = arith.constant 64 : index
        %swap3A_293 = tpu.vector_load %arg10[%swap3A_290, %swap3A_291, %swap3A_292] {strides = array<i32>} : memref<7x8x128xf32, #tpu.memory_space<vmem>>, vector<1x1x16xf32>,
        %swap3A_294 = vector.shape_cast %swap3A_293 : vector<1x1x16xf32> to vector<16xf32>
        %swap3A_295 = vector.shape_cast %get3A_288 : vector<16xf32> to vector<1x1x16xf32>
        tpu.vector_store %arg10[%swap3A_290, %swap3A_291, %swap3A_292], %swap3A_295 {strides = array<i32>} : memref<7x8x128xf32, #tpu.memory_space<vmem>>, vector<1x1x16xf32>,
        %get3A_296 = arith.index_cast %add3A_284 : i32 to index
        %get3A_297 = arith.constant 16 : index
        %get3A_298 = tpu.vector_load %arg9[%get3A_296, %get3A_297] {strides = array<i32>} : memref<208x32xf32, #tpu.memory_space<vmem>>, vector<1x16xf32>,
        %get3A_299 = vector.shape_cast %get3A_298 : vector<1x16xf32> to vector<16xf32>
        %swap3A_300 = arith.constant 1 : i32
        %swap3A_301 = arith.index_cast %swap3A_300 : i32 to index
        %swap3A_302 = arith.index_cast %scan3A_126 : i32 to index
        %swap3A_303 = arith.constant 80 : index
        %swap3A_304 = tpu.vector_load %arg10[%swap3A_301, %swap3A_302, %swap3A_303] {strides = array<i32>} : memref<7x8x128xf32, #tpu.memory_space<vmem>>, vector<1x1x16xf32>,
        %swap3A_305 = vector.shape_cast %swap3A_304 : vector<1x1x16xf32> to vector<16xf32>
        %swap3A_306 = vector.shape_cast %get3A_299 : vector<16xf32> to vector<1x1x16xf32>
        tpu.vector_store %arg10[%swap3A_301, %swap3A_302, %swap3A_303], %swap3A_306 {strides = array<i32>} : memref<7x8x128xf32, #tpu.memory_space<vmem>>, vector<1x1x16xf32>,
        %mul3A_307 = arith.constant 26 : i32
        %mul3A_308 = arith.muli %scan3A_126, %mul3A_307 : i32
        %add3A_309 = arith.constant 7 : i32
        %add3A_310 = arith.addi %mul3A_308, %add3A_309 : i32
        %get3A_311 = arith.index_cast %add3A_310 : i32 to index
        %get3A_312 = arith.constant 0 : index
        %get3A_313 = tpu.vector_load %arg9[%get3A_311, %get3A_312] {strides = array<i32>} : memref<208x32xf32, #tpu.memory_space<vmem>>, vector<1x16xf32>,
        %get3A_314 = vector.shape_cast %get3A_313 : vector<1x16xf32> to vector<16xf32>
        %swap3A_315 = arith.constant 1 : i32
        %swap3A_316 = arith.index_cast %swap3A_315 : i32 to index
        %swap3A_317 = arith.index_cast %scan3A_126 : i32 to index
        %swap3A_318 = arith.constant 96 : index
        %swap3A_319 = tpu.vector_load %arg10[%swap3A_316, %swap3A_317, %swap3A_318] {strides = array<i32>} : memref<7x8x128xf32, #tpu.memory_space<vmem>>, vector<1x1x16xf32>,
        %swap3A_320 = vector.shape_cast %swap3A_319 : vector<1x1x16xf32> to vector<16xf32>
        %swap3A_321 = vector.shape_cast %get3A_314 : vector<16xf32> to vector<1x1x16xf32>
        tpu.vector_store %arg10[%swap3A_316, %swap3A_317, %swap3A_318], %swap3A_321 {strides = array<i32>} : memref<7x8x128xf32, #tpu.memory_space<vmem>>, vector<1x1x16xf32>,
        %get3A_322 = arith.index_cast %add3A_310 : i32 to index
        %get3A_323 = arith.constant 16 : index
        %get3A_324 = tpu.vector_load %arg9[%get3A_322, %get3A_323] {strides = array<i32>} : memref<208x32xf32, #tpu.memory_space<vmem>>, vector<1x16xf32>,
        %get3A_325 = vector.shape_cast %get3A_324 : vector<1x16xf32> to vector<16xf32>
        %swap3A_326 = arith.constant 1 : i32
        %swap3A_327 = arith.index_cast %swap3A_326 : i32 to index
        %swap3A_328 = arith.index_cast %scan3A_126 : i32 to index
        %swap3A_329 = arith.constant 112 : index
        %swap3A_330 = tpu.vector_load %arg10[%swap3A_327, %swap3A_328, %swap3A_329] {strides = array<i32>} : memref<7x8x128xf32, #tpu.memory_space<vmem>>, vector<1x1x16xf32>,
        %swap3A_331 = vector.shape_cast %swap3A_330 : vector<1x1x16xf32> to vector<16xf32>
        %swap3A_332 = vector.shape_cast %get3A_325 : vector<16xf32> to vector<1x1x16xf32>
        tpu.vector_store %arg10[%swap3A_327, %swap3A_328, %swap3A_329], %swap3A_332 {strides = array<i32>} : memref<7x8x128xf32, #tpu.memory_space<vmem>>, vector<1x1x16xf32>,
        %mul3A_333 = arith.constant 26 : i32
        %mul3A_334 = arith.muli %scan3A_126, %mul3A_333 : i32
        %add3A_335 = arith.constant 8 : i32
        %add3A_336 = arith.addi %mul3A_334, %add3A_335 : i32
        %get3A_337 = arith.index_cast %add3A_336 : i32 to index
        %get3A_338 = arith.constant 0 : index
        %get3A_339 = tpu.vector_load %arg9[%get3A_337, %get3A_338] {strides = array<i32>} : memref<208x32xf32, #tpu.memory_space<vmem>>, vector<1x16xf32>,
        %get3A_340 = vector.shape_cast %get3A_339 : vector<1x16xf32> to vector<16xf32>
        %swap3A_341 = arith.constant 2 : i32
        %swap3A_342 = arith.index_cast %swap3A_341 : i32 to index
        %swap3A_343 = arith.index_cast %scan3A_126 : i32 to index
        %swap3A_344 = arith.constant 0 : index
        %swap3A_345 = tpu.vector_load %arg10[%swap3A_342, %swap3A_343, %swap3A_344] {strides = array<i32>} : memref<7x8x128xf32, #tpu.memory_space<vmem>>, vector<1x1x16xf32>,
        %swap3A_346 = vector.shape_cast %swap3A_345 : vector<1x1x16xf32> to vector<16xf32>
        %swap3A_347 = vector.shape_cast %get3A_340 : vector<16xf32> to vector<1x1x16xf32>
        tpu.vector_store %arg10[%swap3A_342, %swap3A_343, %swap3A_344], %swap3A_347 {strides = array<i32>} : memref<7x8x128xf32, #tpu.memory_space<vmem>>, vector<1x1x16xf32>,
        %get3A_348 = arith.index_cast %add3A_336 : i32 to index
        %get3A_349 = arith.constant 16 : index
        %get3A_350 = tpu.vector_load %arg9[%get3A_348, %get3A_349] {strides = array<i32>} : memref<208x32xf32, #tpu.memory_space<vmem>>, vector<1x16xf32>,
        %get3A_351 = vector.shape_cast %get3A_350 : vector<1x16xf32> to vector<16xf32>
        %swap3A_352 = arith.constant 2 : i32
        %swap3A_353 = arith.index_cast %swap3A_352 : i32 to index
        %swap3A_354 = arith.index_cast %scan3A_126 : i32 to index
        %swap3A_355 = arith.constant 16 : index
        %swap3A_356 = tpu.vector_load %arg10[%swap3A_353, %swap3A_354, %swap3A_355] {strides = array<i32>} : memref<7x8x128xf32, #tpu.memory_space<vmem>>, vector<1x1x16xf32>,
        %swap3A_357 = vector.shape_cast %swap3A_356 : vector<1x1x16xf32> to vector<16xf32>
        %swap3A_358 = vector.shape_cast %get3A_351 : vector<16xf32> to vector<1x1x16xf32>
        tpu.vector_store %arg10[%swap3A_353, %swap3A_354, %swap3A_355], %swap3A_358 {strides = array<i32>} : memref<7x8x128xf32, #tpu.memory_space<vmem>>, vector<1x1x16xf32>,
        %mul3A_359 = arith.constant 26 : i32
        %mul3A_360 = arith.muli %scan3A_126, %mul3A_359 : i32
        %add3A_361 = arith.constant 9 : i32
        %add3A_362 = arith.addi %mul3A_360, %add3A_361 : i32
        %get3A_363 = arith.index_cast %add3A_362 : i32 to index
        %get3A_364 = arith.constant 0 : index
        %get3A_365 = tpu.vector_load %arg9[%get3A_363, %get3A_364] {strides = array<i32>} : memref<208x32xf32, #tpu.memory_space<vmem>>, vector<1x16xf32>,
        %get3A_366 = vector.shape_cast %get3A_365 : vector<1x16xf32> to vector<16xf32>
        %swap3A_367 = arith.constant 2 : i32
        %swap3A_368 = arith.index_cast %swap3A_367 : i32 to index
        %swap3A_369 = arith.index_cast %scan3A_126 : i32 to index
        %swap3A_370 = arith.constant 32 : index
        %swap3A_371 = tpu.vector_load %arg10[%swap3A_368, %swap3A_369, %swap3A_370] {strides = array<i32>} : memref<7x8x128xf32, #tpu.memory_space<vmem>>, vector<1x1x16xf32>,
        %swap3A_372 = vector.shape_cast %swap3A_371 : vector<1x1x16xf32> to vector<16xf32>
        %swap3A_373 = vector.shape_cast %get3A_366 : vector<16xf32> to vector<1x1x16xf32>
        tpu.vector_store %arg10[%swap3A_368, %swap3A_369, %swap3A_370], %swap3A_373 {strides = array<i32>} : memref<7x8x128xf32, #tpu.memory_space<vmem>>, vector<1x1x16xf32>,
        %get3A_374 = arith.index_cast %add3A_362 : i32 to index
        %get3A_375 = arith.constant 16 : index
        %get3A_376 = tpu.vector_load %arg9[%get3A_374, %get3A_375] {strides = array<i32>} : memref<208x32xf32, #tpu.memory_space<vmem>>, vector<1x16xf32>,
        %get3A_377 = vector.shape_cast %get3A_376 : vector<1x16xf32> to vector<16xf32>
        %swap3A_378 = arith.constant 2 : i32
        %swap3A_379 = arith.index_cast %swap3A_378 : i32 to index
        %swap3A_380 = arith.index_cast %scan3A_126 : i32 to index
        %swap3A_381 = arith.constant 48 : index
        %swap3A_382 = tpu.vector_load %arg10[%swap3A_379, %swap3A_380, %swap3A_381] {strides = array<i32>} : memref<7x8x128xf32, #tpu.memory_space<vmem>>, vector<1x1x16xf32>,
        %swap3A_383 = vector.shape_cast %swap3A_382 : vector<1x1x16xf32> to vector<16xf32>
        %swap3A_384 = vector.shape_cast %get3A_377 : vector<16xf32> to vector<1x1x16xf32>
        tpu.vector_store %arg10[%swap3A_379, %swap3A_380, %swap3A_381], %swap3A_384 {strides = array<i32>} : memref<7x8x128xf32, #tpu.memory_space<vmem>>, vector<1x1x16xf32>,
        %mul3A_385 = arith.constant 26 : i32
        %mul3A_386 = arith.muli %scan3A_126, %mul3A_385 : i32
        %add3A_387 = arith.constant 10 : i32
        %add3A_388 = arith.addi %mul3A_386, %add3A_387 : i32
        %get3A_389 = arith.index_cast %add3A_388 : i32 to index
        %get3A_390 = arith.constant 0 : index
        %get3A_391 = tpu.vector_load %arg9[%get3A_389, %get3A_390] {strides = array<i32>} : memref<208x32xf32, #tpu.memory_space<vmem>>, vector<1x16xf32>,
        %get3A_392 = vector.shape_cast %get3A_391 : vector<1x16xf32> to vector<16xf32>
        %swap3A_393 = arith.constant 2 : i32
        %swap3A_394 = arith.index_cast %swap3A_393 : i32 to index
        %swap3A_395 = arith.index_cast %scan3A_126 : i32 to index
        %swap3A_396 = arith.constant 64 : index
        %swap3A_397 = tpu.vector_load %arg10[%swap3A_394, %swap3A_395, %swap3A_396] {strides = array<i32>} : memref<7x8x128xf32, #tpu.memory_space<vmem>>, vector<1x1x16xf32>,
        %swap3A_398 = vector.shape_cast %swap3A_397 : vector<1x1x16xf32> to vector<16xf32>
        %swap3A_399 = vector.shape_cast %get3A_392 : vector<16xf32> to vector<1x1x16xf32>
        tpu.vector_store %arg10[%swap3A_394, %swap3A_395, %swap3A_396], %swap3A_399 {strides = array<i32>} : memref<7x8x128xf32, #tpu.memory_space<vmem>>, vector<1x1x16xf32>,
        %get3A_400 = arith.index_cast %add3A_388 : i32 to index
        %get3A_401 = arith.constant 16 : index
        %get3A_402 = tpu.vector_load %arg9[%get3A_400, %get3A_401] {strides = array<i32>} : memref<208x32xf32, #tpu.memory_space<vmem>>, vector<1x16xf32>,
        %get3A_403 = vector.shape_cast %get3A_402 : vector<1x16xf32> to vector<16xf32>
        %swap3A_404 = arith.constant 2 : i32
        %swap3A_405 = arith.index_cast %swap3A_404 : i32 to index
        %swap3A_406 = arith.index_cast %scan3A_126 : i32 to index
        %swap3A_407 = arith.constant 80 : index
        %swap3A_408 = tpu.vector_load %arg10[%swap3A_405, %swap3A_406, %swap3A_407] {strides = array<i32>} : memref<7x8x128xf32, #tpu.memory_space<vmem>>, vector<1x1x16xf32>,
        %swap3A_409 = vector.shape_cast %swap3A_408 : vector<1x1x16xf32> to vector<16xf32>
        %swap3A_410 = vector.shape_cast %get3A_403 : vector<16xf32> to vector<1x1x16xf32>
        tpu.vector_store %arg10[%swap3A_405, %swap3A_406, %swap3A_407], %swap3A_410 {strides = array<i32>} : memref<7x8x128xf32, #tpu.memory_space<vmem>>, vector<1x1x16xf32>,
        %mul3A_411 = arith.constant 26 : i32
        %mul3A_412 = arith.muli %scan3A_126, %mul3A_411 : i32
        %add3A_413 = arith.constant 11 : i32
        %add3A_414 = arith.addi %mul3A_412, %add3A_413 : i32
        %get3A_415 = arith.index_cast %add3A_414 : i32 to index
        %get3A_416 = arith.constant 0 : index
        %get3A_417 = tpu.vector_load %arg9[%get3A_415, %get3A_416] {strides = array<i32>} : memref<208x32xf32, #tpu.memory_space<vmem>>, vector<1x16xf32>,
        %get3A_418 = vector.shape_cast %get3A_417 : vector<1x16xf32> to vector<16xf32>
        %swap3A_419 = arith.constant 2 : i32
        %swap3A_420 = arith.index_cast %swap3A_419 : i32 to index
        %swap3A_421 = arith.index_cast %scan3A_126 : i32 to index
        %swap3A_422 = arith.constant 96 : index
        %swap3A_423 = tpu.vector_load %arg10[%swap3A_420, %swap3A_421, %swap3A_422] {strides = array<i32>} : memref<7x8x128xf32, #tpu.memory_space<vmem>>, vector<1x1x16xf32>,
        %swap3A_424 = vector.shape_cast %swap3A_423 : vector<1x1x16xf32> to vector<16xf32>
        %swap3A_425 = vector.shape_cast %get3A_418 : vector<16xf32> to vector<1x1x16xf32>
        tpu.vector_store %arg10[%swap3A_420, %swap3A_421, %swap3A_422], %swap3A_425 {strides = array<i32>} : memref<7x8x128xf32, #tpu.memory_space<vmem>>, vector<1x1x16xf32>,
        %get3A_426 = arith.index_cast %add3A_414 : i32 to index
        %get3A_427 = arith.constant 16 : index
        %get3A_428 = tpu.vector_load %arg9[%get3A_426, %get3A_427] {strides = array<i32>} : memref<208x32xf32, #tpu.memory_space<vmem>>, vector<1x16xf32>,
        %get3A_429 = vector.shape_cast %get3A_428 : vector<1x16xf32> to vector<16xf32>
        %swap3A_430 = arith.constant 2 : i32
        %swap3A_431 = arith.index_cast %swap3A_430 : i32 to index
        %swap3A_432 = arith.index_cast %scan3A_126 : i32 to index
        %swap3A_433 = arith.constant 112 : index
        %swap3A_434 = tpu.vector_load %arg10[%swap3A_431, %swap3A_432, %swap3A_433] {strides = array<i32>} : memref<7x8x128xf32, #tpu.memory_space<vmem>>, vector<1x1x16xf32>,
        %swap3A_435 = vector.shape_cast %swap3A_434 : vector<1x1x16xf32> to vector<16xf32>
        %swap3A_436 = vector.shape_cast %get3A_429 : vector<16xf32> to vector<1x1x16xf32>
        tpu.vector_store %arg10[%swap3A_431, %swap3A_432, %swap3A_433], %swap3A_436 {strides = array<i32>} : memref<7x8x128xf32, #tpu.memory_space<vmem>>, vector<1x1x16xf32>,
        %mul3A_437 = arith.constant 26 : i32
        %mul3A_438 = arith.muli %scan3A_126, %mul3A_437 : i32
        %add3A_439 = arith.constant 12 : i32
        %add3A_440 = arith.addi %mul3A_438, %add3A_439 : i32
        %get3A_441 = arith.index_cast %add3A_440 : i32 to index
        %get3A_442 = arith.constant 0 : index
        %get3A_443 = tpu.vector_load %arg9[%get3A_441, %get3A_442] {strides = array<i32>} : memref<208x32xf32, #tpu.memory_space<vmem>>, vector<1x16xf32>,
        %get3A_444 = vector.shape_cast %get3A_443 : vector<1x16xf32> to vector<16xf32>
        %swap3A_445 = arith.constant 3 : i32
        %swap3A_446 = arith.index_cast %swap3A_445 : i32 to index
        %swap3A_447 = arith.index_cast %scan3A_126 : i32 to index
        %swap3A_448 = arith.constant 0 : index
        %swap3A_449 = tpu.vector_load %arg10[%swap3A_446, %swap3A_447, %swap3A_448] {strides = array<i32>} : memref<7x8x128xf32, #tpu.memory_space<vmem>>, vector<1x1x16xf32>,
        %swap3A_450 = vector.shape_cast %swap3A_449 : vector<1x1x16xf32> to vector<16xf32>
        %swap3A_451 = vector.shape_cast %get3A_444 : vector<16xf32> to vector<1x1x16xf32>
        tpu.vector_store %arg10[%swap3A_446, %swap3A_447, %swap3A_448], %swap3A_451 {strides = array<i32>} : memref<7x8x128xf32, #tpu.memory_space<vmem>>, vector<1x1x16xf32>,
        %get3A_452 = arith.index_cast %add3A_440 : i32 to index
        %get3A_453 = arith.constant 16 : index
        %get3A_454 = tpu.vector_load %arg9[%get3A_452, %get3A_453] {strides = array<i32>} : memref<208x32xf32, #tpu.memory_space<vmem>>, vector<1x16xf32>,
        %get3A_455 = vector.shape_cast %get3A_454 : vector<1x16xf32> to vector<16xf32>
        %swap3A_456 = arith.constant 3 : i32
        %swap3A_457 = arith.index_cast %swap3A_456 : i32 to index
        %swap3A_458 = arith.index_cast %scan3A_126 : i32 to index
        %swap3A_459 = arith.constant 16 : index
        %swap3A_460 = tpu.vector_load %arg10[%swap3A_457, %swap3A_458, %swap3A_459] {strides = array<i32>} : memref<7x8x128xf32, #tpu.memory_space<vmem>>, vector<1x1x16xf32>,
        %swap3A_461 = vector.shape_cast %swap3A_460 : vector<1x1x16xf32> to vector<16xf32>
        %swap3A_462 = vector.shape_cast %get3A_455 : vector<16xf32> to vector<1x1x16xf32>
        tpu.vector_store %arg10[%swap3A_457, %swap3A_458, %swap3A_459], %swap3A_462 {strides = array<i32>} : memref<7x8x128xf32, #tpu.memory_space<vmem>>, vector<1x1x16xf32>,
        %mul3A_463 = arith.constant 26 : i32
        %mul3A_464 = arith.muli %scan3A_126, %mul3A_463 : i32
        %add3A_465 = arith.constant 13 : i32
        %add3A_466 = arith.addi %mul3A_464, %add3A_465 : i32
        %get3A_467 = arith.index_cast %add3A_466 : i32 to index
        %get3A_468 = arith.constant 0 : index
        %get3A_469 = tpu.vector_load %arg9[%get3A_467, %get3A_468] {strides = array<i32>} : memref<208x32xf32, #tpu.memory_space<vmem>>, vector<1x16xf32>,
        %get3A_470 = vector.shape_cast %get3A_469 : vector<1x16xf32> to vector<16xf32>
        %swap3A_471 = arith.constant 3 : i32
        %swap3A_472 = arith.index_cast %swap3A_471 : i32 to index
        %swap3A_473 = arith.index_cast %scan3A_126 : i32 to index
        %swap3A_474 = arith.constant 32 : index
        %swap3A_475 = tpu.vector_load %arg10[%swap3A_472, %swap3A_473, %swap3A_474] {strides = array<i32>} : memref<7x8x128xf32, #tpu.memory_space<vmem>>, vector<1x1x16xf32>,
        %swap3A_476 = vector.shape_cast %swap3A_475 : vector<1x1x16xf32> to vector<16xf32>
        %swap3A_477 = vector.shape_cast %get3A_470 : vector<16xf32> to vector<1x1x16xf32>
        tpu.vector_store %arg10[%swap3A_472, %swap3A_473, %swap3A_474], %swap3A_477 {strides = array<i32>} : memref<7x8x128xf32, #tpu.memory_space<vmem>>, vector<1x1x16xf32>,
        %get3A_478 = arith.index_cast %add3A_466 : i32 to index
        %get3A_479 = arith.constant 16 : index
        %get3A_480 = tpu.vector_load %arg9[%get3A_478, %get3A_479] {strides = array<i32>} : memref<208x32xf32, #tpu.memory_space<vmem>>, vector<1x16xf32>,
        %get3A_481 = vector.shape_cast %get3A_480 : vector<1x16xf32> to vector<16xf32>
        %swap3A_482 = arith.constant 3 : i32
        %swap3A_483 = arith.index_cast %swap3A_482 : i32 to index
        %swap3A_484 = arith.index_cast %scan3A_126 : i32 to index
        %swap3A_485 = arith.constant 48 : index
        %swap3A_486 = tpu.vector_load %arg10[%swap3A_483, %swap3A_484, %swap3A_485] {strides = array<i32>} : memref<7x8x128xf32, #tpu.memory_space<vmem>>, vector<1x1x16xf32>,
        %swap3A_487 = vector.shape_cast %swap3A_486 : vector<1x1x16xf32> to vector<16xf32>
        %swap3A_488 = vector.shape_cast %get3A_481 : vector<16xf32> to vector<1x1x16xf32>
        tpu.vector_store %arg10[%swap3A_483, %swap3A_484, %swap3A_485], %swap3A_488 {strides = array<i32>} : memref<7x8x128xf32, #tpu.memory_space<vmem>>, vector<1x1x16xf32>,
        %mul3A_489 = arith.constant 26 : i32
        %mul3A_490 = arith.muli %scan3A_126, %mul3A_489 : i32
        %add3A_491 = arith.constant 14 : i32
        %add3A_492 = arith.addi %mul3A_490, %add3A_491 : i32
        %get3A_493 = arith.index_cast %add3A_492 : i32 to index
        %get3A_494 = arith.constant 0 : index
        %get3A_495 = tpu.vector_load %arg9[%get3A_493, %get3A_494] {strides = array<i32>} : memref<208x32xf32, #tpu.memory_space<vmem>>, vector<1x16xf32>,
        %get3A_496 = vector.shape_cast %get3A_495 : vector<1x16xf32> to vector<16xf32>
        %swap3A_497 = arith.constant 3 : i32
        %swap3A_498 = arith.index_cast %swap3A_497 : i32 to index
        %swap3A_499 = arith.index_cast %scan3A_126 : i32 to index
        %swap3A_500 = arith.constant 64 : index
        %swap3A_501 = tpu.vector_load %arg10[%swap3A_498, %swap3A_499, %swap3A_500] {strides = array<i32>} : memref<7x8x128xf32, #tpu.memory_space<vmem>>, vector<1x1x16xf32>,
        %swap3A_502 = vector.shape_cast %swap3A_501 : vector<1x1x16xf32> to vector<16xf32>
        %swap3A_503 = vector.shape_cast %get3A_496 : vector<16xf32> to vector<1x1x16xf32>
        tpu.vector_store %arg10[%swap3A_498, %swap3A_499, %swap3A_500], %swap3A_503 {strides = array<i32>} : memref<7x8x128xf32, #tpu.memory_space<vmem>>, vector<1x1x16xf32>,
        %get3A_504 = arith.index_cast %add3A_492 : i32 to index
        %get3A_505 = arith.constant 16 : index
        %get3A_506 = tpu.vector_load %arg9[%get3A_504, %get3A_505] {strides = array<i32>} : memref<208x32xf32, #tpu.memory_space<vmem>>, vector<1x16xf32>,
        %get3A_507 = vector.shape_cast %get3A_506 : vector<1x16xf32> to vector<16xf32>
        %swap3A_508 = arith.constant 3 : i32
        %swap3A_509 = arith.index_cast %swap3A_508 : i32 to index
        %swap3A_510 = arith.index_cast %scan3A_126 : i32 to index
        %swap3A_511 = arith.constant 80 : index
        %swap3A_512 = tpu.vector_load %arg10[%swap3A_509, %swap3A_510, %swap3A_511] {strides = array<i32>} : memref<7x8x128xf32, #tpu.memory_space<vmem>>, vector<1x1x16xf32>,
        %swap3A_513 = vector.shape_cast %swap3A_512 : vector<1x1x16xf32> to vector<16xf32>
        %swap3A_514 = vector.shape_cast %get3A_507 : vector<16xf32> to vector<1x1x16xf32>
        tpu.vector_store %arg10[%swap3A_509, %swap3A_510, %swap3A_511], %swap3A_514 {strides = array<i32>} : memref<7x8x128xf32, #tpu.memory_space<vmem>>, vector<1x1x16xf32>,
        %mul3A_515 = arith.constant 26 : i32
        %mul3A_516 = arith.muli %scan3A_126, %mul3A_515 : i32
        %add3A_517 = arith.constant 15 : i32
        %add3A_518 = arith.addi %mul3A_516, %add3A_517 : i32
        %get3A_519 = arith.index_cast %add3A_518 : i32 to index
        %get3A_520 = arith.constant 0 : index
        %get3A_521 = tpu.vector_load %arg9[%get3A_519, %get3A_520] {strides = array<i32>} : memref<208x32xf32, #tpu.memory_space<vmem>>, vector<1x16xf32>,
        %get3A_522 = vector.shape_cast %get3A_521 : vector<1x16xf32> to vector<16xf32>
        %swap3A_523 = arith.constant 3 : i32
        %swap3A_524 = arith.index_cast %swap3A_523 : i32 to index
        %swap3A_525 = arith.index_cast %scan3A_126 : i32 to index
        %swap3A_526 = arith.constant 96 : index
        %swap3A_527 = tpu.vector_load %arg10[%swap3A_524, %swap3A_525, %swap3A_526] {strides = array<i32>} : memref<7x8x128xf32, #tpu.memory_space<vmem>>, vector<1x1x16xf32>,
        %swap3A_528 = vector.shape_cast %swap3A_527 : vector<1x1x16xf32> to vector<16xf32>
        %swap3A_529 = vector.shape_cast %get3A_522 : vector<16xf32> to vector<1x1x16xf32>
        tpu.vector_store %arg10[%swap3A_524, %swap3A_525, %swap3A_526], %swap3A_529 {strides = array<i32>} : memref<7x8x128xf32, #tpu.memory_space<vmem>>, vector<1x1x16xf32>,
        %get3A_530 = arith.index_cast %add3A_518 : i32 to index
        %get3A_531 = arith.constant 16 : index
        %get3A_532 = tpu.vector_load %arg9[%get3A_530, %get3A_531] {strides = array<i32>} : memref<208x32xf32, #tpu.memory_space<vmem>>, vector<1x16xf32>,
        %get3A_533 = vector.shape_cast %get3A_532 : vector<1x16xf32> to vector<16xf32>
        %swap3A_534 = arith.constant 3 : i32
        %swap3A_535 = arith.index_cast %swap3A_534 : i32 to index
        %swap3A_536 = arith.index_cast %scan3A_126 : i32 to index
        %swap3A_537 = arith.constant 112 : index
        %swap3A_538 = tpu.vector_load %arg10[%swap3A_535, %swap3A_536, %swap3A_537] {strides = array<i32>} : memref<7x8x128xf32, #tpu.memory_space<vmem>>, vector<1x1x16xf32>,
        %swap3A_539 = vector.shape_cast %swap3A_538 : vector<1x1x16xf32> to vector<16xf32>
        %swap3A_540 = vector.shape_cast %get3A_533 : vector<16xf32> to vector<1x1x16xf32>
        tpu.vector_store %arg10[%swap3A_535, %swap3A_536, %swap3A_537], %swap3A_540 {strides = array<i32>} : memref<7x8x128xf32, #tpu.memory_space<vmem>>, vector<1x1x16xf32>,
        %mul3A_541 = arith.constant 26 : i32
        %mul3A_542 = arith.muli %scan3A_126, %mul3A_541 : i32
        %add3A_543 = arith.constant 16 : i32
        %add3A_544 = arith.addi %mul3A_542, %add3A_543 : i32
        %get3A_545 = arith.index_cast %add3A_544 : i32 to index
        %get3A_546 = arith.constant 0 : index
        %get3A_547 = tpu.vector_load %arg9[%get3A_545, %get3A_546] {strides = array<i32>} : memref<208x32xf32, #tpu.memory_space<vmem>>, vector<1x16xf32>,
        %get3A_548 = vector.shape_cast %get3A_547 : vector<1x16xf32> to vector<16xf32>
        %swap3A_549 = arith.constant 4 : i32
        %swap3A_550 = arith.index_cast %swap3A_549 : i32 to index
        %swap3A_551 = arith.index_cast %scan3A_126 : i32 to index
        %swap3A_552 = arith.constant 0 : index
        %swap3A_553 = tpu.vector_load %arg10[%swap3A_550, %swap3A_551, %swap3A_552] {strides = array<i32>} : memref<7x8x128xf32, #tpu.memory_space<vmem>>, vector<1x1x16xf32>,
        %swap3A_554 = vector.shape_cast %swap3A_553 : vector<1x1x16xf32> to vector<16xf32>
        %swap3A_555 = vector.shape_cast %get3A_548 : vector<16xf32> to vector<1x1x16xf32>
        tpu.vector_store %arg10[%swap3A_550, %swap3A_551, %swap3A_552], %swap3A_555 {strides = array<i32>} : memref<7x8x128xf32, #tpu.memory_space<vmem>>, vector<1x1x16xf32>,
        %get3A_556 = arith.index_cast %add3A_544 : i32 to index
        %get3A_557 = arith.constant 16 : index
        %get3A_558 = tpu.vector_load %arg9[%get3A_556, %get3A_557] {strides = array<i32>} : memref<208x32xf32, #tpu.memory_space<vmem>>, vector<1x16xf32>,
        %get3A_559 = vector.shape_cast %get3A_558 : vector<1x16xf32> to vector<16xf32>
        %swap3A_560 = arith.constant 4 : i32
        %swap3A_561 = arith.index_cast %swap3A_560 : i32 to index
        %swap3A_562 = arith.index_cast %scan3A_126 : i32 to index
        %swap3A_563 = arith.constant 16 : index
        %swap3A_564 = tpu.vector_load %arg10[%swap3A_561, %swap3A_562, %swap3A_563] {strides = array<i32>} : memref<7x8x128xf32, #tpu.memory_space<vmem>>, vector<1x1x16xf32>,
        %swap3A_565 = vector.shape_cast %swap3A_564 : vector<1x1x16xf32> to vector<16xf32>
        %swap3A_566 = vector.shape_cast %get3A_559 : vector<16xf32> to vector<1x1x16xf32>
        tpu.vector_store %arg10[%swap3A_561, %swap3A_562, %swap3A_563], %swap3A_566 {strides = array<i32>} : memref<7x8x128xf32, #tpu.memory_space<vmem>>, vector<1x1x16xf32>,
        %mul3A_567 = arith.constant 26 : i32
        %mul3A_568 = arith.muli %scan3A_126, %mul3A_567 : i32
        %add3A_569 = arith.constant 17 : i32
        %add3A_570 = arith.addi %mul3A_568, %add3A_569 : i32
        %get3A_571 = arith.index_cast %add3A_570 : i32 to index
        %get3A_572 = arith.constant 0 : index
        %get3A_573 = tpu.vector_load %arg9[%get3A_571, %get3A_572] {strides = array<i32>} : memref<208x32xf32, #tpu.memory_space<vmem>>, vector<1x16xf32>,
        %get3A_574 = vector.shape_cast %get3A_573 : vector<1x16xf32> to vector<16xf32>
        %swap3A_575 = arith.constant 4 : i32
        %swap3A_576 = arith.index_cast %swap3A_575 : i32 to index
        %swap3A_577 = arith.index_cast %scan3A_126 : i32 to index
        %swap3A_578 = arith.constant 32 : index
        %swap3A_579 = tpu.vector_load %arg10[%swap3A_576, %swap3A_577, %swap3A_578] {strides = array<i32>} : memref<7x8x128xf32, #tpu.memory_space<vmem>>, vector<1x1x16xf32>,
        %swap3A_580 = vector.shape_cast %swap3A_579 : vector<1x1x16xf32> to vector<16xf32>
        %swap3A_581 = vector.shape_cast %get3A_574 : vector<16xf32> to vector<1x1x16xf32>
        tpu.vector_store %arg10[%swap3A_576, %swap3A_577, %swap3A_578], %swap3A_581 {strides = array<i32>} : memref<7x8x128xf32, #tpu.memory_space<vmem>>, vector<1x1x16xf32>,
        %get3A_582 = arith.index_cast %add3A_570 : i32 to index
        %get3A_583 = arith.constant 16 : index
        %get3A_584 = tpu.vector_load %arg9[%get3A_582, %get3A_583] {strides = array<i32>} : memref<208x32xf32, #tpu.memory_space<vmem>>, vector<1x16xf32>,
        %get3A_585 = vector.shape_cast %get3A_584 : vector<1x16xf32> to vector<16xf32>
        %swap3A_586 = arith.constant 4 : i32
        %swap3A_587 = arith.index_cast %swap3A_586 : i32 to index
        %swap3A_588 = arith.index_cast %scan3A_126 : i32 to index
        %swap3A_589 = arith.constant 48 : index
        %swap3A_590 = tpu.vector_load %arg10[%swap3A_587, %swap3A_588, %swap3A_589] {strides = array<i32>} : memref<7x8x128xf32, #tpu.memory_space<vmem>>, vector<1x1x16xf32>,
        %swap3A_591 = vector.shape_cast %swap3A_590 : vector<1x1x16xf32> to vector<16xf32>
        %swap3A_592 = vector.shape_cast %get3A_585 : vector<16xf32> to vector<1x1x16xf32>
        tpu.vector_store %arg10[%swap3A_587, %swap3A_588, %swap3A_589], %swap3A_592 {strides = array<i32>} : memref<7x8x128xf32, #tpu.memory_space<vmem>>, vector<1x1x16xf32>,
        %mul3A_593 = arith.constant 26 : i32
        %mul3A_594 = arith.muli %scan3A_126, %mul3A_593 : i32
        %add3A_595 = arith.constant 18 : i32
        %add3A_596 = arith.addi %mul3A_594, %add3A_595 : i32
        %get3A_597 = arith.index_cast %add3A_596 : i32 to index
        %get3A_598 = arith.constant 0 : index
        %get3A_599 = tpu.vector_load %arg9[%get3A_597, %get3A_598] {strides = array<i32>} : memref<208x32xf32, #tpu.memory_space<vmem>>, vector<1x16xf32>,
        %get3A_600 = vector.shape_cast %get3A_599 : vector<1x16xf32> to vector<16xf32>
        %swap3A_601 = arith.constant 4 : i32
        %swap3A_602 = arith.index_cast %swap3A_601 : i32 to index
        %swap3A_603 = arith.index_cast %scan3A_126 : i32 to index
        %swap3A_604 = arith.constant 64 : index
        %swap3A_605 = tpu.vector_load %arg10[%swap3A_602, %swap3A_603, %swap3A_604] {strides = array<i32>} : memref<7x8x128xf32, #tpu.memory_space<vmem>>, vector<1x1x16xf32>,
        %swap3A_606 = vector.shape_cast %swap3A_605 : vector<1x1x16xf32> to vector<16xf32>
        %swap3A_607 = vector.shape_cast %get3A_600 : vector<16xf32> to vector<1x1x16xf32>
        tpu.vector_store %arg10[%swap3A_602, %swap3A_603, %swap3A_604], %swap3A_607 {strides = array<i32>} : memref<7x8x128xf32, #tpu.memory_space<vmem>>, vector<1x1x16xf32>,
        %get3A_608 = arith.index_cast %add3A_596 : i32 to index
        %get3A_609 = arith.constant 16 : index
        %get3A_610 = tpu.vector_load %arg9[%get3A_608, %get3A_609] {strides = array<i32>} : memref<208x32xf32, #tpu.memory_space<vmem>>, vector<1x16xf32>,
        %get3A_611 = vector.shape_cast %get3A_610 : vector<1x16xf32> to vector<16xf32>
        %swap3A_612 = arith.constant 4 : i32
        %swap3A_613 = arith.index_cast %swap3A_612 : i32 to index
        %swap3A_614 = arith.index_cast %scan3A_126 : i32 to index
        %swap3A_615 = arith.constant 80 : index
        %swap3A_616 = tpu.vector_load %arg10[%swap3A_613, %swap3A_614, %swap3A_615] {strides = array<i32>} : memref<7x8x128xf32, #tpu.memory_space<vmem>>, vector<1x1x16xf32>,
        %swap3A_617 = vector.shape_cast %swap3A_616 : vector<1x1x16xf32> to vector<16xf32>
        %swap3A_618 = vector.shape_cast %get3A_611 : vector<16xf32> to vector<1x1x16xf32>
        tpu.vector_store %arg10[%swap3A_613, %swap3A_614, %swap3A_615], %swap3A_618 {strides = array<i32>} : memref<7x8x128xf32, #tpu.memory_space<vmem>>, vector<1x1x16xf32>,
        %mul3A_619 = arith.constant 26 : i32
        %mul3A_620 = arith.muli %scan3A_126, %mul3A_619 : i32
        %add3A_621 = arith.constant 19 : i32
        %add3A_622 = arith.addi %mul3A_620, %add3A_621 : i32
        %get3A_623 = arith.index_cast %add3A_622 : i32 to index
        %get3A_624 = arith.constant 0 : index
        %get3A_625 = tpu.vector_load %arg9[%get3A_623, %get3A_624] {strides = array<i32>} : memref<208x32xf32, #tpu.memory_space<vmem>>, vector<1x16xf32>,
        %get3A_626 = vector.shape_cast %get3A_625 : vector<1x16xf32> to vector<16xf32>
        %swap3A_627 = arith.constant 4 : i32
        %swap3A_628 = arith.index_cast %swap3A_627 : i32 to index
        %swap3A_629 = arith.index_cast %scan3A_126 : i32 to index
        %swap3A_630 = arith.constant 96 : index
        %swap3A_631 = tpu.vector_load %arg10[%swap3A_628, %swap3A_629, %swap3A_630] {strides = array<i32>} : memref<7x8x128xf32, #tpu.memory_space<vmem>>, vector<1x1x16xf32>,
        %swap3A_632 = vector.shape_cast %swap3A_631 : vector<1x1x16xf32> to vector<16xf32>
        %swap3A_633 = vector.shape_cast %get3A_626 : vector<16xf32> to vector<1x1x16xf32>
        tpu.vector_store %arg10[%swap3A_628, %swap3A_629, %swap3A_630], %swap3A_633 {strides = array<i32>} : memref<7x8x128xf32, #tpu.memory_space<vmem>>, vector<1x1x16xf32>,
        %get3A_634 = arith.index_cast %add3A_622 : i32 to index
        %get3A_635 = arith.constant 16 : index
        %get3A_636 = tpu.vector_load %arg9[%get3A_634, %get3A_635] {strides = array<i32>} : memref<208x32xf32, #tpu.memory_space<vmem>>, vector<1x16xf32>,
        %get3A_637 = vector.shape_cast %get3A_636 : vector<1x16xf32> to vector<16xf32>
        %swap3A_638 = arith.constant 4 : i32
        %swap3A_639 = arith.index_cast %swap3A_638 : i32 to index
        %swap3A_640 = arith.index_cast %scan3A_126 : i32 to index
        %swap3A_641 = arith.constant 112 : index
        %swap3A_642 = tpu.vector_load %arg10[%swap3A_639, %swap3A_640, %swap3A_641] {strides = array<i32>} : memref<7x8x128xf32, #tpu.memory_space<vmem>>, vector<1x1x16xf32>,
        %swap3A_643 = vector.shape_cast %swap3A_642 : vector<1x1x16xf32> to vector<16xf32>
        %swap3A_644 = vector.shape_cast %get3A_637 : vector<16xf32> to vector<1x1x16xf32>
        tpu.vector_store %arg10[%swap3A_639, %swap3A_640, %swap3A_641], %swap3A_644 {strides = array<i32>} : memref<7x8x128xf32, #tpu.memory_space<vmem>>, vector<1x1x16xf32>,
        %mul3A_645 = arith.constant 26 : i32
        %mul3A_646 = arith.muli %scan3A_126, %mul3A_645 : i32
        %add3A_647 = arith.constant 20 : i32
        %add3A_648 = arith.addi %mul3A_646, %add3A_647 : i32
        %get3A_649 = arith.index_cast %add3A_648 : i32 to index
        %get3A_650 = arith.constant 0 : index
        %get3A_651 = tpu.vector_load %arg9[%get3A_649, %get3A_650] {strides = array<i32>} : memref<208x32xf32, #tpu.memory_space<vmem>>, vector<1x16xf32>,
        %get3A_652 = vector.shape_cast %get3A_651 : vector<1x16xf32> to vector<16xf32>
        %swap3A_653 = arith.constant 5 : i32
        %swap3A_654 = arith.index_cast %swap3A_653 : i32 to index
        %swap3A_655 = arith.index_cast %scan3A_126 : i32 to index
        %swap3A_656 = arith.constant 0 : index
        %swap3A_657 = tpu.vector_load %arg10[%swap3A_654, %swap3A_655, %swap3A_656] {strides = array<i32>} : memref<7x8x128xf32, #tpu.memory_space<vmem>>, vector<1x1x16xf32>,
        %swap3A_658 = vector.shape_cast %swap3A_657 : vector<1x1x16xf32> to vector<16xf32>
        %swap3A_659 = vector.shape_cast %get3A_652 : vector<16xf32> to vector<1x1x16xf32>
        tpu.vector_store %arg10[%swap3A_654, %swap3A_655, %swap3A_656], %swap3A_659 {strides = array<i32>} : memref<7x8x128xf32, #tpu.memory_space<vmem>>, vector<1x1x16xf32>,
        %get3A_660 = arith.index_cast %add3A_648 : i32 to index
        %get3A_661 = arith.constant 16 : index
        %get3A_662 = tpu.vector_load %arg9[%get3A_660, %get3A_661] {strides = array<i32>} : memref<208x32xf32, #tpu.memory_space<vmem>>, vector<1x16xf32>,
        %get3A_663 = vector.shape_cast %get3A_662 : vector<1x16xf32> to vector<16xf32>
        %swap3A_664 = arith.constant 5 : i32
        %swap3A_665 = arith.index_cast %swap3A_664 : i32 to index
        %swap3A_666 = arith.index_cast %scan3A_126 : i32 to index
        %swap3A_667 = arith.constant 16 : index
        %swap3A_668 = tpu.vector_load %arg10[%swap3A_665, %swap3A_666, %swap3A_667] {strides = array<i32>} : memref<7x8x128xf32, #tpu.memory_space<vmem>>, vector<1x1x16xf32>,
        %swap3A_669 = vector.shape_cast %swap3A_668 : vector<1x1x16xf32> to vector<16xf32>
        %swap3A_670 = vector.shape_cast %get3A_663 : vector<16xf32> to vector<1x1x16xf32>
        tpu.vector_store %arg10[%swap3A_665, %swap3A_666, %swap3A_667], %swap3A_670 {strides = array<i32>} : memref<7x8x128xf32, #tpu.memory_space<vmem>>, vector<1x1x16xf32>,
        %mul3A_671 = arith.constant 26 : i32
        %mul3A_672 = arith.muli %scan3A_126, %mul3A_671 : i32
        %add3A_673 = arith.constant 21 : i32
        %add3A_674 = arith.addi %mul3A_672, %add3A_673 : i32
        %get3A_675 = arith.index_cast %add3A_674 : i32 to index
        %get3A_676 = arith.constant 0 : index
        %get3A_677 = tpu.vector_load %arg9[%get3A_675, %get3A_676] {strides = array<i32>} : memref<208x32xf32, #tpu.memory_space<vmem>>, vector<1x16xf32>,
        %get3A_678 = vector.shape_cast %get3A_677 : vector<1x16xf32> to vector<16xf32>
        %swap3A_679 = arith.constant 5 : i32
        %swap3A_680 = arith.index_cast %swap3A_679 : i32 to index
        %swap3A_681 = arith.index_cast %scan3A_126 : i32 to index
        %swap3A_682 = arith.constant 32 : index
        %swap3A_683 = tpu.vector_load %arg10[%swap3A_680, %swap3A_681, %swap3A_682] {strides = array<i32>} : memref<7x8x128xf32, #tpu.memory_space<vmem>>, vector<1x1x16xf32>,
        %swap3A_684 = vector.shape_cast %swap3A_683 : vector<1x1x16xf32> to vector<16xf32>
        %swap3A_685 = vector.shape_cast %get3A_678 : vector<16xf32> to vector<1x1x16xf32>
        tpu.vector_store %arg10[%swap3A_680, %swap3A_681, %swap3A_682], %swap3A_685 {strides = array<i32>} : memref<7x8x128xf32, #tpu.memory_space<vmem>>, vector<1x1x16xf32>,
        %get3A_686 = arith.index_cast %add3A_674 : i32 to index
        %get3A_687 = arith.constant 16 : index
        %get3A_688 = tpu.vector_load %arg9[%get3A_686, %get3A_687] {strides = array<i32>} : memref<208x32xf32, #tpu.memory_space<vmem>>, vector<1x16xf32>,
        %get3A_689 = vector.shape_cast %get3A_688 : vector<1x16xf32> to vector<16xf32>
        %swap3A_690 = arith.constant 5 : i32
        %swap3A_691 = arith.index_cast %swap3A_690 : i32 to index
        %swap3A_692 = arith.index_cast %scan3A_126 : i32 to index
        %swap3A_693 = arith.constant 48 : index
        %swap3A_694 = tpu.vector_load %arg10[%swap3A_691, %swap3A_692, %swap3A_693] {strides = array<i32>} : memref<7x8x128xf32, #tpu.memory_space<vmem>>, vector<1x1x16xf32>,
        %swap3A_695 = vector.shape_cast %swap3A_694 : vector<1x1x16xf32> to vector<16xf32>
        %swap3A_696 = vector.shape_cast %get3A_689 : vector<16xf32> to vector<1x1x16xf32>
        tpu.vector_store %arg10[%swap3A_691, %swap3A_692, %swap3A_693], %swap3A_696 {strides = array<i32>} : memref<7x8x128xf32, #tpu.memory_space<vmem>>, vector<1x1x16xf32>,
        %mul3A_697 = arith.constant 26 : i32
        %mul3A_698 = arith.muli %scan3A_126, %mul3A_697 : i32
        %add3A_699 = arith.constant 22 : i32
        %add3A_700 = arith.addi %mul3A_698, %add3A_699 : i32
        %get3A_701 = arith.index_cast %add3A_700 : i32 to index
        %get3A_702 = arith.constant 0 : index
        %get3A_703 = tpu.vector_load %arg9[%get3A_701, %get3A_702] {strides = array<i32>} : memref<208x32xf32, #tpu.memory_space<vmem>>, vector<1x16xf32>,
        %get3A_704 = vector.shape_cast %get3A_703 : vector<1x16xf32> to vector<16xf32>
        %swap3A_705 = arith.constant 5 : i32
        %swap3A_706 = arith.index_cast %swap3A_705 : i32 to index
        %swap3A_707 = arith.index_cast %scan3A_126 : i32 to index
        %swap3A_708 = arith.constant 64 : index
        %swap3A_709 = tpu.vector_load %arg10[%swap3A_706, %swap3A_707, %swap3A_708] {strides = array<i32>} : memref<7x8x128xf32, #tpu.memory_space<vmem>>, vector<1x1x16xf32>,
        %swap3A_710 = vector.shape_cast %swap3A_709 : vector<1x1x16xf32> to vector<16xf32>
        %swap3A_711 = vector.shape_cast %get3A_704 : vector<16xf32> to vector<1x1x16xf32>
        tpu.vector_store %arg10[%swap3A_706, %swap3A_707, %swap3A_708], %swap3A_711 {strides = array<i32>} : memref<7x8x128xf32, #tpu.memory_space<vmem>>, vector<1x1x16xf32>,
        %get3A_712 = arith.index_cast %add3A_700 : i32 to index
        %get3A_713 = arith.constant 16 : index
        %get3A_714 = tpu.vector_load %arg9[%get3A_712, %get3A_713] {strides = array<i32>} : memref<208x32xf32, #tpu.memory_space<vmem>>, vector<1x16xf32>,
        %get3A_715 = vector.shape_cast %get3A_714 : vector<1x16xf32> to vector<16xf32>
        %swap3A_716 = arith.constant 5 : i32
        %swap3A_717 = arith.index_cast %swap3A_716 : i32 to index
        %swap3A_718 = arith.index_cast %scan3A_126 : i32 to index
        %swap3A_719 = arith.constant 80 : index
        %swap3A_720 = tpu.vector_load %arg10[%swap3A_717, %swap3A_718, %swap3A_719] {strides = array<i32>} : memref<7x8x128xf32, #tpu.memory_space<vmem>>, vector<1x1x16xf32>,
        %swap3A_721 = vector.shape_cast %swap3A_720 : vector<1x1x16xf32> to vector<16xf32>
        %swap3A_722 = vector.shape_cast %get3A_715 : vector<16xf32> to vector<1x1x16xf32>
        tpu.vector_store %arg10[%swap3A_717, %swap3A_718, %swap3A_719], %swap3A_722 {strides = array<i32>} : memref<7x8x128xf32, #tpu.memory_space<vmem>>, vector<1x1x16xf32>,
        %mul3A_723 = arith.constant 26 : i32
        %mul3A_724 = arith.muli %scan3A_126, %mul3A_723 : i32
        %add3A_725 = arith.constant 23 : i32
        %add3A_726 = arith.addi %mul3A_724, %add3A_725 : i32
        %get3A_727 = arith.index_cast %add3A_726 : i32 to index
        %get3A_728 = arith.constant 0 : index
        %get3A_729 = tpu.vector_load %arg9[%get3A_727, %get3A_728] {strides = array<i32>} : memref<208x32xf32, #tpu.memory_space<vmem>>, vector<1x16xf32>,
        %get3A_730 = vector.shape_cast %get3A_729 : vector<1x16xf32> to vector<16xf32>
        %swap3A_731 = arith.constant 5 : i32
        %swap3A_732 = arith.index_cast %swap3A_731 : i32 to index
        %swap3A_733 = arith.index_cast %scan3A_126 : i32 to index
        %swap3A_734 = arith.constant 96 : index
        %swap3A_735 = tpu.vector_load %arg10[%swap3A_732, %swap3A_733, %swap3A_734] {strides = array<i32>} : memref<7x8x128xf32, #tpu.memory_space<vmem>>, vector<1x1x16xf32>,
        %swap3A_736 = vector.shape_cast %swap3A_735 : vector<1x1x16xf32> to vector<16xf32>
        %swap3A_737 = vector.shape_cast %get3A_730 : vector<16xf32> to vector<1x1x16xf32>
        tpu.vector_store %arg10[%swap3A_732, %swap3A_733, %swap3A_734], %swap3A_737 {strides = array<i32>} : memref<7x8x128xf32, #tpu.memory_space<vmem>>, vector<1x1x16xf32>,
        %get3A_738 = arith.index_cast %add3A_726 : i32 to index
        %get3A_739 = arith.constant 16 : index
        %get3A_740 = tpu.vector_load %arg9[%get3A_738, %get3A_739] {strides = array<i32>} : memref<208x32xf32, #tpu.memory_space<vmem>>, vector<1x16xf32>,
        %get3A_741 = vector.shape_cast %get3A_740 : vector<1x16xf32> to vector<16xf32>
        %swap3A_742 = arith.constant 5 : i32
        %swap3A_743 = arith.index_cast %swap3A_742 : i32 to index
        %swap3A_744 = arith.index_cast %scan3A_126 : i32 to index
        %swap3A_745 = arith.constant 112 : index
        %swap3A_746 = tpu.vector_load %arg10[%swap3A_743, %swap3A_744, %swap3A_745] {strides = array<i32>} : memref<7x8x128xf32, #tpu.memory_space<vmem>>, vector<1x1x16xf32>,
        %swap3A_747 = vector.shape_cast %swap3A_746 : vector<1x1x16xf32> to vector<16xf32>
        %swap3A_748 = vector.shape_cast %get3A_741 : vector<16xf32> to vector<1x1x16xf32>
        tpu.vector_store %arg10[%swap3A_743, %swap3A_744, %swap3A_745], %swap3A_748 {strides = array<i32>} : memref<7x8x128xf32, #tpu.memory_space<vmem>>, vector<1x1x16xf32>,
        %mul3A_749 = arith.constant 26 : i32
        %mul3A_750 = arith.muli %scan3A_126, %mul3A_749 : i32
        %add3A_751 = arith.constant 24 : i32
        %add3A_752 = arith.addi %mul3A_750, %add3A_751 : i32
        %get3A_753 = arith.index_cast %add3A_752 : i32 to index
        %get3A_754 = arith.constant 0 : index
        %get3A_755 = tpu.vector_load %arg9[%get3A_753, %get3A_754] {strides = array<i32>} : memref<208x32xf32, #tpu.memory_space<vmem>>, vector<1x16xf32>,
        %get3A_756 = vector.shape_cast %get3A_755 : vector<1x16xf32> to vector<16xf32>
        %swap3A_757 = arith.constant 6 : i32
        %swap3A_758 = arith.index_cast %swap3A_757 : i32 to index
        %swap3A_759 = arith.index_cast %scan3A_126 : i32 to index
        %swap3A_760 = arith.constant 0 : index
        %swap3A_761 = tpu.vector_load %arg10[%swap3A_758, %swap3A_759, %swap3A_760] {strides = array<i32>} : memref<7x8x128xf32, #tpu.memory_space<vmem>>, vector<1x1x16xf32>,
        %swap3A_762 = vector.shape_cast %swap3A_761 : vector<1x1x16xf32> to vector<16xf32>
        %swap3A_763 = vector.shape_cast %get3A_756 : vector<16xf32> to vector<1x1x16xf32>
        tpu.vector_store %arg10[%swap3A_758, %swap3A_759, %swap3A_760], %swap3A_763 {strides = array<i32>} : memref<7x8x128xf32, #tpu.memory_space<vmem>>, vector<1x1x16xf32>,
        %get3A_764 = arith.index_cast %add3A_752 : i32 to index
        %get3A_765 = arith.constant 16 : index
        %get3A_766 = tpu.vector_load %arg9[%get3A_764, %get3A_765] {strides = array<i32>} : memref<208x32xf32, #tpu.memory_space<vmem>>, vector<1x16xf32>,
        %get3A_767 = vector.shape_cast %get3A_766 : vector<1x16xf32> to vector<16xf32>
        %swap3A_768 = arith.constant 6 : i32
        %swap3A_769 = arith.index_cast %swap3A_768 : i32 to index
        %swap3A_770 = arith.index_cast %scan3A_126 : i32 to index
        %swap3A_771 = arith.constant 16 : index
        %swap3A_772 = tpu.vector_load %arg10[%swap3A_769, %swap3A_770, %swap3A_771] {strides = array<i32>} : memref<7x8x128xf32, #tpu.memory_space<vmem>>, vector<1x1x16xf32>,
        %swap3A_773 = vector.shape_cast %swap3A_772 : vector<1x1x16xf32> to vector<16xf32>
        %swap3A_774 = vector.shape_cast %get3A_767 : vector<16xf32> to vector<1x1x16xf32>
        tpu.vector_store %arg10[%swap3A_769, %swap3A_770, %swap3A_771], %swap3A_774 {strides = array<i32>} : memref<7x8x128xf32, #tpu.memory_space<vmem>>, vector<1x1x16xf32>,
        %mul3A_775 = arith.constant 26 : i32
        %mul3A_776 = arith.muli %scan3A_126, %mul3A_775 : i32
        %add3A_777 = arith.constant 25 : i32
        %add3A_778 = arith.addi %mul3A_776, %add3A_777 : i32
        %get3A_779 = arith.index_cast %add3A_778 : i32 to index
        %get3A_780 = arith.constant 0 : index
        %get3A_781 = tpu.vector_load %arg9[%get3A_779, %get3A_780] {strides = array<i32>} : memref<208x32xf32, #tpu.memory_space<vmem>>, vector<1x16xf32>,
        %get3A_782 = vector.shape_cast %get3A_781 : vector<1x16xf32> to vector<16xf32>
        %swap3A_783 = arith.constant 6 : i32
        %swap3A_784 = arith.index_cast %swap3A_783 : i32 to index
        %swap3A_785 = arith.index_cast %scan3A_126 : i32 to index
        %swap3A_786 = arith.constant 32 : index
        %swap3A_787 = tpu.vector_load %arg10[%swap3A_784, %swap3A_785, %swap3A_786] {strides = array<i32>} : memref<7x8x128xf32, #tpu.memory_space<vmem>>, vector<1x1x16xf32>,
        %swap3A_788 = vector.shape_cast %swap3A_787 : vector<1x1x16xf32> to vector<16xf32>
        %swap3A_789 = vector.shape_cast %get3A_782 : vector<16xf32> to vector<1x1x16xf32>
        tpu.vector_store %arg10[%swap3A_784, %swap3A_785, %swap3A_786], %swap3A_789 {strides = array<i32>} : memref<7x8x128xf32, #tpu.memory_space<vmem>>, vector<1x1x16xf32>,
        %get3A_790 = arith.index_cast %add3A_778 : i32 to index
        %get3A_791 = arith.constant 16 : index
        %get3A_792 = tpu.vector_load %arg9[%get3A_790, %get3A_791] {strides = array<i32>} : memref<208x32xf32, #tpu.memory_space<vmem>>, vector<1x16xf32>,
        %get3A_793 = vector.shape_cast %get3A_792 : vector<1x16xf32> to vector<16xf32>
        %swap3A_794 = arith.constant 6 : i32
        %swap3A_795 = arith.index_cast %swap3A_794 : i32 to index
        %swap3A_796 = arith.index_cast %scan3A_126 : i32 to index
        %swap3A_797 = arith.constant 48 : index
        %swap3A_798 = tpu.vector_load %arg10[%swap3A_795, %swap3A_796, %swap3A_797] {strides = array<i32>} : memref<7x8x128xf32, #tpu.memory_space<vmem>>, vector<1x1x16xf32>,
        %swap3A_799 = vector.shape_cast %swap3A_798 : vector<1x1x16xf32> to vector<16xf32>
        %swap3A_800 = vector.shape_cast %get3A_793 : vector<16xf32> to vector<1x1x16xf32>
        tpu.vector_store %arg10[%swap3A_795, %swap3A_796, %swap3A_797], %swap3A_800 {strides = array<i32>} : memref<7x8x128xf32, #tpu.memory_space<vmem>>, vector<1x1x16xf32>,
        %mul3A_801 = arith.constant 8 : i32
        %mul3A_802 = arith.muli %add3A_94, %mul3A_801 : i32
        %add3A_803 = arith.addi %mul3A_802, %scan3A_126 : i32
        %jit3A_804 = arith.constant 2 : i32
        %eq3A = arith.constant 0 : i32
        %eq3A_805 = arith.cmpi eq, %jit3A_804, %eq3A : i32
        %jit3A_806 = arith.constant 1 : i32
        %select_n3A_807 = arith.select %eq3A_805, %jit3A_806, %jit3A_804 : i32
        %rem3A_808 = arith.remsi %add3A_803, %select_n3A_807 : i32
        %ne3A_809 = arith.constant 0 : i32
        %ne3A_810 = arith.cmpi ne, %rem3A_808, %ne3A_809 : i32
        %lt3A_811 = arith.constant 0 : i32
        %lt3A_812 = arith.cmpi slt, %rem3A_808, %lt3A_811 : i32
        %lt3A_813 = arith.constant 0 : i32
        %lt3A_814 = arith.cmpi slt, %select_n3A_807, %lt3A_813 : i32
        %ne3A_815 = arith.xori %lt3A_812, %lt3A_814 : i1
        %and3A_816 = arith.andi %ne3A_815, %ne3A_810 : i1
        %add3A_817 = arith.addi %rem3A_808, %select_n3A_807 : i32
        %select_n3A_818 = arith.select %and3A_816, %add3A_817, %rem3A_808 : i32
        %mul3A_819 = arith.constant 64 : i32
        %mul3A_820 = arith.muli %select_n3A_818, %mul3A_819 : i32
        %jit3A_821 = arith.constant 2 : i32
        %div3A_822 = arith.divsi %add3A_803, %jit3A_821 : i32
        %sign3A_823 = arith.constant 0 : i32
        %sign3A_824 = arith.cmpi sgt, %add3A_803, %sign3A_823 : i32
        %sign3A_825 = arith.extui %sign3A_824 : i1 to i32
        %sign3A_826 = arith.constant 0 : i32
        %sign3A_827 = arith.cmpi slt, %add3A_803, %sign3A_826 : i32
        %sign3A_828 = arith.extui %sign3A_827 : i1 to i32
        %sign3A_829 = arith.subi %sign3A_825, %sign3A_828 : i32
        %sign3A_830 = arith.constant 0 : i32
        %sign3A_831 = arith.cmpi sgt, %jit3A_821, %sign3A_830 : i32
        %sign3A_832 = arith.extui %sign3A_831 : i1 to i32
        %sign3A_833 = arith.constant 0 : i32
        %sign3A_834 = arith.cmpi slt, %jit3A_821, %sign3A_833 : i32
        %sign3A_835 = arith.extui %sign3A_834 : i1 to i32
        %sign3A_836 = arith.subi %sign3A_832, %sign3A_835 : i32
        %ne3A_837 = arith.cmpi ne, %sign3A_829, %sign3A_836 : i32
        %rem3A_838 = arith.remsi %add3A_803, %jit3A_821 : i32
        %ne3A_839 = arith.constant 0 : i32
        %ne3A_840 = arith.cmpi ne, %rem3A_838, %ne3A_839 : i32
        %and3A_841 = arith.andi %ne3A_837, %ne3A_840 : i1
        %sub3A_842 = arith.constant 1 : i32
        %sub3A_843 = arith.subi %div3A_822, %sub3A_842 : i32
        %select_n3A_844 = arith.select %and3A_841, %sub3A_843, %div3A_822 : i32
        %add3A_845 = arith.constant 0 : i32
        %add3A_846 = arith.addi %mul3A_820, %add3A_845 : i32
        %get3A_847 = arith.index_cast %select_n3A_844 : i32 to index
        %get3A_848 = arith.index_cast %add3A_846 : i32 to index
        %get3A_849 = tpu.vector_load %arg7[%get3A_847, %get3A_848] {strides = array<i32>} : memref<256x128xf32, #tpu.memory_space<vmem>>, vector<1x16xf32>,
        %get3A_850 = vector.shape_cast %get3A_849 : vector<1x16xf32> to vector<16xf32>
        %swap3A_851 = arith.constant 6 : i32
        %swap3A_852 = arith.index_cast %swap3A_851 : i32 to index
        %swap3A_853 = arith.index_cast %scan3A_126 : i32 to index
        %swap3A_854 = arith.constant 64 : index
        %swap3A_855 = tpu.vector_load %arg10[%swap3A_852, %swap3A_853, %swap3A_854] {strides = array<i32>} : memref<7x8x128xf32, #tpu.memory_space<vmem>>, vector<1x1x16xf32>,
        %swap3A_856 = vector.shape_cast %swap3A_855 : vector<1x1x16xf32> to vector<16xf32>
        %swap3A_857 = vector.shape_cast %get3A_850 : vector<16xf32> to vector<1x1x16xf32>
        tpu.vector_store %arg10[%swap3A_852, %swap3A_853, %swap3A_854], %swap3A_857 {strides = array<i32>} : memref<7x8x128xf32, #tpu.memory_space<vmem>>, vector<1x1x16xf32>,
        %jit3A_858 = arith.constant 2 : i32
        %div3A_859 = arith.divsi %add3A_803, %jit3A_858 : i32
        %sign3A_860 = arith.constant 0 : i32
        %sign3A_861 = arith.cmpi sgt, %add3A_803, %sign3A_860 : i32
        %sign3A_862 = arith.extui %sign3A_861 : i1 to i32
        %sign3A_863 = arith.constant 0 : i32
        %sign3A_864 = arith.cmpi slt, %add3A_803, %sign3A_863 : i32
        %sign3A_865 = arith.extui %sign3A_864 : i1 to i32
        %sign3A_866 = arith.subi %sign3A_862, %sign3A_865 : i32
        %sign3A_867 = arith.constant 0 : i32
        %sign3A_868 = arith.cmpi sgt, %jit3A_858, %sign3A_867 : i32
        %sign3A_869 = arith.extui %sign3A_868 : i1 to i32
        %sign3A_870 = arith.constant 0 : i32
        %sign3A_871 = arith.cmpi slt, %jit3A_858, %sign3A_870 : i32
        %sign3A_872 = arith.extui %sign3A_871 : i1 to i32
        %sign3A_873 = arith.subi %sign3A_869, %sign3A_872 : i32
        %ne3A_874 = arith.cmpi ne, %sign3A_866, %sign3A_873 : i32
        %rem3A_875 = arith.remsi %add3A_803, %jit3A_858 : i32
        %ne3A_876 = arith.constant 0 : i32
        %ne3A_877 = arith.cmpi ne, %rem3A_875, %ne3A_876 : i32
        %and3A_878 = arith.andi %ne3A_874, %ne3A_877 : i1
        %sub3A_879 = arith.constant 1 : i32
        %sub3A_880 = arith.subi %div3A_859, %sub3A_879 : i32
        %select_n3A_881 = arith.select %and3A_878, %sub3A_880, %div3A_859 : i32
        %add3A_882 = arith.constant 16 : i32
        %add3A_883 = arith.addi %mul3A_820, %add3A_882 : i32
        %get3A_884 = arith.index_cast %select_n3A_881 : i32 to index
        %get3A_885 = arith.index_cast %add3A_883 : i32 to index
        %get3A_886 = tpu.vector_load %arg7[%get3A_884, %get3A_885] {strides = array<i32>} : memref<256x128xf32, #tpu.memory_space<vmem>>, vector<1x16xf32>,
        %get3A_887 = vector.shape_cast %get3A_886 : vector<1x16xf32> to vector<16xf32>
        %swap3A_888 = arith.constant 6 : i32
        %swap3A_889 = arith.index_cast %swap3A_888 : i32 to index
        %swap3A_890 = arith.index_cast %scan3A_126 : i32 to index
        %swap3A_891 = arith.constant 80 : index
        %swap3A_892 = tpu.vector_load %arg10[%swap3A_889, %swap3A_890, %swap3A_891] {strides = array<i32>} : memref<7x8x128xf32, #tpu.memory_space<vmem>>, vector<1x1x16xf32>,
        %swap3A_893 = vector.shape_cast %swap3A_892 : vector<1x1x16xf32> to vector<16xf32>
        %swap3A_894 = vector.shape_cast %get3A_887 : vector<16xf32> to vector<1x1x16xf32>
        tpu.vector_store %arg10[%swap3A_889, %swap3A_890, %swap3A_891], %swap3A_894 {strides = array<i32>} : memref<7x8x128xf32, #tpu.memory_space<vmem>>, vector<1x1x16xf32>,
        %jit3A_895 = arith.constant 2 : i32
        %div3A_896 = arith.divsi %add3A_803, %jit3A_895 : i32
        %sign3A_897 = arith.constant 0 : i32
        %sign3A_898 = arith.cmpi sgt, %add3A_803, %sign3A_897 : i32
        %sign3A_899 = arith.extui %sign3A_898 : i1 to i32
        %sign3A_900 = arith.constant 0 : i32
        %sign3A_901 = arith.cmpi slt, %add3A_803, %sign3A_900 : i32
        %sign3A_902 = arith.extui %sign3A_901 : i1 to i32
        %sign3A_903 = arith.subi %sign3A_899, %sign3A_902 : i32
        %sign3A_904 = arith.constant 0 : i32
        %sign3A_905 = arith.cmpi sgt, %jit3A_895, %sign3A_904 : i32
        %sign3A_906 = arith.extui %sign3A_905 : i1 to i32
        %sign3A_907 = arith.constant 0 : i32
        %sign3A_908 = arith.cmpi slt, %jit3A_895, %sign3A_907 : i32
        %sign3A_909 = arith.extui %sign3A_908 : i1 to i32
        %sign3A_910 = arith.subi %sign3A_906, %sign3A_909 : i32
        %ne3A_911 = arith.cmpi ne, %sign3A_903, %sign3A_910 : i32
        %rem3A_912 = arith.remsi %add3A_803, %jit3A_895 : i32
        %ne3A_913 = arith.constant 0 : i32
        %ne3A_914 = arith.cmpi ne, %rem3A_912, %ne3A_913 : i32
        %and3A_915 = arith.andi %ne3A_911, %ne3A_914 : i1
        %sub3A_916 = arith.constant 1 : i32
        %sub3A_917 = arith.subi %div3A_896, %sub3A_916 : i32
        %select_n3A_918 = arith.select %and3A_915, %sub3A_917, %div3A_896 : i32
        %add3A_919 = arith.constant 32 : i32
        %add3A_920 = arith.addi %mul3A_820, %add3A_919 : i32
        %get3A_921 = arith.index_cast %select_n3A_918 : i32 to index
        %get3A_922 = arith.index_cast %add3A_920 : i32 to index
        %get3A_923 = tpu.vector_load %arg7[%get3A_921, %get3A_922] {strides = array<i32>} : memref<256x128xf32, #tpu.memory_space<vmem>>, vector<1x16xf32>,
        %get3A_924 = vector.shape_cast %get3A_923 : vector<1x16xf32> to vector<16xf32>
        %swap3A_925 = arith.constant 6 : i32
        %swap3A_926 = arith.index_cast %swap3A_925 : i32 to index
        %swap3A_927 = arith.index_cast %scan3A_126 : i32 to index
        %swap3A_928 = arith.constant 96 : index
        %swap3A_929 = tpu.vector_load %arg10[%swap3A_926, %swap3A_927, %swap3A_928] {strides = array<i32>} : memref<7x8x128xf32, #tpu.memory_space<vmem>>, vector<1x1x16xf32>,
        %swap3A_930 = vector.shape_cast %swap3A_929 : vector<1x1x16xf32> to vector<16xf32>
        %swap3A_931 = vector.shape_cast %get3A_924 : vector<16xf32> to vector<1x1x16xf32>
        tpu.vector_store %arg10[%swap3A_926, %swap3A_927, %swap3A_928], %swap3A_931 {strides = array<i32>} : memref<7x8x128xf32, #tpu.memory_space<vmem>>, vector<1x1x16xf32>,
        %jit3A_932 = arith.constant 2 : i32
        %div3A_933 = arith.divsi %add3A_803, %jit3A_932 : i32
        %sign3A_934 = arith.constant 0 : i32
        %sign3A_935 = arith.cmpi sgt, %add3A_803, %sign3A_934 : i32
        %sign3A_936 = arith.extui %sign3A_935 : i1 to i32
        %sign3A_937 = arith.constant 0 : i32
        %sign3A_938 = arith.cmpi slt, %add3A_803, %sign3A_937 : i32
        %sign3A_939 = arith.extui %sign3A_938 : i1 to i32
        %sign3A_940 = arith.subi %sign3A_936, %sign3A_939 : i32
        %sign3A_941 = arith.constant 0 : i32
        %sign3A_942 = arith.cmpi sgt, %jit3A_932, %sign3A_941 : i32
        %sign3A_943 = arith.extui %sign3A_942 : i1 to i32
        %sign3A_944 = arith.constant 0 : i32
        %sign3A_945 = arith.cmpi slt, %jit3A_932, %sign3A_944 : i32
        %sign3A_946 = arith.extui %sign3A_945 : i1 to i32
        %sign3A_947 = arith.subi %sign3A_943, %sign3A_946 : i32
        %ne3A_948 = arith.cmpi ne, %sign3A_940, %sign3A_947 : i32
        %rem3A_949 = arith.remsi %add3A_803, %jit3A_932 : i32
        %ne3A_950 = arith.constant 0 : i32
        %ne3A_951 = arith.cmpi ne, %rem3A_949, %ne3A_950 : i32
        %and3A_952 = arith.andi %ne3A_948, %ne3A_951 : i1
        %sub3A_953 = arith.constant 1 : i32
        %sub3A_954 = arith.subi %div3A_933, %sub3A_953 : i32
        %select_n3A_955 = arith.select %and3A_952, %sub3A_954, %div3A_933 : i32
        %add3A_956 = arith.constant 48 : i32
        %add3A_957 = arith.addi %mul3A_820, %add3A_956 : i32
        %get3A_958 = arith.index_cast %select_n3A_955 : i32 to index
        %get3A_959 = arith.index_cast %add3A_957 : i32 to index
        %get3A_960 = tpu.vector_load %arg7[%get3A_958, %get3A_959] {strides = array<i32>} : memref<256x128xf32, #tpu.memory_space<vmem>>, vector<1x16xf32>,
        %get3A_961 = vector.shape_cast %get3A_960 : vector<1x16xf32> to vector<16xf32>
        %swap3A_962 = arith.constant 6 : i32
        %swap3A_963 = arith.index_cast %swap3A_962 : i32 to index
        %swap3A_964 = arith.index_cast %scan3A_126 : i32 to index
        %swap3A_965 = arith.constant 112 : index
        %swap3A_966 = tpu.vector_load %arg10[%swap3A_963, %swap3A_964, %swap3A_965] {strides = array<i32>} : memref<7x8x128xf32, #tpu.memory_space<vmem>>, vector<1x1x16xf32>,
        %swap3A_967 = vector.shape_cast %swap3A_966 : vector<1x1x16xf32> to vector<16xf32>
        %swap3A_968 = vector.shape_cast %get3A_961 : vector<16xf32> to vector<1x1x16xf32>
        tpu.vector_store %arg10[%swap3A_963, %swap3A_964, %swap3A_965], %swap3A_968 {strides = array<i32>} : memref<7x8x128xf32, #tpu.memory_space<vmem>>, vector<1x1x16xf32>,
      }
      %scan3A_100 = arith.constant 8 : i32
      %jit3A_101 = arith.constant 8 : i32
      %div3A_102 = arith.divsi %mul3A_2, %jit3A_101 : i32
      %sign3A_103 = arith.constant 0 : i32
      %sign3A_104 = arith.cmpi sgt, %mul3A_2, %sign3A_103 : i32
      %sign3A_105 = arith.extui %sign3A_104 : i1 to i32
      %sign3A_106 = arith.constant 0 : i32
      %sign3A_107 = arith.cmpi slt, %mul3A_2, %sign3A_106 : i32
      %sign3A_108 = arith.extui %sign3A_107 : i1 to i32
      %sign3A_109 = arith.subi %sign3A_105, %sign3A_108 : i32
      %sign3A_110 = arith.constant 0 : i32
      %sign3A_111 = arith.cmpi sgt, %jit3A_101, %sign3A_110 : i32
      %sign3A_112 = arith.extui %sign3A_111 : i1 to i32
      %sign3A_113 = arith.constant 0 : i32
      %sign3A_114 = arith.cmpi slt, %jit3A_101, %sign3A_113 : i32
      %sign3A_115 = arith.extui %sign3A_114 : i1 to i32
      %sign3A_116 = arith.subi %sign3A_112, %sign3A_115 : i32
      %ne3A_117 = arith.cmpi ne, %sign3A_109, %sign3A_116 : i32
      %rem3A_118 = arith.remsi %mul3A_2, %jit3A_101 : i32
      %ne3A_119 = arith.constant 0 : i32
      %ne3A_120 = arith.cmpi ne, %rem3A_118, %ne3A_119 : i32
      %and3A_121 = arith.andi %ne3A_117, %ne3A_120 : i1
      %sub3A_122 = arith.constant 1 : i32
      %sub3A_123 = arith.subi %div3A_102, %sub3A_122 : i32
      %select_n3A_124 = arith.select %and3A_121, %sub3A_123, %div3A_102 : i32
      %add3A_125 = arith.addi %select_n3A_124, %add3A_94 : i32
      "tpu.region"() ({
        %run_scoped3A = tpu.sem_alloc : memref<!tpu.dma_semaphore, #tpu.memory_space<semaphore_mem>>
        %dma_start3A_126 = arith.constant 0 : i32
        %dma_start3A_127 = arith.constant 0 : i32
        %dma_start3A_128 = arith.constant 0 : i32
        %dma_start3A_129 = tpu.memref_slice %arg5[%add3A_125, %dma_start3A_126, %dma_start3A_127, %dma_start3A_128] : memref<2048x7x8x128xf32, #tpu.memory_space<hbm>> -> memref<1x7x8x128xf32, #tpu.memory_space<hbm>>
        %dma_start3A_130 = tpu.memref_squeeze %dma_start3A_129 : memref<1x7x8x128xf32, #tpu.memory_space<hbm>> -> memref<7x8x128xf32, #tpu.memory_space<hbm>>
        %dma_start3A_131 = arith.constant 0 : i32
        %dma_start3A_132 = arith.constant 0 : i32
        %dma_start3A_133 = arith.constant 0 : i32
        %dma_start3A_134 = tpu.memref_slice %arg5[%add3A_125, %dma_start3A_131, %dma_start3A_132, %dma_start3A_133] : memref<2048x7x8x128xf32, #tpu.memory_space<hbm>> -> memref<1x7x8x128xf32, #tpu.memory_space<hbm>>
        %dma_start3A_135 = tpu.memref_squeeze %dma_start3A_134 : memref<1x7x8x128xf32, #tpu.memory_space<hbm>> -> memref<7x8x128xf32, #tpu.memory_space<hbm>>
        tpu.enqueue_dma source(%arg10 : memref<7x8x128xf32, #tpu.memory_space<vmem>>) target(%dma_start3A_135 : memref<7x8x128xf32, #tpu.memory_space<hbm>>) target_semaphore(%run_scoped3A : memref<!tpu.dma_semaphore, #tpu.memory_space<semaphore_mem>>)
        %dma_wait3A_136 = arith.constant 0 : i32
        %dma_wait3A_137 = arith.constant 0 : i32
        %dma_wait3A_138 = arith.constant 0 : i32
        %dma_wait3A_139 = tpu.memref_slice %arg5[%add3A_125, %dma_wait3A_136, %dma_wait3A_137, %dma_wait3A_138] : memref<2048x7x8x128xf32, #tpu.memory_space<hbm>> -> memref<1x7x8x128xf32, #tpu.memory_space<hbm>>
        %dma_wait3A_140 = tpu.memref_squeeze %dma_wait3A_139 : memref<1x7x8x128xf32, #tpu.memory_space<hbm>> -> memref<7x8x128xf32, #tpu.memory_space<hbm>>
        %dma_wait3A_141 = arith.constant 0 : i32
        %dma_wait3A_142 = arith.constant 0 : i32
        %dma_wait3A_143 = arith.constant 0 : i32
        %dma_wait3A_144 = tpu.memref_slice %arg5[%add3A_125, %dma_wait3A_141, %dma_wait3A_142, %dma_wait3A_143] : memref<2048x7x8x128xf32, #tpu.memory_space<hbm>> -> memref<1x7x8x128xf32, #tpu.memory_space<hbm>>
        %dma_wait3A_145 = tpu.memref_squeeze %dma_wait3A_144 : memref<1x7x8x128xf32, #tpu.memory_space<hbm>> -> memref<7x8x128xf32, #tpu.memory_space<hbm>>
        tpu.wait_dma2 semaphore(%run_scoped3A : memref<!tpu.dma_semaphore, #tpu.memory_space<semaphore_mem>>) src(%arg10 : memref<7x8x128xf32, #tpu.memory_space<vmem>>) dst(%dma_wait3A_145 : memref<7x8x128xf32, #tpu.memory_space<hbm>>)
        tpu.yield
      }) : () -> ()
    }
    %scan3A_29 = arith.constant 32 : i32
    return
  }
}

</mosaic_0001>

<sc_bundles>
// kernel: kernel.4.cloned.1.call-start
scs
__scs_entry_jumppad:
0x0: {  	(pc) =	sbr.rel $0x88, $3  }
0x1: {  	(tag) =	ssettag $0x0;
	lr =	simm.s32 $0x1  }
0x2: {  	[smem:$0x3F9D] =	sst lr;
	_ =	strace $0xD0000000  }
0x3: {  	_ = 	snop  }
0x4: {  	_ = 	snop  }
0x5: {  	_ = 	snop  }
0x6: {  	_ = 	snop  }
0x7: {  	_ = 	snop  }
__scs_overlays_trampoline_lowered:
0x8: {  	[smem:$0x3FAC] =	sst s0  }
0x9: {  	[smem:$0x3FAD] =	sst s1  }
0xa: {  	[smem:$0x3FAE] =	sst s2  }
0xb: {  	[smem:$0x3FAF] =	sst s3  }
0xc: {  	[smem:$0x3FB0] =	sst s4  }
0xd: {  	[smem:$0x3FB1] =	sst s5  }
0xe: {  	[smem:$0x3FB2] =	sst s6  }
0xf: {  	[smem:$0x3FB3] =	sst s7  }
0x10: {  	[smem:$0x3FB4] =	sst s8  }
0x11: {  	[smem:$0x3FB5] =	sst s9;
	s0 =	simm.s32 @!p0 $0x0  }
0x12: {  	s1 =	sld [smem:$0x3F9B];
	s0 =	simm.s32 @p0 $0x1  }
0x13: {  	[smem:$0x3FB6] =	sst s0;
	s0 =	simm.s32 @!p1 $0x0  }
0x14: {  	s2 =	sld [smem:$0x3F9A];
	s0 =	simm.s32 @p1 $0x1  }
0x15: {  	[smem:$0x3FB7] =	sst s0;
	s0 =	simm.s32 @!p2 $0x0  }
0x16: {  	s3 =	sld [smem:$0x3FDB];
	s0 =	simm.s32 @p2 $0x1  }
0x17: {  	s4 =	simm.s32 $0x1BF5;
	[smem:$0x3FB9] =	sst s0  }
0x18: {  	s0 =	sld [smem:$0x3F9C];
	_ =	swait.ge [sflag:s4], $0x0  }
0x19: {  	s7 =	sld [smem:$0x3F9D]  }
0x1a: {  	s8 =	sadd.s32 $0xFFFFE003, lr  }
0x1b: {  	s9 =	sadd.s32 $0xFFFFFEF7, lr;
	s5 =	simm.s32 $0xFFFFFFFF;
	p2 =	slt.u32 s8, $0xFFFFF086  }
0x1c: {  	p1 =	slt.u32 s9, $0xF7A;
	s5 =	simm.s32 @!p2 $0x0  }
0x1d: {  	s5 =	simm.s32 @p1 $0x1;
	p0 =	seq.s32 s7, s2  }
0x1e: {  	s7 =	smul.u32 @!p0 $0xF7A, s2;
	p2 =	seq.s32 @!p0 s5, $0x0  }
0x1f: {  	s9 =	smul.u32 $0xF7A, s1;
	s8 =	simm.s32 @!p0 $0x1BF5;
	p2 =	por !p2, p0  }
0x20: {  	[sflag:s8] =	ssyncset.s32 @!p0 $0xFFFFF086;
	s6 =	sadd.s32 @!p0 s3, s7;
	s7 =	simm.s32 @!p0 $0x108  }
0x21: {  	s3 =	sadd.s32 s3, s9;
	s6 =	sadd.s32 @!p0 $0x88, s6;
	s7 =	simm.s32 @p2 $0x1082  }
0x22: {  	[simem:s7], [sflag:s8] =	dma.local @!p0 [hbm:s6], $0xF7A  }
0x23: {  	s9 =	sor.u32 $0xD0000000, s2;
	s6 =	simm.s32 $0x108;
	_ =	swait.ge @!p0 [sflag:s8], $0x0  }
0x24: {  	s3 =	sadd.s32 $0x88, s3;
	s6 =	simm.s32 @!p1 $0x1082;
	[sflag:s4] =	ssyncset.s32 $0xFFFFF086  }
0x25: {  	[simem:s6], [sflag:s4] =	dma.local [hbm:s3], $0xF7A  }
0x26: {  	[smem:$0x3F9D] =	sst s1;
	(tag) =	ssettag s2;
	_ =	strace s9  }
0x27: {  	s1 =	sld [smem:$0x3FAD]  }
0x28: {  	s2 =	sld [smem:$0x3FAE]  }
0x29: {  	s4 =	sld [smem:$0x3FB0]  }
0x2a: {  	p0 =	seq.s32 s5, $0x0;
	s5 =	sld [smem:$0x3FB1]  }
0x2b: {  	s6 =	sld [smem:$0x3FB2]  }
0x2c: {  	s7 =	sld [smem:$0x3FB3]  }
0x2d: {  	s3 =	simm.s32 $0x108;
	s8 =	sld [smem:$0x3FB4]  }
0x2e: {  	s3 =	simm.s32 @!p0 $0x1082;
	s9 =	sld [smem:$0x3FB5]  }
0x2f: {  	lr =	sadd.s32 s0, s3;
	s0 =	sld [smem:$0x3FAC]  }
0x30: {  	s3 =	sld [smem:$0x3FAF]  }
0x31: {  	[smem:$0x3FB8] =	sst s10  }
0x32: {  	s10 =	sld [smem:$0x3FB6];
	_ =	sdelay $0x3  }
0x33: {  	p0 =	seq.s32 s10, $0x1;
	s10 =	sld [smem:$0x3FB8];
	_ =	sdelay $0x3  }
0x34: {  	[smem:$0x3FB8] =	sst s10  }
0x35: {  	s10 =	sld [smem:$0x3FB7];
	_ =	sdelay $0x3  }
0x36: {  	p1 =	seq.s32 s10, $0x1;
	s10 =	sld [smem:$0x3FB8];
	_ =	sdelay $0x3  }
0x37: {  	[smem:$0x3FB8] =	sst s10  }
0x38: {  	s10 =	sld [smem:$0x3FB9]  }
0x39: {  	_ = 	snop;
	(pc) =	sbr.ind lr, $3  }
0x3a: {  	_ = 	snop  }
0x3b: {  	_ = 	snop  }
0x3c: {  	p2 =	seq.s32 s10, $0x1;
	s10 =	sld [smem:$0x3FB8]  }
0x3d: {  	_ =	shalt  }
0x3e: {  	_ =	shalt  }
0x3f: {  	_ =	shalt  }
0x40: {  	_ =	shalt  }
0x41: {  	_ =	shalt  }
0x42: {  	_ =	shalt  }
0x43: {  	_ =	shalt  }
0x44: {  	_ =	shalt  }
0x45: {  	_ =	shalt  }
0x46: {  	_ =	shalt  }
0x47: {  	_ =	shalt  }
0x48: {  	_ =	shalt  }
0x49: {  	_ =	shalt  }
0x4a: {  	_ =	shalt  }
0x4b: {  	_ =	shalt  }
0x4c: {  	_ =	shalt  }
0x4d: {  	_ =	shalt  }
0x4e: {  	_ =	shalt  }
0x4f: {  	_ =	shalt  }
0x50: {  	_ =	shalt  }
0x51: {  	_ =	shalt  }
0x52: {  	_ =	shalt  }
0x53: {  	_ =	shalt  }
0x54: {  	_ =	shalt  }
0x55: {  	_ =	shalt  }
0x56: {  	_ =	shalt  }
0x57: {  	_ =	shalt  }
0x58: {  	_ =	shalt  }
0x59: {  	_ =	shalt  }
0x5a: {  	_ =	shalt  }
0x5b: {  	_ =	shalt  }
0x5c: {  	_ =	shalt  }
0x5d: {  	_ =	shalt  }
0x5e: {  	_ =	shalt  }
0x5f: {  	_ =	shalt  }
0x60: {  	_ =	shalt  }
0x61: {  	_ =	shalt  }
0x62: {  	_ =	shalt  }
0x63: {  	_ =	shalt  }
0x64: {  	_ =	shalt  }
0x65: {  	_ =	shalt  }
0x66: {  	_ =	shalt  }
0x67: {  	_ =	shalt  }
0x68: {  	_ =	shalt  }
0x69: {  	_ =	shalt  }
0x6a: {  	_ =	shalt  }
0x6b: {  	_ =	shalt  }
0x6c: {  	_ =	shalt  }
0x6d: {  	_ =	shalt  }
0x6e: {  	_ =	shalt  }
0x6f: {  	_ =	shalt  }
0x70: {  	_ =	shalt  }
0x71: {  	_ =	shalt  }
0x72: {  	_ =	shalt  }
0x73: {  	_ =	shalt  }
0x74: {  	_ =	shalt  }
0x75: {  	_ =	shalt  }
0x76: {  	_ =	shalt  }
0x77: {  	_ =	shalt  }
0x78: {  	_ =	shalt  }
0x79: {  	_ =	shalt  }
0x7a: {  	_ =	shalt  }
0x7b: {  	_ =	shalt  }
0x7c: {  	_ =	shalt  }
0x7d: {  	_ =	shalt  }
0x7e: {  	_ =	shalt  }
0x7f: {  	_ =	shalt  }
0x80: {  	_ =	shalt  }
0x81: {  	_ =	shalt  }
0x82: {  	_ =	shalt  }
0x83: {  	_ =	shalt  }
0x84: {  	_ =	shalt  }
0x85: {  	_ =	shalt  }
0x86: {  	_ =	shalt  }
0x87: {  	_ =	shalt  }
.Lfunc_end0:
.L_simem_size_0:
called_computation_lowered:
.L_overlay_start_0:
0x88: {  	s2 =	sld [smem:$0x3FD9]  }
0x89: {  	s3 =	sld [smem:$0x3FFE];
	_ =	sdelay $0x1  }
0x8a: {  	s1 =	srdreg.scid  }
0x8b: {  	s0 =	sand.u32 $0x1, s1  }
0x8c: {  	s17 =	sshll.u32 s0, $0xA;
	s2 =	sadd.s32 s3, s2  }
0x8d: {  	s2 =	sadd.s32 s2, s17  }
0x8e: {  	[smem:$0x3FC4] =	sst s2  }
0x8f: {  	_ = 	snop  }
0x90: {  	s2 =	sld [smem:$0x3FD0];
	(tm) =	ssettm $0x1  }
0x91: {  	s18 =	sld [smem:$0x3FFB];
	_ =	sdelay $0x3  }
0x92: {  	_ =	strace s18  }
0x93: {  	s3 =	sld [smem:$0x3FFC];
	_ =	sdelay $0x3  }
0x94: {  	_ =	strace s3  }
0x95: {  	s3 =	sld [smem:$0x3FFD];
	_ =	sdelay $0x3  }
0x96: {  	_ =	strace s3  }
0x97: {  	_ =	strace $0x8FFFFFFF  }
0x98: {  	s19 =	sld [smem:$0x3FDB];
	_ =	sdelay $0x1  }
0x99: {  	s4 =	simm.s32 $_scs_section_size  }
0x9a: {  	s5 =	simm.s32 $_size__tile_overlayer_lowered;
	s6 =	simm.s32 $_tile_overlayer_lowered  }
0x9b: {  	s22 =	simm.s32 $0x1BFF;
	s21 =	sshll.u32 s6, $0x1;
	s3 =	sadd.s32 s4, s19  }
0x9c: {  	s7 =	simm.s32 $0x0;
	s20 =	sshll.u32 s5, $0x1;
	s5 =	sadd.s32 s21, s3  }
0x9d: {  	[timem:s7], [sflag:s22] =	dma.local [hbm:s5], s20  }
0x9e: {  	_ =	swait.ge [sflag:s22], s20  }
0x9f: {  	s4 =	ssub.s32 $0x0, s20;
	[sflag:s22] =	ssyncset.done $0x0  }
0xa0: {  	[sflag:s22] =	ssyncadd.s32 s4;
	_ =	sdelay $0x1  }
0xa1: {  	s23 =	simm.s32 $0x1B8B  }
0xa2: {  	_ =	swait.ge [sflag:s23], $0x1  }
0xa3: {  	[sflag:s23] =	ssyncset.done $0x0  }
0xa4: {  	s25 =	simm.s32 $0x1B8E;
	s24 =	sld [smem:$0x3FFE];
	[sflag:s23] =	ssyncadd.s32 $0xFFFFFFFF  }
0xa5: {  	s26 =	simm.s32 $execute0_lowered;
	[smem:$0x3FD2] =	sst s25  }
0xa6: {  	s5 =	sshll.u32 s26, $0x1;
	_ =	strace $0x80000046;
	[dreg:$0x1] =	wrdreg $0xFFFFFFFF  }
0xa7: {  	s28 =	simm.s32 $_size_execute0_lowered;
	s3 =	sadd.s32 s3, s5;
	[dreg:$0x0] =	wrdreg $0x0  }
0xa8: {  	s5 =	sshll.u32 s28, $0x1;
	[dreg:$0x2] =	wrdreg s3  }
0xa9: {  	[dreg:$0x3] =	wrdreg s5  }
0xaa: {  	[dreg:$0x4] =	wrdreg $0xC0  }
0xab: {  	_ =	task [dreg:s7], $0x5FFFF  }
0xac: {  	[dreg:$0x1] =	wrdreg $0xFFFFFFFF  }
0xad: {  	[dreg:$0x0] =	wrdreg $0x60  }
0xae: {  	[dreg:$0x2] =	wrdreg s2  }
0xaf: {  	[dreg:$0x3] =	wrdreg s24  }
0xb0: {  	[dreg:$0x4] =	wrdreg $0x9  }
0xb1: {  	_ =	task.clear_ibuf [dreg:s7], $0x5FFFF;
	_ =	strace $0x90000046  }
0xb2: {  	s29 =	simm.s32 $0x9;
	_ =	strace $0x80000048  }
0xb3: {  	_ =	swait.ge [sflag:s29], $0x1  }
0xb4: {  	[sflag:s29] =	ssyncadd.s32 $0xFFFFFFFF  }
0xb5: {  	_ =	strace $0x90000048  }
0xb6: {  	_ =	sfence  }
0xb7: {  	s30 =	sld [smem:$0x0];
	_ =	sdelay $0x2  }
0xb8: {  	s31 =	sshll.u32 s1, $0xD;
	s1 =	sshrl.u32 s1, $0x2  }
0xb9: {  	s3 =	sand.u32 $0x4000, s31;
	s1 =	sadd.s32 s1, s30  }
0xba: {  	s0 =	sor.u32 s3, s0;
	s1 =	sshll.u32 s1, $0x11  }
0xbb: {  	s0 =	sor.u32 s1, s0  }
0xbc: {  	s0 =	sadd.s32 $0x8F2B, s0  }
0xbd: {  	[sflag:s0] =	ssyncadd.remote.s32 $0x1  }
0xbe: {  	_ =	sfence.sel $0xFFFF  }
0xbf: {  	[dreg:$0x0] =	wrdreg $0xFFFFFFFF;
	(pc) =	sbr.abs _section_cstart, $3  }
0xc0: {  	[dreg:$0x1] =	wrdreg $0xFFFFFFFF  }
0xc1: {  	_ =	task.clear_ibuf [dreg:s7], $0x2FFFF;
	_ =	strace $0x9FFFFFFF  }
0xc2: {  	(tm) =	ssettm $0x7FFFFFFF  }
0xc3: {  	_ =	shalt  }
tec
execute0_lowered:
.L_overlay_start_1:
0x0: {  	(tag) =	ssettag $0x1  }
0x1: {  	s4 =	rddreg [dreg:$0x0]  }
0x2: {  	s5 =	rddreg [dreg:$0x1]  }
0x3: {  	s0 =	rddreg [dreg:$0x2];
	s2 =	simm.s32 $0x0;
	s3 =	srdreg.scid  }
0x4: {  	s1 =	stileid.u32;
	s9 =	simm.s32 $0x6400;
	s10 =	simm.s32 $0xC800  }
0x5: {  	s11 =	simm.s32 $0x1;
	s12 =	simm.s32 $0x2;
	s13 =	simm.s32 $0x12C00  }
0x6: {  	[smem:$0x7FF] =	sst s2;
	s3 =	sand.u32 $0x1, s3;
	s6 =	sshll.u32 s1, $0x1  }
0x7: {  	s14 =	simm.s32 $0x0;
	_ =	strace $0x80000047;
	s6 =	sor.u32 s3, s6  }
0x8: {  	s8 =	ssub.s32 $0x2, s3;
	s7 =	sshll.u32 s6, $0xC;
	s6 =	smul.u32 $0xC80, s6  }
0x9: {  	s3 =	sadd.s32 $0xC00, s5;
	s31 =	sshrl.u32 s8, $0x1;
	s5 =	sadd.s32 s7, s5  }
0xa: {  	s7 =	ssub.s32 s8, s31;
	s8 =	simm.s32 $0x190;
	s4 =	sadd.s32 s4, s6  }
0xb: {  	s5 =	sadd.s32 $0xC4200, s5;
	s6 =	smax.u32 s7, $0x1;
	s7 =	simm.s32 $0x3  }
.LBB2_1:
0xc: {  	[tilespmem:s2], [sflag:$0x3] =	stream.linear.gather [hbm4b:s4+s2], $0x6400, $0x38;
	[tilespmem:$0x1AC00] =	vst v63  }
0xd: {  	_ =	swait.ge [sflag:s7], $0x6400  }
0xe: {  	[sflag:s7] =	ssyncset.done $0x0  }
0xf: {  	s15 =	simm.s32 $0x0;
	[sflag:s7] =	ssyncadd.s32 $0xFFFF9C00  }
0x10: {  	[tilespmem:s9], [sflag:$0x1] =	stream.indirect.gather [hbm4b:s3+s8], $0x40, s2, s8, $0xb8;
	[tilespmem:$0x1AC00] =	vst v63  }
.LBB2_2:
0x11: {  	s16 =	sshllo.u32 s15, $0x1  }
0x12: {  	s17 =	smul.u32 $0x640, s16;
	_ =	sdelay $0x1  }
0x13: {  	s17 =	sshra.s32 s17, $0x2  }
0x14: {  	[tilespmem:s10], [sflag:$0x2] =	stream.indirect.gather [hbm4b:s3+s8], $0x40, s17, s8, $0xb8;
	[tilespmem:$0x1AC00] =	vst v63  }
0x15: {  	_ =	swait.ge [sflag:s11], $0x6400  }
0x16: {  	s18 =	simm.s32 $0x0;
	[sflag:s11] =	ssyncset.done $0x0  }
0x17: {  	s19 =	simm.s32 $0x6440;
	s17 =	sshll.u32 s15, $0x4;
	[sflag:s11] =	ssyncadd.s32 $0xFFFF9C00  }
.LBB2_3:
0x18: {  	v0 =	vmov s19;
	_ =	sdelay $0x3  }
0x19: {  	s21 =	simm.s32 $0x0  }
0x1a: {  	v8 =	vld.idx.msk [tilespmem:v0+s21+$0x0 ss:$0x1], $0xffff  }
0x1b: {  	v12 =	vld.idx.msk [tilespmem:v0+s21+$0x10 ss:$0x1], $0xffff  }
0x1c: {  	v6 =	vld.idx.msk [tilespmem:v0+s21+$0xFFFFFFC0 ss:$0x1], $0xffff  }
0x1d: {  	v7 =	vld.idx.msk [tilespmem:v0+s21+$0xFFFFFFD0 ss:$0x1], $0xffff  }
0x1e: {  	v9 =	vld.idx.msk [tilespmem:v0+s21+$0xFFFFFFE0 ss:$0x1], $0xffff  }
0x1f: {  	v10 =	vld.idx.msk [tilespmem:v0+s21+$0xFFFFFFF0 ss:$0x1], $0xffff  }
0x20: {  	v4 =	vld.idx.msk [tilespmem:v0+s21+$0x20 ss:$0x1], $0xffff  }
0x21: {  	s20 =	simm.s32 $0x80;
	v3 =	vld.idx.msk [tilespmem:v0+s21+$0x30 ss:$0x1], $0xffff  }
0x22: {  	v2 =	vld.idx.msk [tilespmem:v0+s20+$0x0 ss:$0x1], $0xffff  }
0x23: {  	v13 =	vimm.f32 $0.0e+00;
	v1 =	vld.idx.msk [tilespmem:v0+s20+$0x10 ss:$0x1], $0xffff  }
0x24: {  	v5 =	vld.idx.msk [tilespmem:v0+s20+$0xFFFFFFC0 ss:$0x1], $0xffff;
	v14 =	vadd.f32 v6, v13;
	v15 =	vadd.f32 v7, v13  }
0x25: {  	v6 =	vld.idx.msk [tilespmem:v0+s20+$0xFFFFFFD0 ss:$0x1], $0xffff;
	v11 =	vadd.f32 v9, v13;
	v10 =	vadd.f32 v10, v13  }
0x26: {  	s21 =	simm.s32 $0x400;
	v7 =	vld.idx.msk [tilespmem:v0+s20+$0xFFFFFFE0 ss:$0x1], $0xffff;
	v9 =	vadd.f32 v8, v14;
	v8 =	vadd.f32 v12, v15  }
.LBB2_4:
0x27: {  	p0 =	sne.s32 s21, $0x3000;
	v12 =	vld.idx.msk [tilespmem:v0+s20+$0xFFFFFFF0 ss:$0x1], $0xffff;
	v11 =	vadd.f32 v4, v11;
	v10 =	vadd.f32 v3, v10  }
0x28: {  	v13 =	vmov v2;
	v4 =	vld.idx.msk [tilespmem:v0+s20+$0x20 ss:$0x1], $0xffff  }
0x29: {  	v14 =	vmov v1;
	v3 =	vld.idx.msk [tilespmem:v0+s20+$0x30 ss:$0x1], $0xffff;
	s20 =	sshra.s32 s21, $0x2  }
.Ltmp0:
0x2a: {  	v2 =	vld.idx.msk [tilespmem:v0+s20+$0x0 ss:$0x1], $0xffff;
	(pc) =	sbr.rel @p0 .LBB2_4-.Ltmp0, $4  }
0x2b: {  	v1 =	vld.idx.msk [tilespmem:v0+s20+$0x10 ss:$0x1], $0xffff  }
0x2c: {  	v9 =	vadd.f32 v5, v9;
	v8 =	vadd.f32 v6, v8;
	v5 =	vld.idx.msk [tilespmem:v0+s20+$0xFFFFFFC0 ss:$0x1], $0xffff  }
0x2d: {  	v11 =	vadd.f32 v7, v11;
	v10 =	vadd.f32 v12, v10;
	v6 =	vld.idx.msk [tilespmem:v0+s20+$0xFFFFFFD0 ss:$0x1], $0xffff  }
0x2e: {  	s21 =	sadd.s32 $0x200, s21;
	v9 =	vadd.f32 v13, v9;
	v8 =	vadd.f32 v14, v8;
	v7 =	vld.idx.msk [tilespmem:v0+s20+$0xFFFFFFE0 ss:$0x1], $0xffff  }
0x2f: {  	_ =	sdelay $0x2  }
0x30: {  	s21 =	sadd.s32 s17, s18;
	s22 =	sand.u32 $0x1, s18  }
0x31: {  	v12 =	vld.idx.msk [tilespmem:v0+s20+$0xFFFFFFF0 ss:$0x1], $0xffff;
	p0 =	seq.s32 s22, $0x1;
	p1 =	seq.s32 s21, $0x0  }
0x32: {  	v13 =	vld.idx.msk [tilespmem:v0+s20+$0x20 ss:$0x1], $0xffff;
	p0 =	por !p1, !p0  }
0x33: {  	v4 =	vadd.f32 v4, v11;
	v62 =	vld.idx.msk [tilespmem:v0+s20+$0x30 ss:$0x1], $0xffff;
	s20 =	simm.s32 $0x1;
	v5 =	vadd.f32 v5, v9;
	p0 =	por !p0, !p0  }
0x34: {  	v3 =	vadd.f32 v3, v10;
	s21 =	sshrl.u32 s21, $0x1;
	v6 =	vadd.f32 v6, v8;
	s20 =	simm.s32 @!p0 $0x0  }
0x35: {  	v4 =	vadd.f32 v7, v4;
	v2 =	vadd.f32 v2, v5;
	s20 =	ssub.s32 s21, s20  }
0x36: {  	s31 =	sshll.u32 s18, $0x6;
	s18 =	sadd.s32 $0x1, s18;
	v3 =	vadd.f32 v12, v3;
	v1 =	vadd.f32 v1, v6;
	s20 =	sshll.u32 s20, $0x9  }
0x37: {  	p0 =	sne.s32 s18, $0x8;
	s21 =	sand.u32 $0x40, s31;
	v4 =	vadd.f32 v13, v4;
	v2 =	vmul.f32 $1.999999960e-02, v2;
	s20 =	sshra.s32 s20, $0x2  }
.Ltmp1:
0x38: {  	v0 =	vadd.f32 v62, v3;
	v1 =	vmul.f32 $1.999999960e-02, v1;
	s20 =	sor.u32 s21, s20;
	(pc) =	sbr.rel @p0 .LBB2_3-.Ltmp1, $4  }
0x39: {  	v63 =	vmul.f32 $1.999999960e-02, v4;
	s21 =	sadd.s32 $0x12C00, s20;
	[tilespmem:s20+$0x12C00] =	vst v2  }
0x3a: {  	v0 =	vmul.f32 $1.999999960e-02, v0;
	[tilespmem:s21+$0x10] =	vst v1  }
0x3b: {  	[tilespmem:s21+$0x20] =	vst v63  }
0x3c: {  	s19 =	sadd.s32 $0xC80, s19;
	[tilespmem:s21+$0x30] =	vst v0  }
0x3d: {  	p0 =	seq.s32 s15, $0x1F  }
0x3e: {  	s17 =	smul.u32 @!p0 $0xC80, s15;
	_ =	sdelay $0x1  }
0x3f: {  	s16 =	sshll.u32 s16, $0x9;
	s17 =	sshra.s32 @!p0 s17, $0x2  }
0x40: {  	s18 =	simm.s32 @!p0 $0x190;
	s19 =	simm.s32 @!p0 $0x6400;
	s17 =	sadd.s32 @!p0 $0x320, s17  }
0x41: {  	[tilespmem:s19], [sflag:$0x1] =	stream.indirect.gather @!p0 [hbm4b:s3+s18], $0x40, s17, s18, $0xb8;
	[tilespmem:$0x1AC00] =	vst v63  }
0x42: {  	s16 =	sand.u32 $0x3FFFFE00, s16;
	_ =	swait.ge [sflag:s12], $0x6400  }
0x43: {  	s16 =	sadd.s32 $0x12C00, s16;
	[sflag:s12] =	ssyncset.done $0x0  }
0x44: {  	s17 =	simm.s32 $0x0;
	s18 =	simm.s32 $0xC840;
	[sflag:s12] =	ssyncadd.s32 $0xFFFF9C00  }
.LBB2_7:
0x45: {  	v0 =	vmov s18;
	_ =	sdelay $0x3  }
0x46: {  	s20 =	simm.s32 $0x0  }
0x47: {  	v8 =	vld.idx.msk [tilespmem:v0+s20+$0x0 ss:$0x1], $0xffff  }
0x48: {  	v12 =	vld.idx.msk [tilespmem:v0+s20+$0x10 ss:$0x1], $0xffff  }
0x49: {  	v6 =	vld.idx.msk [tilespmem:v0+s20+$0xFFFFFFC0 ss:$0x1], $0xffff  }
0x4a: {  	v7 =	vld.idx.msk [tilespmem:v0+s20+$0xFFFFFFD0 ss:$0x1], $0xffff  }
0x4b: {  	v9 =	vld.idx.msk [tilespmem:v0+s20+$0xFFFFFFE0 ss:$0x1], $0xffff  }
0x4c: {  	v10 =	vld.idx.msk [tilespmem:v0+s20+$0xFFFFFFF0 ss:$0x1], $0xffff  }
0x4d: {  	v2 =	vld.idx.msk [tilespmem:v0+s20+$0x20 ss:$0x1], $0xffff  }
0x4e: {  	s19 =	simm.s32 $0x80;
	v4 =	vld.idx.msk [tilespmem:v0+s20+$0x30 ss:$0x1], $0xffff  }
0x4f: {  	v3 =	vld.idx.msk [tilespmem:v0+s19+$0x0 ss:$0x1], $0xffff  }
0x50: {  	v13 =	vimm.f32 $0.0e+00;
	v1 =	vld.idx.msk [tilespmem:v0+s19+$0x10 ss:$0x1], $0xffff  }
0x51: {  	v5 =	vld.idx.msk [tilespmem:v0+s19+$0xFFFFFFC0 ss:$0x1], $0xffff;
	v14 =	vadd.f32 v6, v13;
	v15 =	vadd.f32 v7, v13  }
0x52: {  	v6 =	vld.idx.msk [tilespmem:v0+s19+$0xFFFFFFD0 ss:$0x1], $0xffff;
	v11 =	vadd.f32 v9, v13;
	v10 =	vadd.f32 v10, v13  }
0x53: {  	s20 =	simm.s32 $0x400;
	v7 =	vld.idx.msk [tilespmem:v0+s19+$0xFFFFFFE0 ss:$0x1], $0xffff;
	v9 =	vadd.f32 v8, v14;
	v8 =	vadd.f32 v12, v15  }
.LBB2_8:
0x54: {  	p0 =	sne.s32 s20, $0x3000;
	v12 =	vld.idx.msk [tilespmem:v0+s19+$0xFFFFFFF0 ss:$0x1], $0xffff;
	v11 =	vadd.f32 v2, v11;
	v10 =	vadd.f32 v4, v10  }
0x55: {  	v13 =	vmov v3;
	v2 =	vld.idx.msk [tilespmem:v0+s19+$0x20 ss:$0x1], $0xffff  }
0x56: {  	v14 =	vmov v1;
	v4 =	vld.idx.msk [tilespmem:v0+s19+$0x30 ss:$0x1], $0xffff;
	s19 =	sshra.s32 s20, $0x2  }
.Ltmp2:
0x57: {  	v3 =	vld.idx.msk [tilespmem:v0+s19+$0x0 ss:$0x1], $0xffff;
	(pc) =	sbr.rel @p0 .LBB2_8-.Ltmp2, $4  }
0x58: {  	v1 =	vld.idx.msk [tilespmem:v0+s19+$0x10 ss:$0x1], $0xffff  }
0x59: {  	v9 =	vadd.f32 v5, v9;
	v8 =	vadd.f32 v6, v8;
	v5 =	vld.idx.msk [tilespmem:v0+s19+$0xFFFFFFC0 ss:$0x1], $0xffff  }
0x5a: {  	v11 =	vadd.f32 v7, v11;
	v10 =	vadd.f32 v12, v10;
	v6 =	vld.idx.msk [tilespmem:v0+s19+$0xFFFFFFD0 ss:$0x1], $0xffff  }
0x5b: {  	s20 =	sadd.s32 $0x200, s20;
	v9 =	vadd.f32 v13, v9;
	v8 =	vadd.f32 v14, v8;
	v7 =	vld.idx.msk [tilespmem:v0+s19+$0xFFFFFFE0 ss:$0x1], $0xffff  }
0x5c: {  	_ =	sdelay $0x3  }
0x5d: {  	v12 =	vld.idx.msk [tilespmem:v0+s19+$0xFFFFFFF0 ss:$0x1], $0xffff  }
0x5e: {  	v13 =	vld.idx.msk [tilespmem:v0+s19+$0x20 ss:$0x1], $0xffff  }
0x5f: {  	v2 =	vadd.f32 v2, v11;
	v63 =	vld.idx.msk [tilespmem:v0+s19+$0x30 ss:$0x1], $0xffff;
	v5 =	vadd.f32 v5, v9  }
0x60: {  	v4 =	vadd.f32 v4, v10;
	v6 =	vadd.f32 v6, v8  }
0x61: {  	s31 =	sshll.u32 s17, $0x6;
	v2 =	vadd.f32 v7, v2;
	v3 =	vadd.f32 v3, v5  }
0x62: {  	s17 =	sadd.s32 $0x1, s17;
	s20 =	sand.u32 $0x180, s31;
	v4 =	vadd.f32 v12, v4;
	v1 =	vadd.f32 v1, v6  }
0x63: {  	s19 =	sand.u32 $0x40, s31;
	p0 =	sne.s32 s17, $0x8;
	s20 =	sadd.s32 s20, s16;
	v2 =	vadd.f32 v13, v2;
	v3 =	vmul.f32 $1.999999960e-02, v3  }
.Ltmp3:
0x64: {  	s19 =	sadd.s32 s19, s20;
	v0 =	vadd.f32 v63, v4;
	v1 =	vmul.f32 $1.999999960e-02, v1;
	(pc) =	sbr.rel @p0 .LBB2_7-.Ltmp3, $4  }
0x65: {  	[tilespmem:s19+$0x0] =	vst v3;
	v2 =	vmul.f32 $1.999999960e-02, v2  }
0x66: {  	[tilespmem:s19+$0x10] =	vst v1;
	v0 =	vmul.f32 $1.999999960e-02, v0  }
0x67: {  	[tilespmem:s19+$0x20] =	vst v2  }
0x68: {  	s18 =	sadd.s32 $0xC80, s18;
	[tilespmem:s19+$0x30] =	vst v0  }
0x69: {  	s15 =	sadd.s32 $0x1, s15  }
0x6a: {  	p0 =	sne.s32 s15, $0x20  }
.Ltmp4:
0x6b: {  	_ = 	snop;
	(pc) =	sbr.rel @p0 .LBB2_2-.Ltmp4, $1  }
0x6c: {  	_ =	sdelay $0x3  }
0x6d: {  	s14 =	sadd.s32 $0x1, s14  }
0x6e: {  	p0 =	sne.s32 s14, s6  }
.Ltmp5:
0x6f: {  	_ = 	snop;
	(pc) =	sbr.rel @p0 .LBB2_1-.Ltmp5, $4  }
0x70: {  	[hbm4b:s5+s2] =	stream.linear.scatter [tilespmem:s13], [sflag:$0x3], $0x8000, $0x38;
	[tilespmem:$0x1AC00] =	vst v63  }
0x71: {  	_ =	swait.ge [sflag:s7], $0x8000  }
0x72: {  	[sflag:s7] =	ssyncset.done $0x0  }
0x73: {  	[sflag:s7] =	ssyncadd.s32 $0xFFFF8000  }
0x74: {  	_ =	sfence.sel $0x180000  }
0x75: {  	[bflag:$0x0] =	sbarrier.arrive $0xFFFF  }
0x76: {  	p0 =	sne.s32 s1, $0x0;
	_ =	strace $0x90000047  }
0x77: {  	s0 =	sadd.s32 @!p0 $0x100000, s0;
	[bflag:$0x2] =	sbarrier.arrive $0xFFFF  }
0x78: {  	[sflag:s0] =	ssyncadd.tile.s32 @!p0 $0x1;
	_ =	shalt  }
.Lfunc_end2:
_tile_overlayer_lowered:
.L_overlay_start_2:
0x79: {  	(tag) =	ssettag $0x2  }
0x7a: {  	s0 =	rddreg [dreg:$0x0];
	s2 =	stileid.u32  }
0x7b: {  	s1 =	rddreg [dreg:$0x1];
	p0 =	sne.s32 s2, $0x0  }
0x7c: {  	s3 =	rddreg [dreg:$0x2];
	[bflag:$0x3] =	sbarrier.arrive $0xFFFF;
	s2 =	simm.s32 @!p0 $0x1C03  }
0x7d: {  	[timem:s3], [sflag:s2] =	dma.local @!p0 [hbm:s0], s1  }
0x7e: {  	s0 =	simm.s32 @!p0 $0x3  }
0x7f: {  	_ =	swait.ge @!p0 [sflag:s0], s1  }
0x80: {  	s1 =	ssub.s32 @!p0 $0x0, s1;
	[sflag:s0] =	ssyncset.done @!p0 $0x0  }
0x81: {  	[sflag:s0] =	ssyncadd.s32 @!p0 s1  }
0x82: {  	[bflag:$0x3] =	sbarrier.arrive $0xFFFF  }
0x83: {  	_ =	shalt  }

// kernel: kernel.7.cloned.1.call-start
scs
__scs_entry_jumppad:
0x0: {  	(pc) =	sbr.rel $0x88, $3  }
0x1: {  	(tag) =	ssettag $0x0;
	lr =	simm.s32 $0x1  }
0x2: {  	[smem:$0x3F9D] =	sst lr;
	_ =	strace $0xD0000000  }
0x3: {  	_ = 	snop  }
0x4: {  	_ = 	snop  }
0x5: {  	_ = 	snop  }
0x6: {  	_ = 	snop  }
0x7: {  	_ = 	snop  }
__scs_overlays_trampoline_lowered:
0x8: {  	[smem:$0x3FAC] =	sst s0  }
0x9: {  	[smem:$0x3FAD] =	sst s1  }
0xa: {  	[smem:$0x3FAE] =	sst s2  }
0xb: {  	[smem:$0x3FAF] =	sst s3  }
0xc: {  	[smem:$0x3FB0] =	sst s4  }
0xd: {  	[smem:$0x3FB1] =	sst s5  }
0xe: {  	[smem:$0x3FB2] =	sst s6  }
0xf: {  	[smem:$0x3FB3] =	sst s7  }
0x10: {  	[smem:$0x3FB4] =	sst s8  }
0x11: {  	[smem:$0x3FB5] =	sst s9;
	s0 =	simm.s32 @!p0 $0x0  }
0x12: {  	s1 =	sld [smem:$0x3F9B];
	s0 =	simm.s32 @p0 $0x1  }
0x13: {  	[smem:$0x3FB6] =	sst s0;
	s0 =	simm.s32 @!p1 $0x0  }
0x14: {  	s2 =	sld [smem:$0x3F9A];
	s0 =	simm.s32 @p1 $0x1  }
0x15: {  	[smem:$0x3FB7] =	sst s0;
	s0 =	simm.s32 @!p2 $0x0  }
0x16: {  	s3 =	sld [smem:$0x3FDB];
	s0 =	simm.s32 @p2 $0x1  }
0x17: {  	s4 =	simm.s32 $0x1BF5;
	[smem:$0x3FB9] =	sst s0  }
0x18: {  	s0 =	sld [smem:$0x3F9C];
	_ =	swait.ge [sflag:s4], $0x0  }
0x19: {  	s7 =	sld [smem:$0x3F9D]  }
0x1a: {  	s8 =	sadd.s32 $0xFFFFE003, lr  }
0x1b: {  	s9 =	sadd.s32 $0xFFFFFEF7, lr;
	s5 =	simm.s32 $0xFFFFFFFF;
	p2 =	slt.u32 s8, $0xFFFFF086  }
0x1c: {  	p1 =	slt.u32 s9, $0xF7A;
	s5 =	simm.s32 @!p2 $0x0  }
0x1d: {  	s5 =	simm.s32 @p1 $0x1;
	p0 =	seq.s32 s7, s2  }
0x1e: {  	s7 =	smul.u32 @!p0 $0xF7A, s2;
	p2 =	seq.s32 @!p0 s5, $0x0  }
0x1f: {  	s9 =	smul.u32 $0xF7A, s1;
	s8 =	simm.s32 @!p0 $0x1BF5;
	p2 =	por !p2, p0  }
0x20: {  	[sflag:s8] =	ssyncset.s32 @!p0 $0xFFFFF086;
	s6 =	sadd.s32 @!p0 s3, s7;
	s7 =	simm.s32 @!p0 $0x108  }
0x21: {  	s3 =	sadd.s32 s3, s9;
	s6 =	sadd.s32 @!p0 $0x88, s6;
	s7 =	simm.s32 @p2 $0x1082  }
0x22: {  	[simem:s7], [sflag:s8] =	dma.local @!p0 [hbm:s6], $0xF7A  }
0x23: {  	s9 =	sor.u32 $0xD0000000, s2;
	s6 =	simm.s32 $0x108;
	_ =	swait.ge @!p0 [sflag:s8], $0x0  }
0x24: {  	s3 =	sadd.s32 $0x88, s3;
	s6 =	simm.s32 @!p1 $0x1082;
	[sflag:s4] =	ssyncset.s32 $0xFFFFF086  }
0x25: {  	[simem:s6], [sflag:s4] =	dma.local [hbm:s3], $0xF7A  }
0x26: {  	[smem:$0x3F9D] =	sst s1;
	(tag) =	ssettag s2;
	_ =	strace s9  }
0x27: {  	s1 =	sld [smem:$0x3FAD]  }
0x28: {  	s2 =	sld [smem:$0x3FAE]  }
0x29: {  	s4 =	sld [smem:$0x3FB0]  }
0x2a: {  	p0 =	seq.s32 s5, $0x0;
	s5 =	sld [smem:$0x3FB1]  }
0x2b: {  	s6 =	sld [smem:$0x3FB2]  }
0x2c: {  	s7 =	sld [smem:$0x3FB3]  }
0x2d: {  	s3 =	simm.s32 $0x108;
	s8 =	sld [smem:$0x3FB4]  }
0x2e: {  	s3 =	simm.s32 @!p0 $0x1082;
	s9 =	sld [smem:$0x3FB5]  }
0x2f: {  	lr =	sadd.s32 s0, s3;
	s0 =	sld [smem:$0x3FAC]  }
0x30: {  	s3 =	sld [smem:$0x3FAF]  }
0x31: {  	[smem:$0x3FB8] =	sst s10  }
0x32: {  	s10 =	sld [smem:$0x3FB6];
	_ =	sdelay $0x3  }
0x33: {  	p0 =	seq.s32 s10, $0x1;
	s10 =	sld [smem:$0x3FB8];
	_ =	sdelay $0x3  }
0x34: {  	[smem:$0x3FB8] =	sst s10  }
0x35: {  	s10 =	sld [smem:$0x3FB7];
	_ =	sdelay $0x3  }
0x36: {  	p1 =	seq.s32 s10, $0x1;
	s10 =	sld [smem:$0x3FB8];
	_ =	sdelay $0x3  }
0x37: {  	[smem:$0x3FB8] =	sst s10  }
0x38: {  	s10 =	sld [smem:$0x3FB9]  }
0x39: {  	_ = 	snop;
	(pc) =	sbr.ind lr, $3  }
0x3a: {  	_ = 	snop  }
0x3b: {  	_ = 	snop  }
0x3c: {  	p2 =	seq.s32 s10, $0x1;
	s10 =	sld [smem:$0x3FB8]  }
0x3d: {  	_ =	shalt  }
0x3e: {  	_ =	shalt  }
0x3f: {  	_ =	shalt  }
0x40: {  	_ =	shalt  }
0x41: {  	_ =	shalt  }
0x42: {  	_ =	shalt  }
0x43: {  	_ =	shalt  }
0x44: {  	_ =	shalt  }
0x45: {  	_ =	shalt  }
0x46: {  	_ =	shalt  }
0x47: {  	_ =	shalt  }
0x48: {  	_ =	shalt  }
0x49: {  	_ =	shalt  }
0x4a: {  	_ =	shalt  }
0x4b: {  	_ =	shalt  }
0x4c: {  	_ =	shalt  }
0x4d: {  	_ =	shalt  }
0x4e: {  	_ =	shalt  }
0x4f: {  	_ =	shalt  }
0x50: {  	_ =	shalt  }
0x51: {  	_ =	shalt  }
0x52: {  	_ =	shalt  }
0x53: {  	_ =	shalt  }
0x54: {  	_ =	shalt  }
0x55: {  	_ =	shalt  }
0x56: {  	_ =	shalt  }
0x57: {  	_ =	shalt  }
0x58: {  	_ =	shalt  }
0x59: {  	_ =	shalt  }
0x5a: {  	_ =	shalt  }
0x5b: {  	_ =	shalt  }
0x5c: {  	_ =	shalt  }
0x5d: {  	_ =	shalt  }
0x5e: {  	_ =	shalt  }
0x5f: {  	_ =	shalt  }
0x60: {  	_ =	shalt  }
0x61: {  	_ =	shalt  }
0x62: {  	_ =	shalt  }
0x63: {  	_ =	shalt  }
0x64: {  	_ =	shalt  }
0x65: {  	_ =	shalt  }
0x66: {  	_ =	shalt  }
0x67: {  	_ =	shalt  }
0x68: {  	_ =	shalt  }
0x69: {  	_ =	shalt  }
0x6a: {  	_ =	shalt  }
0x6b: {  	_ =	shalt  }
0x6c: {  	_ =	shalt  }
0x6d: {  	_ =	shalt  }
0x6e: {  	_ =	shalt  }
0x6f: {  	_ =	shalt  }
0x70: {  	_ =	shalt  }
0x71: {  	_ =	shalt  }
0x72: {  	_ =	shalt  }
0x73: {  	_ =	shalt  }
0x74: {  	_ =	shalt  }
0x75: {  	_ =	shalt  }
0x76: {  	_ =	shalt  }
0x77: {  	_ =	shalt  }
0x78: {  	_ =	shalt  }
0x79: {  	_ =	shalt  }
0x7a: {  	_ =	shalt  }
0x7b: {  	_ =	shalt  }
0x7c: {  	_ =	shalt  }
0x7d: {  	_ =	shalt  }
0x7e: {  	_ =	shalt  }
0x7f: {  	_ =	shalt  }
0x80: {  	_ =	shalt  }
0x81: {  	_ =	shalt  }
0x82: {  	_ =	shalt  }
0x83: {  	_ =	shalt  }
0x84: {  	_ =	shalt  }
0x85: {  	_ =	shalt  }
0x86: {  	_ =	shalt  }
0x87: {  	_ =	shalt  }
.Lfunc_end0:
.L_simem_size_0:
called_computation.1_lowered:
.L_overlay_start_0:
0x88: {  	s2 =	sld [smem:$0x3FD9]  }
0x89: {  	s3 =	sld [smem:$0x3FFE];
	_ =	sdelay $0x1  }
0x8a: {  	s1 =	srdreg.scid  }
0x8b: {  	s0 =	sand.u32 $0x1, s1  }
0x8c: {  	s17 =	sshll.u32 s0, $0xA;
	s2 =	sadd.s32 s3, s2  }
0x8d: {  	s2 =	sadd.s32 s2, s17  }
0x8e: {  	[smem:$0x3FC4] =	sst s2  }
0x8f: {  	_ = 	snop  }
0x90: {  	s2 =	sld [smem:$0x3FD0];
	(tm) =	ssettm $0x1  }
0x91: {  	s18 =	sld [smem:$0x3FFB];
	_ =	sdelay $0x3  }
0x92: {  	_ =	strace s18  }
0x93: {  	s3 =	sld [smem:$0x3FFC];
	_ =	sdelay $0x3  }
0x94: {  	_ =	strace s3  }
0x95: {  	s3 =	sld [smem:$0x3FFD];
	_ =	sdelay $0x3  }
0x96: {  	_ =	strace s3  }
0x97: {  	_ =	strace $0x8FFFFFFF  }
0x98: {  	s19 =	sld [smem:$0x3FDB];
	_ =	sdelay $0x1  }
0x99: {  	s4 =	simm.s32 $_scs_section_size  }
0x9a: {  	s5 =	simm.s32 $_size__tile_overlayer_lowered;
	s6 =	simm.s32 $_tile_overlayer_lowered  }
0x9b: {  	s22 =	simm.s32 $0x1BFF;
	s21 =	sshll.u32 s6, $0x1;
	s3 =	sadd.s32 s4, s19  }
0x9c: {  	s7 =	simm.s32 $0x0;
	s20 =	sshll.u32 s5, $0x1;
	s5 =	sadd.s32 s21, s3  }
0x9d: {  	[timem:s7], [sflag:s22] =	dma.local [hbm:s5], s20  }
0x9e: {  	_ =	swait.ge [sflag:s22], s20  }
0x9f: {  	s4 =	ssub.s32 $0x0, s20;
	[sflag:s22] =	ssyncset.done $0x0  }
0xa0: {  	[sflag:s22] =	ssyncadd.s32 s4;
	_ =	sdelay $0x1  }
0xa1: {  	s23 =	simm.s32 $0x1B8B  }
0xa2: {  	_ =	swait.ge [sflag:s23], $0x1  }
0xa3: {  	[sflag:s23] =	ssyncset.done $0x0  }
0xa4: {  	s25 =	simm.s32 $0x1B8E;
	s24 =	sld [smem:$0x3FFE];
	[sflag:s23] =	ssyncadd.s32 $0xFFFFFFFF  }
0xa5: {  	s26 =	simm.s32 $execute0_lowered;
	[smem:$0x3FD2] =	sst s25  }
0xa6: {  	s5 =	sshll.u32 s26, $0x1;
	_ =	strace $0x80000049;
	[dreg:$0x1] =	wrdreg $0xFFFFFFFF  }
0xa7: {  	s28 =	simm.s32 $_size_execute0_lowered;
	s3 =	sadd.s32 s3, s5;
	[dreg:$0x0] =	wrdreg $0x0  }
0xa8: {  	s5 =	sshll.u32 s28, $0x1;
	[dreg:$0x2] =	wrdreg s3  }
0xa9: {  	[dreg:$0x3] =	wrdreg s5  }
0xaa: {  	[dreg:$0x4] =	wrdreg $0xC0  }
0xab: {  	_ =	task [dreg:s7], $0x5FFFF  }
0xac: {  	[dreg:$0x1] =	wrdreg $0xFFFFFFFF  }
0xad: {  	[dreg:$0x0] =	wrdreg $0x60  }
0xae: {  	[dreg:$0x2] =	wrdreg s24  }
0xaf: {  	[dreg:$0x3] =	wrdreg s2  }
0xb0: {  	[dreg:$0x4] =	wrdreg $0x9  }
0xb1: {  	_ =	task.clear_ibuf [dreg:s7], $0x5FFFF;
	_ =	strace $0x90000049  }
0xb2: {  	s29 =	simm.s32 $0x9;
	_ =	strace $0x8000004B  }
0xb3: {  	_ =	swait.ge [sflag:s29], $0x1  }
0xb4: {  	[sflag:s29] =	ssyncadd.s32 $0xFFFFFFFF  }
0xb5: {  	_ =	strace $0x9000004B  }
0xb6: {  	_ =	sfence  }
0xb7: {  	s30 =	sld [smem:$0x0];
	_ =	sdelay $0x2  }
0xb8: {  	s31 =	sshll.u32 s1, $0xD;
	s1 =	sshrl.u32 s1, $0x2  }
0xb9: {  	s3 =	sand.u32 $0x4000, s31;
	s1 =	sadd.s32 s1, s30  }
0xba: {  	s0 =	sor.u32 s3, s0;
	s1 =	sshll.u32 s1, $0x11  }
0xbb: {  	s0 =	sor.u32 s1, s0  }
0xbc: {  	s0 =	sadd.s32 $0x8F2B, s0  }
0xbd: {  	[sflag:s0] =	ssyncadd.remote.s32 $0x1  }
0xbe: {  	_ =	sfence.sel $0xFFFF  }
0xbf: {  	[dreg:$0x0] =	wrdreg $0xFFFFFFFF;
	(pc) =	sbr.abs _section_cstart, $3  }
0xc0: {  	[dreg:$0x1] =	wrdreg $0xFFFFFFFF  }
0xc1: {  	_ =	task.clear_ibuf [dreg:s7], $0x2FFFF;
	_ =	strace $0x9FFFFFFF  }
0xc2: {  	(tm) =	ssettm $0x7FFFFFFF  }
0xc3: {  	_ =	shalt  }
tec
execute0_lowered:
.L_overlay_start_1:
0x0: {  	(tag) =	ssettag $0x1  }
0x1: {  	s1 =	srdreg.scid;
	s5 =	rddreg [dreg:$0x0]  }
0x2: {  	s0 =	stileid.u32;
	s2 =	rddreg [dreg:$0x1];
	s3 =	simm.s32 $0x0  }
0x3: {  	s11 =	simm.s32 $0xD0;
	s12 =	simm.s32 $0xB400;
	s13 =	simm.s32 $0xCE00  }
0x4: {  	s14 =	simm.s32 $0x1;
	s15 =	simm.s32 $0xE800;
	s16 =	simm.s32 $0x2  }
0x5: {  	s4 =	sand.u32 $0x1, s1;
	s31 =	sshll.u32 s0, $0x1;
	s1 =	rddreg [dreg:$0x2]  }
0x6: {  	s17 =	simm.s32 $0x0;
	[smem:$0x7FF] =	sst s3;
	s6 =	sor.u32 s4, s31  }
0x7: {  	_ =	strace $0x8000004A;
	s8 =	ssub.s32 $0x2, s4;
	s4 =	sadd.s32 $0x2890600, s5  }
0x8: {  	s7 =	smul.u32 $0x680, s6;
	s9 =	sshll.u32 s6, $0xC;
	s10 =	sshrl.u32 s8, $0x1  }
0x9: {  	s9 =	sadd.s32 s9, s5;
	s8 =	ssub.s32 s8, s10;
	s10 =	simm.s32 $0x3400  }
0xa: {  	s7 =	sadd.s32 s7, s5;
	s5 =	sshll.u32 s6, $0x6;
	s8 =	smax.u32 s8, $0x1  }
0xb: {  	s6 =	sadd.s32 $0xE4200, s7;
	s7 =	sadd.s32 $0xC4200, s9;
	s9 =	simm.s32 $0x3  }
.LBB2_1:
0xc: {  	[tilespmem:s3], [sflag:$0x3] =	stream.linear.gather [hbm4b:s6+s3], $0x3400, $0x38;
	[tilespmem:$0x10400] =	vst v63  }
0xd: {  	_ =	swait.ge [sflag:s9], $0x3400  }
0xe: {  	[sflag:s9] =	ssyncset.done $0x0  }
0xf: {  	[sflag:s9] =	ssyncadd.s32 $0xFFFFCC00  }
0x10: {  	[tilespmem:s10], [sflag:$0x3] =	stream.linear.gather [hbm4b:s7+s3], $0x8000, $0x38;
	[tilespmem:$0x10400] =	vst v63  }
0x11: {  	_ =	swait.ge [sflag:s9], $0x8000  }
0x12: {  	[sflag:s9] =	ssyncset.done $0x0  }
0x13: {  	s18 =	simm.s32 $0x0;
	s19 =	simm.s32 $0x0;
	[sflag:s9] =	ssyncadd.s32 $0xFFFF8000  }
0x14: {  	[tilespmem:s12], [sflag:$0x1] =	stream.indirect.gather [hbm4b:s4+s11], $0x20, s3, s11, $0xb8;
	[tilespmem:$0x10400] =	vst v63  }
.LBB2_2:
0x15: {  	s20 =	sshllo.u32 s19, $0x1  }
0x16: {  	s21 =	smul.u32 $0x340, s20;
	_ =	sdelay $0x1  }
0x17: {  	s21 =	sshra.s32 s21, $0x2  }
0x18: {  	[tilespmem:s13], [sflag:$0x2] =	stream.indirect.gather [hbm4b:s4+s11], $0x20, s21, s11, $0xb8;
	[tilespmem:$0x10400] =	vst v63  }
0x19: {  	_ =	swait.ge [sflag:s14], $0x1A00  }
0x1a: {  	[sflag:s14] =	ssyncset.done $0x0  }
0x1b: {  	s23 =	simm.s32 $0xB5A0;
	[sflag:s14] =	ssyncadd.s32 $0xFFFFE600  }
0x1c: {  	v0 =	vld [tilespmem:s23+$0xFFFFFE60];
	_ =	sdelay $0x3  }
0x1d: {  	s22 =	simm.s32 $0xF440  }
0x1e: {  	[tilespmem:s22+$0xFFFFF3C0] =	vst v0  }
0x1f: {  	v0 =	vld [tilespmem:s23+$0xFFFFFE70];
	_ =	sdelay $0x4  }
0x20: {  	[tilespmem:s22+$0xFFFFF3D0] =	vst v0  }
0x21: {  	v0 =	vld [tilespmem:s23+$0xFFFFFE80];
	_ =	sdelay $0x4  }
0x22: {  	[tilespmem:s22+$0xFFFFF3E0] =	vst v0  }
0x23: {  	v0 =	vld [tilespmem:s23+$0xFFFFFE90];
	_ =	sdelay $0x4  }
0x24: {  	[tilespmem:s22+$0xFFFFF3F0] =	vst v0  }
0x25: {  	v0 =	vld [tilespmem:s23+$0xFFFFFEA0];
	_ =	sdelay $0x4  }
0x26: {  	[tilespmem:s22+$0xFFFFF400] =	vst v0  }
0x27: {  	v0 =	vld [tilespmem:s23+$0xFFFFFEB0];
	_ =	sdelay $0x4  }
0x28: {  	[tilespmem:s22+$0xFFFFF410] =	vst v0  }
0x29: {  	v0 =	vld [tilespmem:s23+$0xFFFFFEC0];
	_ =	sdelay $0x4  }
0x2a: {  	[tilespmem:s22+$0xFFFFF420] =	vst v0  }
0x2b: {  	v0 =	vld [tilespmem:s23+$0xFFFFFED0];
	_ =	sdelay $0x4  }
0x2c: {  	[tilespmem:s22+$0xFFFFF430] =	vst v0  }
0x2d: {  	v0 =	vld [tilespmem:s23+$0xFFFFFEE0];
	_ =	sdelay $0x4  }
0x2e: {  	[tilespmem:s22+$0xFFFFF7C0] =	vst v0  }
0x2f: {  	v0 =	vld [tilespmem:s23+$0xFFFFFEF0];
	_ =	sdelay $0x4  }
0x30: {  	[tilespmem:s22+$0xFFFFF7D0] =	vst v0  }
0x31: {  	v0 =	vld [tilespmem:s23+$0xFFFFFF00];
	_ =	sdelay $0x4  }
0x32: {  	[tilespmem:s22+$0xFFFFF7E0] =	vst v0  }
0x33: {  	v0 =	vld [tilespmem:s23+$0xFFFFFF10];
	_ =	sdelay $0x4  }
0x34: {  	[tilespmem:s22+$0xFFFFF7F0] =	vst v0  }
0x35: {  	v0 =	vld [tilespmem:s23+$0xFFFFFF20];
	_ =	sdelay $0x4  }
0x36: {  	[tilespmem:s22+$0xFFFFF800] =	vst v0  }
0x37: {  	v0 =	vld [tilespmem:s23+$0xFFFFFF30];
	_ =	sdelay $0x4  }
0x38: {  	[tilespmem:s22+$0xFFFFF810] =	vst v0  }
0x39: {  	v0 =	vld [tilespmem:s23+$0xFFFFFF40];
	_ =	sdelay $0x4  }
0x3a: {  	[tilespmem:s22+$0xFFFFF820] =	vst v0  }
0x3b: {  	v0 =	vld [tilespmem:s23+$0xFFFFFF50];
	_ =	sdelay $0x4  }
0x3c: {  	[tilespmem:s22+$0xFFFFF830] =	vst v0  }
0x3d: {  	v0 =	vld [tilespmem:s23+$0xFFFFFF60];
	_ =	sdelay $0x4  }
0x3e: {  	[tilespmem:s22+$0xFFFFFBC0] =	vst v0  }
0x3f: {  	v0 =	vld [tilespmem:s23+$0xFFFFFF70];
	_ =	sdelay $0x4  }
0x40: {  	[tilespmem:s22+$0xFFFFFBD0] =	vst v0  }
0x41: {  	v0 =	vld [tilespmem:s23+$0xFFFFFF80];
	_ =	sdelay $0x4  }
0x42: {  	[tilespmem:s22+$0xFFFFFBE0] =	vst v0  }
0x43: {  	v0 =	vld [tilespmem:s23+$0xFFFFFF90];
	_ =	sdelay $0x4  }
0x44: {  	[tilespmem:s22+$0xFFFFFBF0] =	vst v0  }
0x45: {  	v0 =	vld [tilespmem:s23+$0xFFFFFFA0];
	_ =	sdelay $0x4  }
0x46: {  	[tilespmem:s22+$0xFFFFFC00] =	vst v0  }
0x47: {  	v0 =	vld [tilespmem:s23+$0xFFFFFFB0];
	_ =	sdelay $0x4  }
0x48: {  	[tilespmem:s22+$0xFFFFFC10] =	vst v0  }
0x49: {  	v0 =	vld [tilespmem:s23+$0xFFFFFFC0];
	_ =	sdelay $0x4  }
0x4a: {  	[tilespmem:s22+$0xFFFFFC20] =	vst v0  }
0x4b: {  	v0 =	vld [tilespmem:s23+$0xFFFFFFD0];
	_ =	sdelay $0x4  }
0x4c: {  	[tilespmem:s22+$0xFFFFFC30] =	vst v0  }
0x4d: {  	v0 =	vld [tilespmem:s23+$0xFFFFFFE0];
	_ =	sdelay $0x4  }
0x4e: {  	[tilespmem:s22+$0xFFFFFFC0] =	vst v0  }
0x4f: {  	v0 =	vld [tilespmem:s23+$0xFFFFFFF0];
	_ =	sdelay $0x4  }
0x50: {  	[tilespmem:s22+$0xFFFFFFD0] =	vst v0  }
0x51: {  	v0 =	vld [tilespmem:s23+$0x0];
	_ =	sdelay $0x4  }
0x52: {  	[tilespmem:s22+$0xFFFFFFE0] =	vst v0  }
0x53: {  	v0 =	vld [tilespmem:s23+$0x10];
	_ =	sdelay $0x4  }
0x54: {  	[tilespmem:s22+$0xFFFFFFF0] =	vst v0  }
0x55: {  	v0 =	vld [tilespmem:s23+$0x20];
	_ =	sdelay $0x4  }
0x56: {  	[tilespmem:s22+$0x0] =	vst v0  }
0x57: {  	v0 =	vld [tilespmem:s23+$0x30];
	_ =	sdelay $0x4  }
0x58: {  	[tilespmem:s22+$0x10] =	vst v0  }
0x59: {  	v0 =	vld [tilespmem:s23+$0x40];
	_ =	sdelay $0x4  }
0x5a: {  	[tilespmem:s22+$0x20] =	vst v0  }
0x5b: {  	v0 =	vld [tilespmem:s23+$0x50];
	_ =	sdelay $0x4  }
0x5c: {  	[tilespmem:s22+$0x30] =	vst v0  }
0x5d: {  	v0 =	vld [tilespmem:s23+$0x60];
	_ =	sdelay $0x4  }
0x5e: {  	[tilespmem:s22+$0x3C0] =	vst v0  }
0x5f: {  	v0 =	vld [tilespmem:s23+$0x70];
	_ =	sdelay $0x4  }
0x60: {  	[tilespmem:s22+$0x3D0] =	vst v0  }
0x61: {  	v0 =	vld [tilespmem:s23+$0x80];
	_ =	sdelay $0x4  }
0x62: {  	[tilespmem:s22+$0x3E0] =	vst v0  }
0x63: {  	v0 =	vld [tilespmem:s23+$0x90];
	_ =	sdelay $0x4  }
0x64: {  	[tilespmem:s22+$0x3F0] =	vst v0  }
0x65: {  	v0 =	vld [tilespmem:s23+$0xA0];
	_ =	sdelay $0x4  }
0x66: {  	[tilespmem:s22+$0x400] =	vst v0  }
0x67: {  	v0 =	vld [tilespmem:s23+$0xB0];
	_ =	sdelay $0x4  }
0x68: {  	[tilespmem:s22+$0x410] =	vst v0  }
0x69: {  	v0 =	vld [tilespmem:s23+$0xC0];
	_ =	sdelay $0x4  }
0x6a: {  	[tilespmem:s22+$0x420] =	vst v0  }
0x6b: {  	v0 =	vld [tilespmem:s23+$0xD0];
	_ =	sdelay $0x4  }
0x6c: {  	[tilespmem:s22+$0x430] =	vst v0  }
0x6d: {  	v0 =	vld [tilespmem:s23+$0xE0];
	_ =	sdelay $0x4  }
0x6e: {  	[tilespmem:s22+$0x7C0] =	vst v0  }
0x6f: {  	v0 =	vld [tilespmem:s23+$0xF0];
	_ =	sdelay $0x4  }
0x70: {  	[tilespmem:s22+$0x7D0] =	vst v0  }
0x71: {  	v0 =	vld [tilespmem:s23+$0x100];
	_ =	sdelay $0x4  }
0x72: {  	[tilespmem:s22+$0x7E0] =	vst v0  }
0x73: {  	v0 =	vld [tilespmem:s23+$0x110];
	_ =	sdelay $0x4  }
0x74: {  	[tilespmem:s22+$0x7F0] =	vst v0  }
0x75: {  	v0 =	vld [tilespmem:s23+$0x120];
	_ =	sdelay $0x4  }
0x76: {  	[tilespmem:s22+$0x800] =	vst v0  }
0x77: {  	v0 =	vld [tilespmem:s23+$0x130];
	_ =	sdelay $0x4  }
0x78: {  	[tilespmem:s22+$0x810] =	vst v0  }
0x79: {  	v0 =	vld [tilespmem:s23+$0x140];
	_ =	sdelay $0x4  }
0x7a: {  	[tilespmem:s22+$0x820] =	vst v0  }
0x7b: {  	v0 =	vld [tilespmem:s23+$0x150];
	_ =	sdelay $0x4  }
0x7c: {  	[tilespmem:s22+$0x830] =	vst v0  }
0x7d: {  	v0 =	vld [tilespmem:s23+$0x160];
	_ =	sdelay $0x4  }
0x7e: {  	[tilespmem:s22+$0xBC0] =	vst v0  }
0x7f: {  	v0 =	vld [tilespmem:s23+$0x170];
	_ =	sdelay $0x4  }
0x80: {  	[tilespmem:s22+$0xBD0] =	vst v0  }
0x81: {  	v0 =	vld [tilespmem:s23+$0x180];
	_ =	sdelay $0x1  }
0x82: {  	s21 =	simm.s32 $0x0  }
0x83: {  	s24 =	sadd.s32 $0x0, s18;
	s25 =	sand.u32 $0x1, s21  }
0x84: {  	p1 =	seq.s32 s24, $0x0;
	p0 =	seq.s32 s25, $0x1  }
0x85: {  	p0 =	por !p1, !p0;
	[tilespmem:s22+$0xBE0] =	vst v0  }
0x86: {  	p0 =	por !p0, !p0;
	v0 =	vld [tilespmem:s23+$0x190];
	s23 =	simm.s32 $0x1  }
0x87: {  	s24 =	sshrl.u32 s24, $0x1;
	s23 =	simm.s32 @!p0 $0x0  }
0x88: {  	s23 =	ssub.s32 s24, s23  }
0x89: {  	s23 =	sshll.u32 s23, $0x9  }
0x8a: {  	s31 =	sand.u32 $0x40, s21;
	s23 =	sshra.s32 s23, $0x2  }
0x8b: {  	[tilespmem:s22+$0xBF0] =	vst v0;
	s23 =	sor.u32 s31, s23  }
0x8c: {  	v0 =	vld [tilespmem:s23+$0x3400];
	_ =	sdelay $0x4  }
0x8d: {  	[tilespmem:s22+$0xC00] =	vst v0  }
0x8e: {  	v0 =	vld [tilespmem:s23+$0x3410];
	_ =	sdelay $0x4  }
0x8f: {  	[tilespmem:s22+$0xC10] =	vst v0  }
0x90: {  	v0 =	vld [tilespmem:s23+$0x3420];
	_ =	sdelay $0x4  }
0x91: {  	[tilespmem:s22+$0xC20] =	vst v0  }
0x92: {  	v0 =	vld [tilespmem:s23+$0x3430];
	_ =	sdelay $0x4  }
0x93: {  	s24 =	simm.s32 $0xB8E0;
	[tilespmem:s22+$0xC30] =	vst v0  }
0x94: {  	s26 =	simm.s32 $0x2;
	s25 =	simm.s32 $0x1;
	s23 =	sshll.u32 s19, $0x1;
	v0 =	vld [tilespmem:s24+$0xFFFFFE60]  }
.LBB2_3:
0x95: {  	p0 =	sne.s32 s26, $0x7;
	_ =	sdelay $0x2  }
0x96: {  	s22 =	sadd.s32 $0x80, s22  }
0x97: {  	[tilespmem:s22+$0xFFFFF3C0] =	vst v0  }
0x98: {  	v0 =	vld [tilespmem:s24+$0xFFFFFE70];
	_ =	sdelay $0x4  }
0x99: {  	[tilespmem:s22+$0xFFFFF3D0] =	vst v0  }
0x9a: {  	v0 =	vld [tilespmem:s24+$0xFFFFFE80];
	_ =	sdelay $0x4  }
0x9b: {  	[tilespmem:s22+$0xFFFFF3E0] =	vst v0  }
0x9c: {  	v0 =	vld [tilespmem:s24+$0xFFFFFE90];
	_ =	sdelay $0x4  }
0x9d: {  	[tilespmem:s22+$0xFFFFF3F0] =	vst v0  }
0x9e: {  	v0 =	vld [tilespmem:s24+$0xFFFFFEA0];
	_ =	sdelay $0x4  }
0x9f: {  	[tilespmem:s22+$0xFFFFF400] =	vst v0  }
0xa0: {  	v0 =	vld [tilespmem:s24+$0xFFFFFEB0];
	_ =	sdelay $0x4  }
0xa1: {  	[tilespmem:s22+$0xFFFFF410] =	vst v0  }
0xa2: {  	v0 =	vld [tilespmem:s24+$0xFFFFFEC0];
	_ =	sdelay $0x4  }
0xa3: {  	[tilespmem:s22+$0xFFFFF420] =	vst v0  }
0xa4: {  	v0 =	vld [tilespmem:s24+$0xFFFFFED0];
	_ =	sdelay $0x4  }
0xa5: {  	[tilespmem:s22+$0xFFFFF430] =	vst v0  }
0xa6: {  	v0 =	vld [tilespmem:s24+$0xFFFFFEE0];
	_ =	sdelay $0x4  }
0xa7: {  	[tilespmem:s22+$0xFFFFF7C0] =	vst v0  }
0xa8: {  	v0 =	vld [tilespmem:s24+$0xFFFFFEF0];
	_ =	sdelay $0x4  }
0xa9: {  	[tilespmem:s22+$0xFFFFF7D0] =	vst v0  }
0xaa: {  	v0 =	vld [tilespmem:s24+$0xFFFFFF00];
	_ =	sdelay $0x4  }
0xab: {  	[tilespmem:s22+$0xFFFFF7E0] =	vst v0  }
0xac: {  	v0 =	vld [tilespmem:s24+$0xFFFFFF10];
	_ =	sdelay $0x4  }
0xad: {  	[tilespmem:s22+$0xFFFFF7F0] =	vst v0  }
0xae: {  	v0 =	vld [tilespmem:s24+$0xFFFFFF20];
	_ =	sdelay $0x4  }
0xaf: {  	[tilespmem:s22+$0xFFFFF800] =	vst v0  }
0xb0: {  	v0 =	vld [tilespmem:s24+$0xFFFFFF30];
	_ =	sdelay $0x4  }
0xb1: {  	[tilespmem:s22+$0xFFFFF810] =	vst v0  }
0xb2: {  	v0 =	vld [tilespmem:s24+$0xFFFFFF40];
	_ =	sdelay $0x4  }
0xb3: {  	[tilespmem:s22+$0xFFFFF820] =	vst v0  }
0xb4: {  	v0 =	vld [tilespmem:s24+$0xFFFFFF50];
	_ =	sdelay $0x4  }
0xb5: {  	[tilespmem:s22+$0xFFFFF830] =	vst v0  }
0xb6: {  	v0 =	vld [tilespmem:s24+$0xFFFFFF60];
	_ =	sdelay $0x4  }
0xb7: {  	[tilespmem:s22+$0xFFFFFBC0] =	vst v0  }
0xb8: {  	v0 =	vld [tilespmem:s24+$0xFFFFFF70];
	_ =	sdelay $0x4  }
0xb9: {  	[tilespmem:s22+$0xFFFFFBD0] =	vst v0  }
0xba: {  	v0 =	vld [tilespmem:s24+$0xFFFFFF80];
	_ =	sdelay $0x4  }
0xbb: {  	[tilespmem:s22+$0xFFFFFBE0] =	vst v0  }
0xbc: {  	v0 =	vld [tilespmem:s24+$0xFFFFFF90];
	_ =	sdelay $0x4  }
0xbd: {  	[tilespmem:s22+$0xFFFFFBF0] =	vst v0  }
0xbe: {  	v0 =	vld [tilespmem:s24+$0xFFFFFFA0];
	_ =	sdelay $0x4  }
0xbf: {  	[tilespmem:s22+$0xFFFFFC00] =	vst v0  }
0xc0: {  	v0 =	vld [tilespmem:s24+$0xFFFFFFB0];
	_ =	sdelay $0x4  }
0xc1: {  	[tilespmem:s22+$0xFFFFFC10] =	vst v0  }
0xc2: {  	v0 =	vld [tilespmem:s24+$0xFFFFFFC0];
	_ =	sdelay $0x4  }
0xc3: {  	[tilespmem:s22+$0xFFFFFC20] =	vst v0  }
0xc4: {  	v0 =	vld [tilespmem:s24+$0xFFFFFFD0];
	_ =	sdelay $0x4  }
0xc5: {  	[tilespmem:s22+$0xFFFFFC30] =	vst v0  }
0xc6: {  	v0 =	vld [tilespmem:s24+$0xFFFFFFE0];
	_ =	sdelay $0x4  }
0xc7: {  	[tilespmem:s22+$0xFFFFFFC0] =	vst v0  }
0xc8: {  	v0 =	vld [tilespmem:s24+$0xFFFFFFF0];
	_ =	sdelay $0x4  }
0xc9: {  	[tilespmem:s22+$0xFFFFFFD0] =	vst v0  }
0xca: {  	v0 =	vld [tilespmem:s24+$0x0];
	_ =	sdelay $0x4  }
0xcb: {  	[tilespmem:s22+$0xFFFFFFE0] =	vst v0  }
0xcc: {  	v0 =	vld [tilespmem:s24+$0x10];
	_ =	sdelay $0x4  }
0xcd: {  	[tilespmem:s22+$0xFFFFFFF0] =	vst v0  }
0xce: {  	v0 =	vld [tilespmem:s24+$0x20];
	_ =	sdelay $0x4  }
0xcf: {  	[tilespmem:s22+$0x0] =	vst v0  }
0xd0: {  	v0 =	vld [tilespmem:s24+$0x30];
	_ =	sdelay $0x4  }
0xd1: {  	[tilespmem:s22+$0x10] =	vst v0  }
0xd2: {  	v0 =	vld [tilespmem:s24+$0x40];
	_ =	sdelay $0x4  }
0xd3: {  	[tilespmem:s22+$0x20] =	vst v0  }
0xd4: {  	v0 =	vld [tilespmem:s24+$0x50];
	_ =	sdelay $0x4  }
0xd5: {  	[tilespmem:s22+$0x30] =	vst v0  }
0xd6: {  	v0 =	vld [tilespmem:s24+$0x60];
	_ =	sdelay $0x4  }
0xd7: {  	[tilespmem:s22+$0x3C0] =	vst v0  }
0xd8: {  	v0 =	vld [tilespmem:s24+$0x70];
	_ =	sdelay $0x4  }
0xd9: {  	[tilespmem:s22+$0x3D0] =	vst v0  }
0xda: {  	v0 =	vld [tilespmem:s24+$0x80];
	_ =	sdelay $0x4  }
0xdb: {  	[tilespmem:s22+$0x3E0] =	vst v0  }
0xdc: {  	v0 =	vld [tilespmem:s24+$0x90];
	_ =	sdelay $0x4  }
0xdd: {  	[tilespmem:s22+$0x3F0] =	vst v0  }
0xde: {  	v0 =	vld [tilespmem:s24+$0xA0];
	_ =	sdelay $0x4  }
0xdf: {  	[tilespmem:s22+$0x400] =	vst v0  }
0xe0: {  	v0 =	vld [tilespmem:s24+$0xB0];
	_ =	sdelay $0x4  }
0xe1: {  	[tilespmem:s22+$0x410] =	vst v0  }
0xe2: {  	v0 =	vld [tilespmem:s24+$0xC0];
	_ =	sdelay $0x4  }
0xe3: {  	[tilespmem:s22+$0x420] =	vst v0  }
0xe4: {  	v0 =	vld [tilespmem:s24+$0xD0];
	_ =	sdelay $0x4  }
0xe5: {  	[tilespmem:s22+$0x430] =	vst v0  }
0xe6: {  	v0 =	vld [tilespmem:s24+$0xE0];
	_ =	sdelay $0x4  }
0xe7: {  	[tilespmem:s22+$0x7C0] =	vst v0  }
0xe8: {  	v0 =	vld [tilespmem:s24+$0xF0];
	_ =	sdelay $0x4  }
0xe9: {  	[tilespmem:s22+$0x7D0] =	vst v0  }
0xea: {  	v0 =	vld [tilespmem:s24+$0x100];
	_ =	sdelay $0x4  }
0xeb: {  	[tilespmem:s22+$0x7E0] =	vst v0  }
0xec: {  	v0 =	vld [tilespmem:s24+$0x110];
	_ =	sdelay $0x4  }
0xed: {  	[tilespmem:s22+$0x7F0] =	vst v0  }
0xee: {  	v0 =	vld [tilespmem:s24+$0x120];
	_ =	sdelay $0x4  }
0xef: {  	[tilespmem:s22+$0x800] =	vst v0  }
0xf0: {  	v0 =	vld [tilespmem:s24+$0x130];
	_ =	sdelay $0x4  }
0xf1: {  	[tilespmem:s22+$0x810] =	vst v0  }
0xf2: {  	v0 =	vld [tilespmem:s24+$0x140];
	_ =	sdelay $0x4  }
0xf3: {  	[tilespmem:s22+$0x820] =	vst v0  }
0xf4: {  	v0 =	vld [tilespmem:s24+$0x150];
	_ =	sdelay $0x4  }
0xf5: {  	[tilespmem:s22+$0x830] =	vst v0  }
0xf6: {  	v0 =	vld [tilespmem:s24+$0x160];
	_ =	sdelay $0x4  }
0xf7: {  	[tilespmem:s22+$0xBC0] =	vst v0  }
0xf8: {  	v0 =	vld [tilespmem:s24+$0x170];
	_ =	sdelay $0x4  }
0xf9: {  	[tilespmem:s22+$0xBD0] =	vst v0  }
0xfa: {  	v0 =	vld [tilespmem:s24+$0x180];
	_ =	sdelay $0x2  }
0xfb: {  	s28 =	sadd.s32 s25, s18;
	s29 =	sand.u32 $0x1, s25;
	s25 =	smov.u32 s26  }
0xfc: {  	p1 =	seq.s32 s29, $0x1;
	p2 =	seq.s32 s28, $0x0  }
0xfd: {  	p1 =	por !p2, !p1;
	[tilespmem:s22+$0xBE0] =	vst v0  }
0xfe: {  	s29 =	simm.s32 $0x1;
	p1 =	por !p1, !p1;
	v0 =	vld [tilespmem:s24+$0x190]  }
0xff: {  	s28 =	sshrl.u32 s28, $0x1;
	s29 =	simm.s32 @!p1 $0x0  }
0x100: {  	s28 =	ssub.s32 s28, s29  }
0x101: {  	s21 =	sadd.s32 $0x40, s21;
	s28 =	sshll.u32 s28, $0x9  }
0x102: {  	s29 =	sand.u32 $0x40, s21;
	s28 =	sshra.s32 s28, $0x2  }
0x103: {  	s28 =	sor.u32 s29, s28;
	[tilespmem:s22+$0xBF0] =	vst v0  }
0x104: {  	v0 =	vld [tilespmem:s28+$0x3400];
	_ =	sdelay $0x4  }
0x105: {  	[tilespmem:s22+$0xC00] =	vst v0  }
0x106: {  	v0 =	vld [tilespmem:s28+$0x3410];
	_ =	sdelay $0x4  }
0x107: {  	[tilespmem:s22+$0xC10] =	vst v0  }
0x108: {  	v0 =	vld [tilespmem:s28+$0x3420];
	_ =	sdelay $0x4  }
0x109: {  	[tilespmem:s22+$0xC20] =	vst v0  }
0x10a: {  	v0 =	vld [tilespmem:s28+$0x3430];
	_ =	sdelay $0x1  }
.Ltmp0:
0x10b: {  	(pc) =	sbr.rel @p0 .LBB2_3-.Ltmp0, $3  }
0x10c: {  	_ =	sdelay $0x1  }
0x10d: {  	s24 =	sadd.s32 $0x340, s24;
	[tilespmem:s22+$0xC30] =	vst v0  }
0x10e: {  	s26 =	sadd.s32 $0x1, s26;
	v0 =	vld [tilespmem:s24+$0xFFFFFE60]  }
0x10f: {  	_ =	sdelay $0x2  }
0x110: {  	s22 =	sadd.s32 $0x80, s22  }
0x111: {  	[tilespmem:s22+$0xFFFFF3C0] =	vst v0  }
0x112: {  	v0 =	vld [tilespmem:s24+$0xFFFFFE70];
	_ =	sdelay $0x4  }
0x113: {  	[tilespmem:s22+$0xFFFFF3D0] =	vst v0  }
0x114: {  	v0 =	vld [tilespmem:s24+$0xFFFFFE80];
	_ =	sdelay $0x4  }
0x115: {  	[tilespmem:s22+$0xFFFFF3E0] =	vst v0  }
0x116: {  	v0 =	vld [tilespmem:s24+$0xFFFFFE90];
	_ =	sdelay $0x4  }
0x117: {  	[tilespmem:s22+$0xFFFFF3F0] =	vst v0  }
0x118: {  	v0 =	vld [tilespmem:s24+$0xFFFFFEA0];
	_ =	sdelay $0x4  }
0x119: {  	[tilespmem:s22+$0xFFFFF400] =	vst v0  }
0x11a: {  	v0 =	vld [tilespmem:s24+$0xFFFFFEB0];
	_ =	sdelay $0x4  }
0x11b: {  	[tilespmem:s22+$0xFFFFF410] =	vst v0  }
0x11c: {  	v0 =	vld [tilespmem:s24+$0xFFFFFEC0];
	_ =	sdelay $0x4  }
0x11d: {  	[tilespmem:s22+$0xFFFFF420] =	vst v0  }
0x11e: {  	v0 =	vld [tilespmem:s24+$0xFFFFFED0];
	_ =	sdelay $0x4  }
0x11f: {  	[tilespmem:s22+$0xFFFFF430] =	vst v0  }
0x120: {  	v0 =	vld [tilespmem:s24+$0xFFFFFEE0];
	_ =	sdelay $0x4  }
0x121: {  	[tilespmem:s22+$0xFFFFF7C0] =	vst v0  }
0x122: {  	v0 =	vld [tilespmem:s24+$0xFFFFFEF0];
	_ =	sdelay $0x4  }
0x123: {  	[tilespmem:s22+$0xFFFFF7D0] =	vst v0  }
0x124: {  	v0 =	vld [tilespmem:s24+$0xFFFFFF00];
	_ =	sdelay $0x4  }
0x125: {  	[tilespmem:s22+$0xFFFFF7E0] =	vst v0  }
0x126: {  	v0 =	vld [tilespmem:s24+$0xFFFFFF10];
	_ =	sdelay $0x4  }
0x127: {  	[tilespmem:s22+$0xFFFFF7F0] =	vst v0  }
0x128: {  	v0 =	vld [tilespmem:s24+$0xFFFFFF20];
	_ =	sdelay $0x4  }
0x129: {  	[tilespmem:s22+$0xFFFFF800] =	vst v0  }
0x12a: {  	v0 =	vld [tilespmem:s24+$0xFFFFFF30];
	_ =	sdelay $0x4  }
0x12b: {  	[tilespmem:s22+$0xFFFFF810] =	vst v0  }
0x12c: {  	v0 =	vld [tilespmem:s24+$0xFFFFFF40];
	_ =	sdelay $0x4  }
0x12d: {  	[tilespmem:s22+$0xFFFFF820] =	vst v0  }
0x12e: {  	v0 =	vld [tilespmem:s24+$0xFFFFFF50];
	_ =	sdelay $0x4  }
0x12f: {  	[tilespmem:s22+$0xFFFFF830] =	vst v0  }
0x130: {  	v0 =	vld [tilespmem:s24+$0xFFFFFF60];
	_ =	sdelay $0x4  }
0x131: {  	[tilespmem:s22+$0xFFFFFBC0] =	vst v0  }
0x132: {  	v0 =	vld [tilespmem:s24+$0xFFFFFF70];
	_ =	sdelay $0x4  }
0x133: {  	[tilespmem:s22+$0xFFFFFBD0] =	vst v0  }
0x134: {  	v0 =	vld [tilespmem:s24+$0xFFFFFF80];
	_ =	sdelay $0x4  }
0x135: {  	[tilespmem:s22+$0xFFFFFBE0] =	vst v0  }
0x136: {  	v0 =	vld [tilespmem:s24+$0xFFFFFF90];
	_ =	sdelay $0x4  }
0x137: {  	[tilespmem:s22+$0xFFFFFBF0] =	vst v0  }
0x138: {  	v0 =	vld [tilespmem:s24+$0xFFFFFFA0];
	_ =	sdelay $0x4  }
0x139: {  	[tilespmem:s22+$0xFFFFFC00] =	vst v0  }
0x13a: {  	v0 =	vld [tilespmem:s24+$0xFFFFFFB0];
	_ =	sdelay $0x4  }
0x13b: {  	[tilespmem:s22+$0xFFFFFC10] =	vst v0  }
0x13c: {  	v0 =	vld [tilespmem:s24+$0xFFFFFFC0];
	_ =	sdelay $0x4  }
0x13d: {  	[tilespmem:s22+$0xFFFFFC20] =	vst v0  }
0x13e: {  	v0 =	vld [tilespmem:s24+$0xFFFFFFD0];
	_ =	sdelay $0x4  }
0x13f: {  	[tilespmem:s22+$0xFFFFFC30] =	vst v0  }
0x140: {  	v0 =	vld [tilespmem:s24+$0xFFFFFFE0];
	_ =	sdelay $0x4  }
0x141: {  	[tilespmem:s22+$0xFFFFFFC0] =	vst v0  }
0x142: {  	v0 =	vld [tilespmem:s24+$0xFFFFFFF0];
	_ =	sdelay $0x4  }
0x143: {  	[tilespmem:s22+$0xFFFFFFD0] =	vst v0  }
0x144: {  	v0 =	vld [tilespmem:s24+$0x0];
	_ =	sdelay $0x4  }
0x145: {  	[tilespmem:s22+$0xFFFFFFE0] =	vst v0  }
0x146: {  	v0 =	vld [tilespmem:s24+$0x10];
	_ =	sdelay $0x4  }
0x147: {  	[tilespmem:s22+$0xFFFFFFF0] =	vst v0  }
0x148: {  	v0 =	vld [tilespmem:s24+$0x20];
	_ =	sdelay $0x4  }
0x149: {  	[tilespmem:s22+$0x0] =	vst v0  }
0x14a: {  	v0 =	vld [tilespmem:s24+$0x30];
	_ =	sdelay $0x4  }
0x14b: {  	[tilespmem:s22+$0x10] =	vst v0  }
0x14c: {  	v0 =	vld [tilespmem:s24+$0x40];
	_ =	sdelay $0x4  }
0x14d: {  	[tilespmem:s22+$0x20] =	vst v0  }
0x14e: {  	v0 =	vld [tilespmem:s24+$0x50];
	_ =	sdelay $0x4  }
0x14f: {  	[tilespmem:s22+$0x30] =	vst v0  }
0x150: {  	v0 =	vld [tilespmem:s24+$0x60];
	_ =	sdelay $0x4  }
0x151: {  	[tilespmem:s22+$0x3C0] =	vst v0  }
0x152: {  	v0 =	vld [tilespmem:s24+$0x70];
	_ =	sdelay $0x4  }
0x153: {  	[tilespmem:s22+$0x3D0] =	vst v0  }
0x154: {  	v0 =	vld [tilespmem:s24+$0x80];
	_ =	sdelay $0x4  }
0x155: {  	[tilespmem:s22+$0x3E0] =	vst v0  }
0x156: {  	v0 =	vld [tilespmem:s24+$0x90];
	_ =	sdelay $0x4  }
0x157: {  	[tilespmem:s22+$0x3F0] =	vst v0  }
0x158: {  	v0 =	vld [tilespmem:s24+$0xA0];
	_ =	sdelay $0x4  }
0x159: {  	[tilespmem:s22+$0x400] =	vst v0  }
0x15a: {  	v0 =	vld [tilespmem:s24+$0xB0];
	_ =	sdelay $0x4  }
0x15b: {  	[tilespmem:s22+$0x410] =	vst v0  }
0x15c: {  	v0 =	vld [tilespmem:s24+$0xC0];
	_ =	sdelay $0x4  }
0x15d: {  	[tilespmem:s22+$0x420] =	vst v0  }
0x15e: {  	v0 =	vld [tilespmem:s24+$0xD0];
	_ =	sdelay $0x4  }
0x15f: {  	[tilespmem:s22+$0x430] =	vst v0  }
0x160: {  	v0 =	vld [tilespmem:s24+$0xE0];
	_ =	sdelay $0x4  }
0x161: {  	[tilespmem:s22+$0x7C0] =	vst v0  }
0x162: {  	v0 =	vld [tilespmem:s24+$0xF0];
	_ =	sdelay $0x4  }
0x163: {  	[tilespmem:s22+$0x7D0] =	vst v0  }
0x164: {  	v0 =	vld [tilespmem:s24+$0x100];
	_ =	sdelay $0x4  }
0x165: {  	[tilespmem:s22+$0x7E0] =	vst v0  }
0x166: {  	v0 =	vld [tilespmem:s24+$0x110];
	_ =	sdelay $0x4  }
0x167: {  	[tilespmem:s22+$0x7F0] =	vst v0  }
0x168: {  	v0 =	vld [tilespmem:s24+$0x120];
	_ =	sdelay $0x4  }
0x169: {  	[tilespmem:s22+$0x800] =	vst v0  }
0x16a: {  	v0 =	vld [tilespmem:s24+$0x130];
	_ =	sdelay $0x4  }
0x16b: {  	[tilespmem:s22+$0x810] =	vst v0  }
0x16c: {  	v0 =	vld [tilespmem:s24+$0x140];
	_ =	sdelay $0x4  }
0x16d: {  	[tilespmem:s22+$0x820] =	vst v0  }
0x16e: {  	v0 =	vld [tilespmem:s24+$0x150];
	_ =	sdelay $0x4  }
0x16f: {  	[tilespmem:s22+$0x830] =	vst v0  }
0x170: {  	v0 =	vld [tilespmem:s24+$0x160];
	_ =	sdelay $0x4  }
0x171: {  	[tilespmem:s22+$0xBC0] =	vst v0  }
0x172: {  	v0 =	vld [tilespmem:s24+$0x170];
	_ =	sdelay $0x4  }
0x173: {  	[tilespmem:s22+$0xBD0] =	vst v0  }
0x174: {  	v0 =	vld [tilespmem:s24+$0x180];
	_ =	sdelay $0x2  }
0x175: {  	s26 =	sadd.s32 s25, s18;
	s30 =	sand.u32 $0x1, s25  }
0x176: {  	p0 =	seq.s32 s30, $0x1;
	p1 =	seq.s32 s26, $0x0  }
0x177: {  	p0 =	por !p1, !p0;
	[tilespmem:s22+$0xBE0] =	vst v0  }
0x178: {  	p0 =	por !p0, !p0;
	v0 =	vld [tilespmem:s24+$0x190];
	s24 =	simm.s32 $0x1  }
0x179: {  	s31 =	sshrl.u32 s26, $0x1;
	s24 =	simm.s32 @!p0 $0x0  }
0x17a: {  	s24 =	ssub.s32 s31, s24  }
0x17b: {  	s21 =	sadd.s32 $0x40, s21;
	s24 =	sshll.u32 s24, $0x9  }
0x17c: {  	s21 =	sand.u32 $0x40, s21;
	s24 =	sshra.s32 s24, $0x2  }
0x17d: {  	[tilespmem:s22+$0xBF0] =	vst v0;
	s21 =	sor.u32 s21, s24  }
0x17e: {  	v0 =	vld [tilespmem:s21+$0x3400];
	_ =	sdelay $0x4  }
0x17f: {  	[tilespmem:s22+$0xC00] =	vst v0  }
0x180: {  	v0 =	vld [tilespmem:s21+$0x3410];
	_ =	sdelay $0x4  }
0x181: {  	[tilespmem:s22+$0xC10] =	vst v0  }
0x182: {  	v0 =	vld [tilespmem:s21+$0x3420];
	_ =	sdelay $0x4  }
0x183: {  	[tilespmem:s22+$0xC20] =	vst v0  }
0x184: {  	v0 =	vld [tilespmem:s21+$0x3430];
	_ =	sdelay $0x1  }
0x185: {  	s26 =	sadd.s32 s5, s23  }
0x186: {  	s21 =	smul.u32 $0x380, s26;
	_ =	sdelay $0x1  }
0x187: {  	p0 =	seq.s32 s19, $0x1F;
	s21 =	sadd.s32 s2, s21;
	[tilespmem:s22+$0xC30] =	vst v0  }
0x188: {  	[hbm4b:s21+s3] =	stream.linear.scatter [tilespmem:s15], [sflag:$0x3], $0x1C00, $0x38;
	[tilespmem:$0x10400] =	vst v63  }
0x189: {  	s21 =	smul.u32 @!p0 $0x680, s19  }
0x18a: {  	_ =	swait.ge [sflag:s9], $0x1C00  }
0x18b: {  	s23 =	simm.s32 @!p0 $0xB400;
	[sflag:s9] =	ssyncset.done $0x0;
	s21 =	sshra.s32 @!p0 s21, $0x2  }
0x18c: {  	s22 =	simm.s32 @!p0 $0xD0;
	[sflag:s9] =	ssyncadd.s32 $0xFFFFE400;
	s21 =	sadd.s32 @!p0 $0x1A0, s21  }
0x18d: {  	[tilespmem:s23], [sflag:$0x1] =	stream.indirect.gather @!p0 [hbm4b:s4+s22], $0x20, s21, s22, $0xb8;
	[tilespmem:$0x10400] =	vst v63  }
0x18e: {  	_ =	swait.ge [sflag:s16], $0x1A00  }
0x18f: {  	[sflag:s16] =	ssyncset.done $0x0  }
0x190: {  	s28 =	simm.s32 $0xCFA0;
	[sflag:s16] =	ssyncadd.s32 $0xFFFFE600  }
0x191: {  	v0 =	vld [tilespmem:s28+$0xFFFFFE60];
	_ =	sdelay $0x3  }
0x192: {  	s21 =	simm.s32 $0xF440  }
0x193: {  	[tilespmem:s21+$0xFFFFF3C0] =	vst v0  }
0x194: {  	v0 =	vld [tilespmem:s28+$0xFFFFFE70];
	_ =	sdelay $0x4  }
0x195: {  	[tilespmem:s21+$0xFFFFF3D0] =	vst v0  }
0x196: {  	v0 =	vld [tilespmem:s28+$0xFFFFFE80];
	_ =	sdelay $0x4  }
0x197: {  	[tilespmem:s21+$0xFFFFF3E0] =	vst v0  }
0x198: {  	v0 =	vld [tilespmem:s28+$0xFFFFFE90];
	_ =	sdelay $0x4  }
0x199: {  	[tilespmem:s21+$0xFFFFF3F0] =	vst v0  }
0x19a: {  	v0 =	vld [tilespmem:s28+$0xFFFFFEA0];
	_ =	sdelay $0x4  }
0x19b: {  	[tilespmem:s21+$0xFFFFF400] =	vst v0  }
0x19c: {  	v0 =	vld [tilespmem:s28+$0xFFFFFEB0];
	_ =	sdelay $0x4  }
0x19d: {  	[tilespmem:s21+$0xFFFFF410] =	vst v0  }
0x19e: {  	v0 =	vld [tilespmem:s28+$0xFFFFFEC0];
	_ =	sdelay $0x4  }
0x19f: {  	[tilespmem:s21+$0xFFFFF420] =	vst v0  }
0x1a0: {  	v0 =	vld [tilespmem:s28+$0xFFFFFED0];
	_ =	sdelay $0x4  }
0x1a1: {  	[tilespmem:s21+$0xFFFFF430] =	vst v0  }
0x1a2: {  	v0 =	vld [tilespmem:s28+$0xFFFFFEE0];
	_ =	sdelay $0x4  }
0x1a3: {  	[tilespmem:s21+$0xFFFFF7C0] =	vst v0  }
0x1a4: {  	v0 =	vld [tilespmem:s28+$0xFFFFFEF0];
	_ =	sdelay $0x4  }
0x1a5: {  	[tilespmem:s21+$0xFFFFF7D0] =	vst v0  }
0x1a6: {  	v0 =	vld [tilespmem:s28+$0xFFFFFF00];
	_ =	sdelay $0x4  }
0x1a7: {  	[tilespmem:s21+$0xFFFFF7E0] =	vst v0  }
0x1a8: {  	v0 =	vld [tilespmem:s28+$0xFFFFFF10];
	_ =	sdelay $0x4  }
0x1a9: {  	[tilespmem:s21+$0xFFFFF7F0] =	vst v0  }
0x1aa: {  	v0 =	vld [tilespmem:s28+$0xFFFFFF20];
	_ =	sdelay $0x4  }
0x1ab: {  	[tilespmem:s21+$0xFFFFF800] =	vst v0  }
0x1ac: {  	v0 =	vld [tilespmem:s28+$0xFFFFFF30];
	_ =	sdelay $0x4  }
0x1ad: {  	[tilespmem:s21+$0xFFFFF810] =	vst v0  }
0x1ae: {  	v0 =	vld [tilespmem:s28+$0xFFFFFF40];
	_ =	sdelay $0x4  }
0x1af: {  	[tilespmem:s21+$0xFFFFF820] =	vst v0  }
0x1b0: {  	v0 =	vld [tilespmem:s28+$0xFFFFFF50];
	_ =	sdelay $0x4  }
0x1b1: {  	[tilespmem:s21+$0xFFFFF830] =	vst v0  }
0x1b2: {  	v0 =	vld [tilespmem:s28+$0xFFFFFF60];
	_ =	sdelay $0x4  }
0x1b3: {  	[tilespmem:s21+$0xFFFFFBC0] =	vst v0  }
0x1b4: {  	v0 =	vld [tilespmem:s28+$0xFFFFFF70];
	_ =	sdelay $0x4  }
0x1b5: {  	[tilespmem:s21+$0xFFFFFBD0] =	vst v0  }
0x1b6: {  	v0 =	vld [tilespmem:s28+$0xFFFFFF80];
	_ =	sdelay $0x4  }
0x1b7: {  	[tilespmem:s21+$0xFFFFFBE0] =	vst v0  }
0x1b8: {  	v0 =	vld [tilespmem:s28+$0xFFFFFF90];
	_ =	sdelay $0x4  }
0x1b9: {  	[tilespmem:s21+$0xFFFFFBF0] =	vst v0  }
0x1ba: {  	v0 =	vld [tilespmem:s28+$0xFFFFFFA0];
	_ =	sdelay $0x4  }
0x1bb: {  	[tilespmem:s21+$0xFFFFFC00] =	vst v0  }
0x1bc: {  	v0 =	vld [tilespmem:s28+$0xFFFFFFB0];
	_ =	sdelay $0x4  }
0x1bd: {  	[tilespmem:s21+$0xFFFFFC10] =	vst v0  }
0x1be: {  	v0 =	vld [tilespmem:s28+$0xFFFFFFC0];
	_ =	sdelay $0x4  }
0x1bf: {  	[tilespmem:s21+$0xFFFFFC20] =	vst v0  }
0x1c0: {  	v0 =	vld [tilespmem:s28+$0xFFFFFFD0];
	_ =	sdelay $0x4  }
0x1c1: {  	[tilespmem:s21+$0xFFFFFC30] =	vst v0  }
0x1c2: {  	v0 =	vld [tilespmem:s28+$0xFFFFFFE0];
	_ =	sdelay $0x4  }
0x1c3: {  	[tilespmem:s21+$0xFFFFFFC0] =	vst v0  }
0x1c4: {  	v0 =	vld [tilespmem:s28+$0xFFFFFFF0];
	_ =	sdelay $0x4  }
0x1c5: {  	[tilespmem:s21+$0xFFFFFFD0] =	vst v0  }
0x1c6: {  	v0 =	vld [tilespmem:s28+$0x0];
	_ =	sdelay $0x4  }
0x1c7: {  	[tilespmem:s21+$0xFFFFFFE0] =	vst v0  }
0x1c8: {  	v0 =	vld [tilespmem:s28+$0x10];
	_ =	sdelay $0x4  }
0x1c9: {  	[tilespmem:s21+$0xFFFFFFF0] =	vst v0  }
0x1ca: {  	v0 =	vld [tilespmem:s28+$0x20];
	_ =	sdelay $0x4  }
0x1cb: {  	[tilespmem:s21+$0x0] =	vst v0  }
0x1cc: {  	v0 =	vld [tilespmem:s28+$0x30];
	_ =	sdelay $0x4  }
0x1cd: {  	[tilespmem:s21+$0x10] =	vst v0  }
0x1ce: {  	v0 =	vld [tilespmem:s28+$0x40];
	_ =	sdelay $0x4  }
0x1cf: {  	[tilespmem:s21+$0x20] =	vst v0  }
0x1d0: {  	v0 =	vld [tilespmem:s28+$0x50];
	_ =	sdelay $0x4  }
0x1d1: {  	[tilespmem:s21+$0x30] =	vst v0  }
0x1d2: {  	v0 =	vld [tilespmem:s28+$0x60];
	_ =	sdelay $0x4  }
0x1d3: {  	[tilespmem:s21+$0x3C0] =	vst v0  }
0x1d4: {  	v0 =	vld [tilespmem:s28+$0x70];
	_ =	sdelay $0x4  }
0x1d5: {  	[tilespmem:s21+$0x3D0] =	vst v0  }
0x1d6: {  	v0 =	vld [tilespmem:s28+$0x80];
	_ =	sdelay $0x4  }
0x1d7: {  	[tilespmem:s21+$0x3E0] =	vst v0  }
0x1d8: {  	v0 =	vld [tilespmem:s28+$0x90];
	_ =	sdelay $0x4  }
0x1d9: {  	[tilespmem:s21+$0x3F0] =	vst v0  }
0x1da: {  	v0 =	vld [tilespmem:s28+$0xA0];
	_ =	sdelay $0x4  }
0x1db: {  	[tilespmem:s21+$0x400] =	vst v0  }
0x1dc: {  	v0 =	vld [tilespmem:s28+$0xB0];
	_ =	sdelay $0x4  }
0x1dd: {  	[tilespmem:s21+$0x410] =	vst v0  }
0x1de: {  	v0 =	vld [tilespmem:s28+$0xC0];
	_ =	sdelay $0x4  }
0x1df: {  	[tilespmem:s21+$0x420] =	vst v0  }
0x1e0: {  	v0 =	vld [tilespmem:s28+$0xD0];
	_ =	sdelay $0x4  }
0x1e1: {  	[tilespmem:s21+$0x430] =	vst v0  }
0x1e2: {  	v0 =	vld [tilespmem:s28+$0xE0];
	_ =	sdelay $0x4  }
0x1e3: {  	[tilespmem:s21+$0x7C0] =	vst v0  }
0x1e4: {  	v0 =	vld [tilespmem:s28+$0xF0];
	_ =	sdelay $0x4  }
0x1e5: {  	[tilespmem:s21+$0x7D0] =	vst v0  }
0x1e6: {  	v0 =	vld [tilespmem:s28+$0x100];
	_ =	sdelay $0x4  }
0x1e7: {  	[tilespmem:s21+$0x7E0] =	vst v0  }
0x1e8: {  	v0 =	vld [tilespmem:s28+$0x110];
	_ =	sdelay $0x4  }
0x1e9: {  	[tilespmem:s21+$0x7F0] =	vst v0  }
0x1ea: {  	v0 =	vld [tilespmem:s28+$0x120];
	_ =	sdelay $0x4  }
0x1eb: {  	[tilespmem:s21+$0x800] =	vst v0  }
0x1ec: {  	v0 =	vld [tilespmem:s28+$0x130];
	_ =	sdelay $0x4  }
0x1ed: {  	[tilespmem:s21+$0x810] =	vst v0  }
0x1ee: {  	v0 =	vld [tilespmem:s28+$0x140];
	_ =	sdelay $0x4  }
0x1ef: {  	[tilespmem:s21+$0x820] =	vst v0  }
0x1f0: {  	v0 =	vld [tilespmem:s28+$0x150];
	_ =	sdelay $0x4  }
0x1f1: {  	[tilespmem:s21+$0x830] =	vst v0  }
0x1f2: {  	v0 =	vld [tilespmem:s28+$0x160];
	_ =	sdelay $0x4  }
0x1f3: {  	[tilespmem:s21+$0xBC0] =	vst v0  }
0x1f4: {  	v0 =	vld [tilespmem:s28+$0x170];
	_ =	sdelay $0x4  }
0x1f5: {  	[tilespmem:s21+$0xBD0] =	vst v0  }
0x1f6: {  	v0 =	vld [tilespmem:s28+$0x180];
	_ =	sdelay $0x4  }
0x1f7: {  	[tilespmem:s21+$0xBE0] =	vst v0  }
0x1f8: {  	v0 =	vld [tilespmem:s28+$0x190]  }
0x1f9: {  	s29 =	sshll.u32 s20, $0x9  }
0x1fa: {  	s30 =	simm.s32 $0x0;
	s22 =	sand.u32 $0x3FFFFE00, s29  }
0x1fb: {  	s31 =	sand.u32 $0x180, s30;
	s22 =	sadd.s32 $0x3400, s22  }
0x1fc: {  	s23 =	sand.u32 $0x40, s30;
	s24 =	sadd.s32 s31, s22  }
0x1fd: {  	s23 =	sadd.s32 s23, s24;
	[tilespmem:s21+$0xBF0] =	vst v0  }
0x1fe: {  	v0 =	vld [tilespmem:s23+$0x0];
	_ =	sdelay $0x4  }
0x1ff: {  	[tilespmem:s21+$0xC00] =	vst v0  }
0x200: {  	v0 =	vld [tilespmem:s23+$0x10];
	_ =	sdelay $0x4  }
0x201: {  	[tilespmem:s21+$0xC10] =	vst v0  }
0x202: {  	v0 =	vld [tilespmem:s23+$0x20];
	_ =	sdelay $0x4  }
0x203: {  	[tilespmem:s21+$0xC20] =	vst v0  }
0x204: {  	v0 =	vld [tilespmem:s23+$0x30];
	_ =	sdelay $0x4  }
0x205: {  	s23 =	simm.s32 $0xD2E0;
	[tilespmem:s21+$0xC30] =	vst v0  }
0x206: {  	s25 =	simm.s32 $0x80;
	s24 =	simm.s32 $0x40;
	v0 =	vld [tilespmem:s23+$0xFFFFFE60]  }
.LBB2_5:
0x207: {  	p0 =	sne.s32 s25, $0x1C0;
	_ =	sdelay $0x2  }
0x208: {  	s21 =	sadd.s32 $0x80, s21  }
0x209: {  	[tilespmem:s21+$0xFFFFF3C0] =	vst v0  }
0x20a: {  	v0 =	vld [tilespmem:s23+$0xFFFFFE70];
	_ =	sdelay $0x4  }
0x20b: {  	[tilespmem:s21+$0xFFFFF3D0] =	vst v0  }
0x20c: {  	v0 =	vld [tilespmem:s23+$0xFFFFFE80];
	_ =	sdelay $0x4  }
0x20d: {  	[tilespmem:s21+$0xFFFFF3E0] =	vst v0  }
0x20e: {  	v0 =	vld [tilespmem:s23+$0xFFFFFE90];
	_ =	sdelay $0x4  }
0x20f: {  	[tilespmem:s21+$0xFFFFF3F0] =	vst v0  }
0x210: {  	v0 =	vld [tilespmem:s23+$0xFFFFFEA0];
	_ =	sdelay $0x4  }
0x211: {  	[tilespmem:s21+$0xFFFFF400] =	vst v0  }
0x212: {  	v0 =	vld [tilespmem:s23+$0xFFFFFEB0];
	_ =	sdelay $0x4  }
0x213: {  	[tilespmem:s21+$0xFFFFF410] =	vst v0  }
0x214: {  	v0 =	vld [tilespmem:s23+$0xFFFFFEC0];
	_ =	sdelay $0x4  }
0x215: {  	[tilespmem:s21+$0xFFFFF420] =	vst v0  }
0x216: {  	v0 =	vld [tilespmem:s23+$0xFFFFFED0];
	_ =	sdelay $0x4  }
0x217: {  	[tilespmem:s21+$0xFFFFF430] =	vst v0  }
0x218: {  	v0 =	vld [tilespmem:s23+$0xFFFFFEE0];
	_ =	sdelay $0x4  }
0x219: {  	[tilespmem:s21+$0xFFFFF7C0] =	vst v0  }
0x21a: {  	v0 =	vld [tilespmem:s23+$0xFFFFFEF0];
	_ =	sdelay $0x4  }
0x21b: {  	[tilespmem:s21+$0xFFFFF7D0] =	vst v0  }
0x21c: {  	v0 =	vld [tilespmem:s23+$0xFFFFFF00];
	_ =	sdelay $0x4  }
0x21d: {  	[tilespmem:s21+$0xFFFFF7E0] =	vst v0  }
0x21e: {  	v0 =	vld [tilespmem:s23+$0xFFFFFF10];
	_ =	sdelay $0x4  }
0x21f: {  	[tilespmem:s21+$0xFFFFF7F0] =	vst v0  }
0x220: {  	v0 =	vld [tilespmem:s23+$0xFFFFFF20];
	_ =	sdelay $0x4  }
0x221: {  	[tilespmem:s21+$0xFFFFF800] =	vst v0  }
0x222: {  	v0 =	vld [tilespmem:s23+$0xFFFFFF30];
	_ =	sdelay $0x4  }
0x223: {  	[tilespmem:s21+$0xFFFFF810] =	vst v0  }
0x224: {  	v0 =	vld [tilespmem:s23+$0xFFFFFF40];
	_ =	sdelay $0x4  }
0x225: {  	[tilespmem:s21+$0xFFFFF820] =	vst v0  }
0x226: {  	v0 =	vld [tilespmem:s23+$0xFFFFFF50];
	_ =	sdelay $0x4  }
0x227: {  	[tilespmem:s21+$0xFFFFF830] =	vst v0  }
0x228: {  	v0 =	vld [tilespmem:s23+$0xFFFFFF60];
	_ =	sdelay $0x4  }
0x229: {  	[tilespmem:s21+$0xFFFFFBC0] =	vst v0  }
0x22a: {  	v0 =	vld [tilespmem:s23+$0xFFFFFF70];
	_ =	sdelay $0x4  }
0x22b: {  	[tilespmem:s21+$0xFFFFFBD0] =	vst v0  }
0x22c: {  	v0 =	vld [tilespmem:s23+$0xFFFFFF80];
	_ =	sdelay $0x4  }
0x22d: {  	[tilespmem:s21+$0xFFFFFBE0] =	vst v0  }
0x22e: {  	v0 =	vld [tilespmem:s23+$0xFFFFFF90];
	_ =	sdelay $0x4  }
0x22f: {  	[tilespmem:s21+$0xFFFFFBF0] =	vst v0  }
0x230: {  	v0 =	vld [tilespmem:s23+$0xFFFFFFA0];
	_ =	sdelay $0x4  }
0x231: {  	[tilespmem:s21+$0xFFFFFC00] =	vst v0  }
0x232: {  	v0 =	vld [tilespmem:s23+$0xFFFFFFB0];
	_ =	sdelay $0x4  }
0x233: {  	[tilespmem:s21+$0xFFFFFC10] =	vst v0  }
0x234: {  	v0 =	vld [tilespmem:s23+$0xFFFFFFC0];
	_ =	sdelay $0x4  }
0x235: {  	[tilespmem:s21+$0xFFFFFC20] =	vst v0  }
0x236: {  	v0 =	vld [tilespmem:s23+$0xFFFFFFD0];
	_ =	sdelay $0x4  }
0x237: {  	[tilespmem:s21+$0xFFFFFC30] =	vst v0  }
0x238: {  	v0 =	vld [tilespmem:s23+$0xFFFFFFE0];
	_ =	sdelay $0x4  }
0x239: {  	[tilespmem:s21+$0xFFFFFFC0] =	vst v0  }
0x23a: {  	v0 =	vld [tilespmem:s23+$0xFFFFFFF0];
	_ =	sdelay $0x4  }
0x23b: {  	[tilespmem:s21+$0xFFFFFFD0] =	vst v0  }
0x23c: {  	v0 =	vld [tilespmem:s23+$0x0];
	_ =	sdelay $0x4  }
0x23d: {  	[tilespmem:s21+$0xFFFFFFE0] =	vst v0  }
0x23e: {  	v0 =	vld [tilespmem:s23+$0x10];
	_ =	sdelay $0x4  }
0x23f: {  	[tilespmem:s21+$0xFFFFFFF0] =	vst v0  }
0x240: {  	v0 =	vld [tilespmem:s23+$0x20];
	_ =	sdelay $0x4  }
0x241: {  	[tilespmem:s21+$0x0] =	vst v0  }
0x242: {  	v0 =	vld [tilespmem:s23+$0x30];
	_ =	sdelay $0x4  }
0x243: {  	[tilespmem:s21+$0x10] =	vst v0  }
0x244: {  	v0 =	vld [tilespmem:s23+$0x40];
	_ =	sdelay $0x4  }
0x245: {  	[tilespmem:s21+$0x20] =	vst v0  }
0x246: {  	v0 =	vld [tilespmem:s23+$0x50];
	_ =	sdelay $0x4  }
0x247: {  	[tilespmem:s21+$0x30] =	vst v0  }
0x248: {  	v0 =	vld [tilespmem:s23+$0x60];
	_ =	sdelay $0x4  }
0x249: {  	[tilespmem:s21+$0x3C0] =	vst v0  }
0x24a: {  	v0 =	vld [tilespmem:s23+$0x70];
	_ =	sdelay $0x4  }
0x24b: {  	[tilespmem:s21+$0x3D0] =	vst v0  }
0x24c: {  	v0 =	vld [tilespmem:s23+$0x80];
	_ =	sdelay $0x4  }
0x24d: {  	[tilespmem:s21+$0x3E0] =	vst v0  }
0x24e: {  	v0 =	vld [tilespmem:s23+$0x90];
	_ =	sdelay $0x4  }
0x24f: {  	[tilespmem:s21+$0x3F0] =	vst v0  }
0x250: {  	v0 =	vld [tilespmem:s23+$0xA0];
	_ =	sdelay $0x4  }
0x251: {  	[tilespmem:s21+$0x400] =	vst v0  }
0x252: {  	v0 =	vld [tilespmem:s23+$0xB0];
	_ =	sdelay $0x4  }
0x253: {  	[tilespmem:s21+$0x410] =	vst v0  }
0x254: {  	v0 =	vld [tilespmem:s23+$0xC0];
	_ =	sdelay $0x4  }
0x255: {  	[tilespmem:s21+$0x420] =	vst v0  }
0x256: {  	v0 =	vld [tilespmem:s23+$0xD0];
	_ =	sdelay $0x4  }
0x257: {  	[tilespmem:s21+$0x430] =	vst v0  }
0x258: {  	v0 =	vld [tilespmem:s23+$0xE0];
	_ =	sdelay $0x4  }
0x259: {  	[tilespmem:s21+$0x7C0] =	vst v0  }
0x25a: {  	v0 =	vld [tilespmem:s23+$0xF0];
	_ =	sdelay $0x4  }
0x25b: {  	[tilespmem:s21+$0x7D0] =	vst v0  }
0x25c: {  	v0 =	vld [tilespmem:s23+$0x100];
	_ =	sdelay $0x4  }
0x25d: {  	[tilespmem:s21+$0x7E0] =	vst v0  }
0x25e: {  	v0 =	vld [tilespmem:s23+$0x110];
	_ =	sdelay $0x4  }
0x25f: {  	[tilespmem:s21+$0x7F0] =	vst v0  }
0x260: {  	v0 =	vld [tilespmem:s23+$0x120];
	_ =	sdelay $0x4  }
0x261: {  	[tilespmem:s21+$0x800] =	vst v0  }
0x262: {  	v0 =	vld [tilespmem:s23+$0x130];
	_ =	sdelay $0x4  }
0x263: {  	[tilespmem:s21+$0x810] =	vst v0  }
0x264: {  	v0 =	vld [tilespmem:s23+$0x140];
	_ =	sdelay $0x4  }
0x265: {  	[tilespmem:s21+$0x820] =	vst v0  }
0x266: {  	v0 =	vld [tilespmem:s23+$0x150];
	_ =	sdelay $0x4  }
0x267: {  	[tilespmem:s21+$0x830] =	vst v0  }
0x268: {  	v0 =	vld [tilespmem:s23+$0x160];
	_ =	sdelay $0x4  }
0x269: {  	[tilespmem:s21+$0xBC0] =	vst v0  }
0x26a: {  	v0 =	vld [tilespmem:s23+$0x170];
	_ =	sdelay $0x4  }
0x26b: {  	[tilespmem:s21+$0xBD0] =	vst v0  }
0x26c: {  	v0 =	vld [tilespmem:s23+$0x180];
	_ =	sdelay $0x4  }
0x26d: {  	[tilespmem:s21+$0xBE0] =	vst v0  }
0x26e: {  	v0 =	vld [tilespmem:s23+$0x190];
	_ =	sdelay $0x2  }
0x26f: {  	s26 =	sand.u32 $0x180, s24  }
0x270: {  	s28 =	sand.u32 $0x40, s24;
	s24 =	smov.u32 s25;
	s26 =	sadd.s32 s26, s22  }
0x271: {  	s26 =	sadd.s32 s28, s26;
	[tilespmem:s21+$0xBF0] =	vst v0  }
0x272: {  	v0 =	vld [tilespmem:s26+$0x0];
	_ =	sdelay $0x4  }
0x273: {  	[tilespmem:s21+$0xC00] =	vst v0  }
0x274: {  	v0 =	vld [tilespmem:s26+$0x10];
	_ =	sdelay $0x4  }
0x275: {  	[tilespmem:s21+$0xC10] =	vst v0  }
0x276: {  	v0 =	vld [tilespmem:s26+$0x20];
	_ =	sdelay $0x4  }
0x277: {  	[tilespmem:s21+$0xC20] =	vst v0  }
0x278: {  	v0 =	vld [tilespmem:s26+$0x30];
	_ =	sdelay $0x1  }
.Ltmp1:
0x279: {  	(pc) =	sbr.rel @p0 .LBB2_5-.Ltmp1, $3  }
0x27a: {  	_ =	sdelay $0x1  }
0x27b: {  	s23 =	sadd.s32 $0x340, s23;
	[tilespmem:s21+$0xC30] =	vst v0  }
0x27c: {  	s25 =	sadd.s32 $0x40, s25;
	v0 =	vld [tilespmem:s23+$0xFFFFFE60]  }
0x27d: {  	_ =	sdelay $0x2  }
0x27e: {  	s21 =	sadd.s32 $0x80, s21  }
0x27f: {  	[tilespmem:s21+$0xFFFFF3C0] =	vst v0  }
0x280: {  	v0 =	vld [tilespmem:s23+$0xFFFFFE70];
	_ =	sdelay $0x4  }
0x281: {  	[tilespmem:s21+$0xFFFFF3D0] =	vst v0  }
0x282: {  	v0 =	vld [tilespmem:s23+$0xFFFFFE80];
	_ =	sdelay $0x4  }
0x283: {  	[tilespmem:s21+$0xFFFFF3E0] =	vst v0  }
0x284: {  	v0 =	vld [tilespmem:s23+$0xFFFFFE90];
	_ =	sdelay $0x4  }
0x285: {  	[tilespmem:s21+$0xFFFFF3F0] =	vst v0  }
0x286: {  	v0 =	vld [tilespmem:s23+$0xFFFFFEA0];
	_ =	sdelay $0x4  }
0x287: {  	[tilespmem:s21+$0xFFFFF400] =	vst v0  }
0x288: {  	v0 =	vld [tilespmem:s23+$0xFFFFFEB0];
	_ =	sdelay $0x4  }
0x289: {  	[tilespmem:s21+$0xFFFFF410] =	vst v0  }
0x28a: {  	v0 =	vld [tilespmem:s23+$0xFFFFFEC0];
	_ =	sdelay $0x4  }
0x28b: {  	[tilespmem:s21+$0xFFFFF420] =	vst v0  }
0x28c: {  	v0 =	vld [tilespmem:s23+$0xFFFFFED0];
	_ =	sdelay $0x4  }
0x28d: {  	[tilespmem:s21+$0xFFFFF430] =	vst v0  }
0x28e: {  	v0 =	vld [tilespmem:s23+$0xFFFFFEE0];
	_ =	sdelay $0x4  }
0x28f: {  	[tilespmem:s21+$0xFFFFF7C0] =	vst v0  }
0x290: {  	v0 =	vld [tilespmem:s23+$0xFFFFFEF0];
	_ =	sdelay $0x4  }
0x291: {  	[tilespmem:s21+$0xFFFFF7D0] =	vst v0  }
0x292: {  	v0 =	vld [tilespmem:s23+$0xFFFFFF00];
	_ =	sdelay $0x4  }
0x293: {  	[tilespmem:s21+$0xFFFFF7E0] =	vst v0  }
0x294: {  	v0 =	vld [tilespmem:s23+$0xFFFFFF10];
	_ =	sdelay $0x4  }
0x295: {  	[tilespmem:s21+$0xFFFFF7F0] =	vst v0  }
0x296: {  	v0 =	vld [tilespmem:s23+$0xFFFFFF20];
	_ =	sdelay $0x4  }
0x297: {  	[tilespmem:s21+$0xFFFFF800] =	vst v0  }
0x298: {  	v0 =	vld [tilespmem:s23+$0xFFFFFF30];
	_ =	sdelay $0x4  }
0x299: {  	[tilespmem:s21+$0xFFFFF810] =	vst v0  }
0x29a: {  	v0 =	vld [tilespmem:s23+$0xFFFFFF40];
	_ =	sdelay $0x4  }
0x29b: {  	[tilespmem:s21+$0xFFFFF820] =	vst v0  }
0x29c: {  	v0 =	vld [tilespmem:s23+$0xFFFFFF50];
	_ =	sdelay $0x4  }
0x29d: {  	[tilespmem:s21+$0xFFFFF830] =	vst v0  }
0x29e: {  	v0 =	vld [tilespmem:s23+$0xFFFFFF60];
	_ =	sdelay $0x4  }
0x29f: {  	[tilespmem:s21+$0xFFFFFBC0] =	vst v0  }
0x2a0: {  	v0 =	vld [tilespmem:s23+$0xFFFFFF70];
	_ =	sdelay $0x4  }
0x2a1: {  	[tilespmem:s21+$0xFFFFFBD0] =	vst v0  }
0x2a2: {  	v0 =	vld [tilespmem:s23+$0xFFFFFF80];
	_ =	sdelay $0x4  }
0x2a3: {  	[tilespmem:s21+$0xFFFFFBE0] =	vst v0  }
0x2a4: {  	v0 =	vld [tilespmem:s23+$0xFFFFFF90];
	_ =	sdelay $0x4  }
0x2a5: {  	[tilespmem:s21+$0xFFFFFBF0] =	vst v0  }
0x2a6: {  	v0 =	vld [tilespmem:s23+$0xFFFFFFA0];
	_ =	sdelay $0x4  }
0x2a7: {  	[tilespmem:s21+$0xFFFFFC00] =	vst v0  }
0x2a8: {  	v0 =	vld [tilespmem:s23+$0xFFFFFFB0];
	_ =	sdelay $0x4  }
0x2a9: {  	[tilespmem:s21+$0xFFFFFC10] =	vst v0  }
0x2aa: {  	v0 =	vld [tilespmem:s23+$0xFFFFFFC0];
	_ =	sdelay $0x4  }
0x2ab: {  	[tilespmem:s21+$0xFFFFFC20] =	vst v0  }
0x2ac: {  	v0 =	vld [tilespmem:s23+$0xFFFFFFD0];
	_ =	sdelay $0x4  }
0x2ad: {  	[tilespmem:s21+$0xFFFFFC30] =	vst v0  }
0x2ae: {  	v0 =	vld [tilespmem:s23+$0xFFFFFFE0];
	_ =	sdelay $0x4  }
0x2af: {  	[tilespmem:s21+$0xFFFFFFC0] =	vst v0  }
0x2b0: {  	v0 =	vld [tilespmem:s23+$0xFFFFFFF0];
	_ =	sdelay $0x4  }
0x2b1: {  	[tilespmem:s21+$0xFFFFFFD0] =	vst v0  }
0x2b2: {  	v0 =	vld [tilespmem:s23+$0x0];
	_ =	sdelay $0x4  }
0x2b3: {  	[tilespmem:s21+$0xFFFFFFE0] =	vst v0  }
0x2b4: {  	v0 =	vld [tilespmem:s23+$0x10];
	_ =	sdelay $0x4  }
0x2b5: {  	[tilespmem:s21+$0xFFFFFFF0] =	vst v0  }
0x2b6: {  	v0 =	vld [tilespmem:s23+$0x20];
	_ =	sdelay $0x4  }
0x2b7: {  	[tilespmem:s21+$0x0] =	vst v0  }
0x2b8: {  	v0 =	vld [tilespmem:s23+$0x30];
	_ =	sdelay $0x4  }
0x2b9: {  	[tilespmem:s21+$0x10] =	vst v0  }
0x2ba: {  	v0 =	vld [tilespmem:s23+$0x40];
	_ =	sdelay $0x4  }
0x2bb: {  	[tilespmem:s21+$0x20] =	vst v0  }
0x2bc: {  	v0 =	vld [tilespmem:s23+$0x50];
	_ =	sdelay $0x4  }
0x2bd: {  	[tilespmem:s21+$0x30] =	vst v0  }
0x2be: {  	v0 =	vld [tilespmem:s23+$0x60];
	_ =	sdelay $0x4  }
0x2bf: {  	[tilespmem:s21+$0x3C0] =	vst v0  }
0x2c0: {  	v0 =	vld [tilespmem:s23+$0x70];
	_ =	sdelay $0x4  }
0x2c1: {  	[tilespmem:s21+$0x3D0] =	vst v0  }
0x2c2: {  	v0 =	vld [tilespmem:s23+$0x80];
	_ =	sdelay $0x4  }
0x2c3: {  	[tilespmem:s21+$0x3E0] =	vst v0  }
0x2c4: {  	v0 =	vld [tilespmem:s23+$0x90];
	_ =	sdelay $0x4  }
0x2c5: {  	[tilespmem:s21+$0x3F0] =	vst v0  }
0x2c6: {  	v0 =	vld [tilespmem:s23+$0xA0];
	_ =	sdelay $0x4  }
0x2c7: {  	[tilespmem:s21+$0x400] =	vst v0  }
0x2c8: {  	v0 =	vld [tilespmem:s23+$0xB0];
	_ =	sdelay $0x4  }
0x2c9: {  	[tilespmem:s21+$0x410] =	vst v0  }
0x2ca: {  	v0 =	vld [tilespmem:s23+$0xC0];
	_ =	sdelay $0x4  }
0x2cb: {  	[tilespmem:s21+$0x420] =	vst v0  }
0x2cc: {  	v0 =	vld [tilespmem:s23+$0xD0];
	_ =	sdelay $0x4  }
0x2cd: {  	[tilespmem:s21+$0x430] =	vst v0  }
0x2ce: {  	v0 =	vld [tilespmem:s23+$0xE0];
	_ =	sdelay $0x4  }
0x2cf: {  	[tilespmem:s21+$0x7C0] =	vst v0  }
0x2d0: {  	v0 =	vld [tilespmem:s23+$0xF0];
	_ =	sdelay $0x4  }
0x2d1: {  	[tilespmem:s21+$0x7D0] =	vst v0  }
0x2d2: {  	v0 =	vld [tilespmem:s23+$0x100];
	_ =	sdelay $0x4  }
0x2d3: {  	[tilespmem:s21+$0x7E0] =	vst v0  }
0x2d4: {  	v0 =	vld [tilespmem:s23+$0x110];
	_ =	sdelay $0x4  }
0x2d5: {  	[tilespmem:s21+$0x7F0] =	vst v0  }
0x2d6: {  	v0 =	vld [tilespmem:s23+$0x120];
	_ =	sdelay $0x4  }
0x2d7: {  	[tilespmem:s21+$0x800] =	vst v0  }
0x2d8: {  	v0 =	vld [tilespmem:s23+$0x130];
	_ =	sdelay $0x4  }
0x2d9: {  	[tilespmem:s21+$0x810] =	vst v0  }
0x2da: {  	v0 =	vld [tilespmem:s23+$0x140];
	_ =	sdelay $0x4  }
0x2db: {  	[tilespmem:s21+$0x820] =	vst v0  }
0x2dc: {  	v0 =	vld [tilespmem:s23+$0x150];
	_ =	sdelay $0x4  }
0x2dd: {  	[tilespmem:s21+$0x830] =	vst v0  }
0x2de: {  	v0 =	vld [tilespmem:s23+$0x160];
	_ =	sdelay $0x4  }
0x2df: {  	[tilespmem:s21+$0xBC0] =	vst v0  }
0x2e0: {  	v0 =	vld [tilespmem:s23+$0x170];
	_ =	sdelay $0x4  }
0x2e1: {  	[tilespmem:s21+$0xBD0] =	vst v0  }
0x2e2: {  	v0 =	vld [tilespmem:s23+$0x180];
	_ =	sdelay $0x4  }
0x2e3: {  	[tilespmem:s21+$0xBE0] =	vst v0  }
0x2e4: {  	v0 =	vld [tilespmem:s23+$0x190];
	_ =	sdelay $0x2  }
0x2e5: {  	s30 =	sand.u32 $0x180, s24  }
0x2e6: {  	s31 =	sand.u32 $0x40, s24;
	s22 =	sadd.s32 s30, s22  }
0x2e7: {  	s22 =	sadd.s32 s31, s22;
	[tilespmem:s21+$0xBF0] =	vst v0  }
0x2e8: {  	v0 =	vld [tilespmem:s22+$0x0];
	_ =	sdelay $0x4  }
0x2e9: {  	[tilespmem:s21+$0xC00] =	vst v0  }
0x2ea: {  	v0 =	vld [tilespmem:s22+$0x10];
	_ =	sdelay $0x4  }
0x2eb: {  	[tilespmem:s21+$0xC10] =	vst v0  }
0x2ec: {  	v0 =	vld [tilespmem:s22+$0x20];
	_ =	sdelay $0x4  }
0x2ed: {  	[tilespmem:s21+$0xC20] =	vst v0  }
0x2ee: {  	v0 =	vld [tilespmem:s22+$0x30];
	_ =	sdelay $0x1  }
0x2ef: {  	s20 =	sadd.s32 s5, s20  }
0x2f0: {  	s19 =	sadd.s32 $0x1, s19;
	s20 =	smul.u32 $0x380, s20  }
0x2f1: {  	p0 =	sne.s32 s19, $0x20  }
.Ltmp2:
0x2f2: {  	s20 =	sadd.s32 s2, s20;
	[tilespmem:s21+$0xC30] =	vst v0;
	(pc) =	sbr.rel @p0 .LBB2_2-.Ltmp2, $4  }
0x2f3: {  	[hbm4b:s20+s3] =	stream.linear.scatter [tilespmem:s15], [sflag:$0x3], $0x1C00, $0x38;
	[tilespmem:$0x10400] =	vst v63  }
0x2f4: {  	_ =	swait.ge [sflag:s9], $0x1C00  }
0x2f5: {  	[sflag:s9] =	ssyncset.done $0x0  }
0x2f6: {  	s18 =	sadd.s32 $0x10, s18;
	[sflag:s9] =	ssyncadd.s32 $0xFFFFE400  }
0x2f7: {  	s17 =	sadd.s32 $0x1, s17  }
0x2f8: {  	p0 =	sne.s32 s17, s8  }
.Ltmp3:
0x2f9: {  	_ = 	snop;
	(pc) =	sbr.rel @p0 .LBB2_1-.Ltmp3, $1  }
0x2fa: {  	_ =	sdelay $0x3  }
0x2fb: {  	_ =	sfence.sel $0x180000  }
0x2fc: {  	[bflag:$0x0] =	sbarrier.arrive $0xFFFF  }
0x2fd: {  	p0 =	sne.s32 s0, $0x0;
	_ =	strace $0x9000004A  }
0x2fe: {  	s0 =	sadd.s32 @!p0 $0x100000, s1;
	[bflag:$0x2] =	sbarrier.arrive $0xFFFF  }
0x2ff: {  	[sflag:s0] =	ssyncadd.tile.s32 @!p0 $0x1;
	_ =	shalt  }
.Lfunc_end2:
_tile_overlayer_lowered:
.L_overlay_start_2:
0x300: {  	(tag) =	ssettag $0x2  }
0x301: {  	s0 =	rddreg [dreg:$0x0];
	s2 =	stileid.u32  }
0x302: {  	s1 =	rddreg [dreg:$0x1];
	p0 =	sne.s32 s2, $0x0  }
0x303: {  	s3 =	rddreg [dreg:$0x2];
	[bflag:$0x3] =	sbarrier.arrive $0xFFFF;
	s2 =	simm.s32 @!p0 $0x1C03  }
0x304: {  	[timem:s3], [sflag:s2] =	dma.local @!p0 [hbm:s0], s1  }
0x305: {  	s0 =	simm.s32 @!p0 $0x3  }
0x306: {  	_ =	swait.ge @!p0 [sflag:s0], s1  }
0x307: {  	s1 =	ssub.s32 @!p0 $0x0, s1;
	[sflag:s0] =	ssyncset.done @!p0 $0x0  }
0x308: {  	[sflag:s0] =	ssyncadd.s32 @!p0 s1  }
0x309: {  	[bflag:$0x3] =	sbarrier.arrive $0xFFFF  }
0x30a: {  	_ =	shalt  }

</sc_bundles>
